<compile_context>
chip_gen: v7x
topology: tpu7x:2x2x1
jax: 0.10.2.dev20260603
libtpu: 0.0.44.dev20260713+nightly
codegen_flags: <defaults>
</compile_context>

<pallas_src>
import functools

import jax
import jax.numpy as jnp
from jax import lax
from jax.experimental import pallas as pl
from jax.experimental.pallas import tpu as pltpu
from jax.experimental.pallas import tpu_sc as plsc

NUM_CLASSES = 100000
DIM = 128
BATCH = 4096
NUM_SAMPLED = 1000
S_PAD = 1024

_NW = 32
_TRUE_PER_W = BATCH // _NW
_SAMP_PER_W = S_PAD // _NW


def _log_uniform_prob(ids_f):
    return (jnp.log(ids_f + 2.0) - jnp.log(ids_f + 1.0)) / jnp.log(
        float(NUM_CLASSES) + 1.0
    )


def _draw_sampled_ids():
    ks = jax.random.key(42)
    u = jax.random.uniform(ks, (NUM_SAMPLED,), dtype=jnp.float32)
    ids = jnp.floor(jnp.exp(u * jnp.log(float(NUM_CLASSES) + 1.0))) - 1.0
    return jnp.clip(ids, 0, NUM_CLASSES - 1).astype(jnp.int32)




def _lane_shuffle(x, idx):
    return lax.gather(
        x,
        idx[:, None],
        lax.GatherDimensionNumbers(
            offset_dims=(), collapsed_slice_dims=(0,), start_index_map=(0,)
        ),
        slice_sizes=(1,),
        mode=lax.GatherScatterMode.PROMISE_IN_BOUNDS,
    )


def _sc_gather_dot(table, idx, embed):
    mesh = plsc.VectorSubcoreMesh(core_axis_name="c", subcore_axis_name="s")
    per_w = _TRUE_PER_W

    @functools.partial(
        pl.kernel,
        out_type=jax.ShapeDtypeStruct((BATCH,), jnp.float32),
        mesh=mesh,
        scratch_types=(
            pltpu.VMEM((per_w,), jnp.int32),
            pltpu.VMEM((per_w, DIM), jnp.float32),
            pltpu.VMEM((per_w, DIM), jnp.float32),
            pltpu.VMEM((per_w,), jnp.float32),
            pltpu.SemaphoreType.DMA,
            pltpu.SemaphoreType.DMA,
        ),
    )
    def gather_dot_kernel(
        table_hbm, idx_hbm, emb_hbm, out_hbm,
        idx_v, rows_v, emb_v, dot_v, sem_g, sem_e,
    ):
        wid = lax.axis_index("s") * 2 + lax.axis_index("c")
        base = wid * per_w
        ce = pltpu.async_copy(emb_hbm.at[pl.ds(base, per_w)], emb_v, sem_e)
        pltpu.sync_copy(idx_hbm.at[pl.ds(base, per_w)], idx_v)
        cg = pltpu.async_copy(table_hbm.at[idx_v], rows_v, sem_g)
        ce.wait()
        cg.wait()
        lane = lax.iota(jnp.int32, 16)

        def group(g, _):
            gbase = pl.multiple_of(g * 16, 16)
            vals = jnp.zeros((16,), jnp.float32)
            for j in range(16):
                r = gbase + j
                acc = emb_v[r, pl.ds(0, 16)] * rows_v[r, pl.ds(0, 16)]
                for c in range(1, DIM // 16):
                    acc = acc + (
                        emb_v[r, pl.ds(16 * c, 16)] * rows_v[r, pl.ds(16 * c, 16)]
                    )
                t = acc + _lane_shuffle(acc, lane ^ 1)
                t = t + _lane_shuffle(t, lane ^ 2)
                t = t + _lane_shuffle(t, lane ^ 4)
                t = t + _lane_shuffle(t, lane ^ 8)
                vals = jnp.where(lane == j, t, vals)
            dot_v[pl.ds(gbase, 16)] = vals
            return _

        lax.fori_loop(0, per_w // 16, group, None)
        pltpu.sync_copy(dot_v, out_hbm.at[pl.ds(base, per_w)])

    return gather_dot_kernel(table, idx, embed)


def _sc_gather(table, idx, n_rows, per_w):
    mesh = plsc.VectorSubcoreMesh(core_axis_name="c", subcore_axis_name="s")

    @functools.partial(
        pl.kernel,
        out_type=jax.ShapeDtypeStruct((n_rows, DIM), jnp.float32),
        mesh=mesh,
        scratch_types=(
            pltpu.VMEM((per_w,), jnp.int32),
            pltpu.VMEM((per_w, DIM), jnp.float32),
            pltpu.SemaphoreType.DMA,
        ),
    )
    def gather_kernel(table_hbm, idx_hbm, out_hbm, idx_v, rows_v, sem):
        wid = lax.axis_index("s") * 2 + lax.axis_index("c")
        base = wid * per_w
        pltpu.sync_copy(idx_hbm.at[pl.ds(base, per_w)], idx_v)
        pltpu.async_copy(table_hbm.at[idx_v], rows_v, sem).wait()
        pltpu.sync_copy(rows_v, out_hbm.at[pl.ds(base, per_w)])

    return gather_kernel(table, idx)


_BLK = 1024


_SHIFT = 32.0


def _tc_matmul_body(embed_ref, sampw_ref, lbl_ref, sid_ref, soff_ref, z_ref):
    i = pl.program_id(0)
    n_steps = BATCH // _BLK
    e = embed_ref[...].astype(jnp.bfloat16)
    sw = sampw_ref[...].astype(jnp.bfloat16)
    s = lax.dot_general(
        sw, e, (((1,), (1,)), ((), ())), preferred_element_type=jnp.float32
    )
    row_mask = lax.broadcasted_iota(jnp.int32, (n_steps, _BLK), 0) == i
    lbl_row = jnp.sum(
        jnp.where(row_mask, lbl_ref[...], 0), axis=0, keepdims=True
    )
    hit = lbl_row == sid_ref[...]
    ez = jnp.where(hit, 0.0, jnp.exp(s + soff_ref[...]))
    z = jnp.sum(ez, axis=0, keepdims=True)
    z_ref[...] = jnp.where(row_mask, z, z_ref[...])


def _tc_combine_body(tdot_ref, lbl_ref, z_ref, out_ref):
    lf = lbl_ref[...].astype(jnp.float32)
    true_expected = _log_uniform_prob(lf) * float(NUM_SAMPLED)
    t = tdot_ref[...] - jnp.log(true_expected)
    z = z_ref[...].reshape(BATCH)
    m = jnp.maximum(t, _SHIFT)
    lse = jnp.log(jnp.exp(t - m) + z * jnp.exp(_SHIFT - m)) + m
    out_ref[...] = lse - t


def kernel(softmax_weights, embed, label_idx, zero_bias):
    del zero_bias
    labels = label_idx.reshape(-1)
    lbl_rows = labels.reshape(BATCH // _BLK, _BLK)

    sampled_ids = _draw_sampled_ids()
    samp_idx_pad = jnp.concatenate(
        [sampled_ids, jnp.zeros((S_PAD - NUM_SAMPLED,), jnp.int32)]
    )
    sid_mask = jnp.concatenate(
        [sampled_ids, jnp.full((S_PAD - NUM_SAMPLED,), -1, jnp.int32)]
    ).reshape(S_PAD, 1)
    sampled_expected = _log_uniform_prob(
        sampled_ids.astype(jnp.float32)
    ) * float(NUM_SAMPLED)
    soff = jnp.concatenate(
        [-jnp.log(sampled_expected) - _SHIFT,
         jnp.full((S_PAD - NUM_SAMPLED,), -1e30, jnp.float32)]
    ).reshape(S_PAD, 1)

    samp_w = _sc_gather(softmax_weights, samp_idx_pad, S_PAD, _SAMP_PER_W)
    t_dot = _sc_gather_dot(softmax_weights, labels, embed)

    n_steps = BATCH // _BLK
    grid = (n_steps,)
    z_s = pl.pallas_call(
        _tc_matmul_body,
        grid=grid,
        in_specs=[
            pl.BlockSpec((_BLK, DIM), lambda i: (i, 0)),
            pl.BlockSpec((S_PAD, DIM), lambda i: (0, 0)),
            pl.BlockSpec((BATCH // _BLK, _BLK), lambda i: (0, 0)),
            pl.BlockSpec((S_PAD, 1), lambda i: (0, 0)),
            pl.BlockSpec((S_PAD, 1), lambda i: (0, 0)),
        ],
        out_specs=pl.BlockSpec((BATCH // _BLK, _BLK), lambda i: (0, 0)),
        out_shape=jax.ShapeDtypeStruct((n_steps, _BLK), jnp.float32),
    )(embed, samp_w, lbl_rows, sid_mask, soff)


    loss = pl.pallas_call(
        _tc_combine_body,
        out_shape=jax.ShapeDtypeStruct((BATCH,), jnp.float32),
    )(t_dot, labels, z_s)

    return loss

# --- scband reference (transcript-rebuilt; emitter-appended) ---
"""Pipeline reference for scband-sampled-softmax-layer-81939386073131 (READ-ONLY COPY).

The authoritative reference and input builder live on the scoring server;
editing this copy changes nothing except your own understanding.
"""

import jax, jax.numpy as jnp
import numpy as np

NUM_CLASSES = 100000
DIM = 128
BATCH = 4096
NUM_SAMPLED = 1000


def setup_inputs(seed: int = 0) -> dict:
    key = jax.random.key(seed)
    k1, k2, k3 = jax.random.split(key, 3)
    softmax_weights = jax.random.normal(k1, (NUM_CLASSES, DIM), dtype=jnp.float32) * 0.05
    embed = jax.random.normal(k2, (BATCH, DIM), dtype=jnp.float32)
    label_idx = jax.random.randint(k3, (BATCH, 1), 0, NUM_CLASSES).astype(jnp.int32)
    zero_bias = jnp.zeros((NUM_CLASSES,), dtype=jnp.float32)
    return {"softmax_weights": softmax_weights, "embed": embed, "label_idx": label_idx, "zero_bias": zero_bias}


def _log_uniform_prob(ids):
    # P(c) = (log(c+2) - log(c+1)) / log(NUM_CLASSES + 1), the TF log-uniform candidate sampler distribution
    ids_f = ids.astype(jnp.float32)
    return (jnp.log(ids_f + 2.0) - jnp.log(ids_f + 1.0)) / jnp.log(float(NUM_CLASSES) + 1.0)


def _draw_sampled_ids():
    # deterministic log-uniform candidate draw (stand-in for tf log_uniform_candidate_sampler)
    ks = jax.random.key(42)
    u = jax.random.uniform(ks, (NUM_SAMPLED,), dtype=jnp.float32)
    ids = jnp.floor(jnp.exp(u * jnp.log(float(NUM_CLASSES) + 1.0))) - 1.0
    return jnp.clip(ids, 0, NUM_CLASSES - 1).astype(jnp.int32)


def reference(softmax_weights, embed, label_idx, zero_bias):
    # faithful jax port of tf.nn.sampled_softmax_loss (remove_accidental_hits=True)
    labels_flat = label_idx.reshape(-1)
    sampled_ids = _draw_sampled_ids()

    true_expected = _log_uniform_prob(labels_flat) * float(NUM_SAMPLED)
    sampled_expected = _log_uniform_prob(sampled_ids) * float(NUM_SAMPLED)

    # gather true-class rows
    true_w = jnp.take(softmax_weights, labels_flat, axis=0)          # [B, d]
    true_b = jnp.take(zero_bias, labels_flat, axis=0)                # [B]
    true_logits = jnp.sum(embed * true_w, axis=-1) + true_b - jnp.log(true_expected)

    # gather sampled rows and compute sampled logits
    sampled_w = jnp.take(softmax_weights, sampled_ids, axis=0)       # [S, d]
    sampled_b = jnp.take(zero_bias, sampled_ids, axis=0)             # [S]
    sampled_logits = embed @ sampled_w.T + sampled_b[None, :] - jnp.log(sampled_expected)[None, :]

    # remove accidental hits
    hit = labels_flat[:, None] == sampled_ids[None, :]
    sampled_logits = jnp.where(hit, sampled_logits - 1e9, sampled_logits)

    logits = jnp.concatenate([true_logits[:, None], sampled_logits], axis=1)  # [B, 1+S]
    # softmax cross entropy with one-hot label at column 0
    m = jnp.max(logits, axis=1, keepdims=True)
    lse = jnp.log(jnp.sum(jnp.exp(logits - m), axis=1)) + m[:, 0]
    loss = lse - logits[:, 0]
    return loss

if __name__ == "__main__":
    import jax
    _d = setup_inputs()
    print(jax.jit(kernel)(*tuple(_d.values())))

</pallas_src>

<mosaic_0001>
#map = affine_map<(d0, d1) -> (0, 0)>
#map1 = affine_map<(d0, d1) -> (0)>
module attributes {stable_mosaic.version = 14 : i64} {
  func.func @gather_dot_kernel(%arg0: i32, %arg1: i32, %arg2: memref<100000x128xf32, #tpu.memory_space<hbm>>, %arg3: memref<4096xi32, #tpu.memory_space<hbm>>, %arg4: memref<4096x128xf32, #tpu.memory_space<hbm>>, %arg5: memref<4096xf32, #tpu.memory_space<hbm>>, %arg6: memref<128xi32, #tpu.memory_space<vmem>>, %arg7: memref<128x128xf32, #tpu.memory_space<vmem>>, %arg8: memref<128x128xf32, #tpu.memory_space<vmem>>, %arg9: memref<128xf32, #tpu.memory_space<vmem>>, %arg10: memref<!tpu.dma_semaphore, #tpu.memory_space<semaphore_mem>>, %arg11: memref<!tpu.dma_semaphore, #tpu.memory_space<semaphore_mem>>) attributes {dimension_semantics = [#tpu.dimension_semantics<core_parallel>, #tpu.dimension_semantics<subcore_parallel>], iteration_bounds = array<i64: 2, 16>, scalar_prefetch = 0 : i64, scratch_operands = 6 : i64, tpu.core_type = #tpu.core_type<sc_vector_subcore>, window_params = [{transform_indices = #map}, {transform_indices = #map1}, {transform_indices = #map}, {transform_indices = #map1}]} {
    %mul3A = arith.constant 2 : i32
    %mul3A_0 = arith.muli %arg1, %mul3A : i32
    %add3A = arith.addi %mul3A_0, %arg0 : i32
    %mul3A_1 = arith.constant 128 : i32
    %mul3A_2 = arith.muli %add3A, %mul3A_1 : i32
    %dma_start3A = arith.constant 0 : i32
    %dma_start3A_3 = tpu.memref_slice %arg4[%mul3A_2, %dma_start3A] : memref<4096x128xf32, #tpu.memory_space<hbm>> -> memref<128x128xf32, #tpu.memory_space<hbm>>
    %dma_start3A_4 = arith.constant 0 : i32
    %dma_start3A_5 = tpu.memref_slice %arg4[%mul3A_2, %dma_start3A_4] : memref<4096x128xf32, #tpu.memory_space<hbm>> -> memref<128x128xf32, #tpu.memory_space<hbm>>
    tpu.enqueue_dma source(%dma_start3A_5 : memref<128x128xf32, #tpu.memory_space<hbm>>) target(%arg8 : memref<128x128xf32, #tpu.memory_space<vmem>>) target_semaphore(%arg11 : memref<!tpu.dma_semaphore, #tpu.memory_space<semaphore_mem>>)
    "tpu.region"() ({
      %run_scoped3A = tpu.sem_alloc : memref<!tpu.dma_semaphore, #tpu.memory_space<semaphore_mem>>
      %dma_start3A_19 = tpu.memref_slice %arg3[%mul3A_2] : memref<4096xi32, #tpu.memory_space<hbm>> -> memref<128xi32, #tpu.memory_space<hbm>>
      %dma_start3A_20 = tpu.memref_slice %arg3[%mul3A_2] : memref<4096xi32, #tpu.memory_space<hbm>> -> memref<128xi32, #tpu.memory_space<hbm>>
      tpu.enqueue_dma source(%dma_start3A_20 : memref<128xi32, #tpu.memory_space<hbm>>) target(%arg6 : memref<128xi32, #tpu.memory_space<vmem>>) target_semaphore(%run_scoped3A : memref<!tpu.dma_semaphore, #tpu.memory_space<semaphore_mem>>)
      %dma_wait3A_21 = tpu.memref_slice %arg3[%mul3A_2] : memref<4096xi32, #tpu.memory_space<hbm>> -> memref<128xi32, #tpu.memory_space<hbm>>
      %dma_wait3A_22 = tpu.memref_slice %arg3[%mul3A_2] : memref<4096xi32, #tpu.memory_space<hbm>> -> memref<128xi32, #tpu.memory_space<hbm>>
      tpu.wait_dma2 semaphore(%run_scoped3A : memref<!tpu.dma_semaphore, #tpu.memory_space<semaphore_mem>>) src(%dma_wait3A_22 : memref<128xi32, #tpu.memory_space<hbm>>) dst(%arg6 : memref<128xi32, #tpu.memory_space<vmem>>)
      tpu.yield
    }) : () -> ()
    %dma_start3A_6 = arith.constant 0 : i32
    %dma_start3A_7 = arith.constant 0 : i32
    %dma_start3A_8 = tpu.memref_slice %arg2[%dma_start3A_6, %dma_start3A_7] : memref<100000x128xf32, #tpu.memory_space<hbm>> -> memref<100000x128xf32, #tpu.memory_space<hbm>>
    tpu.enqueue_indirect_dma source(%dma_start3A_8 : memref<100000x128xf32, #tpu.memory_space<hbm>>) target(%arg7 : memref<128x128xf32, #tpu.memory_space<vmem>>) offsets(%arg6 : memref<128xi32, #tpu.memory_space<vmem>>) semaphore(%arg10 : memref<!tpu.dma_semaphore, #tpu.memory_space<semaphore_mem>>)
    %dma_wait3A = arith.constant 0 : i32
    %dma_wait3A_9 = tpu.memref_slice %arg4[%mul3A_2, %dma_wait3A] : memref<4096x128xf32, #tpu.memory_space<hbm>> -> memref<128x128xf32, #tpu.memory_space<hbm>>
    %dma_wait3A_10 = arith.constant 0 : i32
    %dma_wait3A_11 = tpu.memref_slice %arg4[%mul3A_2, %dma_wait3A_10] : memref<4096x128xf32, #tpu.memory_space<hbm>> -> memref<128x128xf32, #tpu.memory_space<hbm>>
    tpu.wait_dma2 semaphore(%arg11 : memref<!tpu.dma_semaphore, #tpu.memory_space<semaphore_mem>>) src(%dma_wait3A_11 : memref<128x128xf32, #tpu.memory_space<hbm>>) dst(%arg8 : memref<128x128xf32, #tpu.memory_space<vmem>>)
    %dma_wait3A_12 = arith.constant 0 : i32
    %dma_wait3A_13 = arith.constant 0 : i32
    %dma_wait3A_14 = tpu.memref_slice %arg2[%dma_wait3A_12, %dma_wait3A_13] : memref<100000x128xf32, #tpu.memory_space<hbm>> -> memref<100000x128xf32, #tpu.memory_space<hbm>>
    tpu.wait_indirect_dma semaphore(%arg10 : memref<!tpu.dma_semaphore, #tpu.memory_space<semaphore_mem>>) src(%dma_wait3A_14 : memref<100000x128xf32, #tpu.memory_space<hbm>>) dst(%arg7 : memref<128x128xf32, #tpu.memory_space<vmem>>)
    %iota3A = tpu.iota {dimensions = array<i32: 0>} : vector<16xi32>
    %scan3A = arith.constant 0 : i32
    %scan3A_15 = arith.constant 8 : i32
    %scan3A_16 = arith.addi %scan3A, %scan3A_15 : i32
    %scan3A_17 = arith.constant 1 : i32
    scf.for %scan3A_19 = %scan3A to %scan3A_16 step %scan3A_17  : i32 {
      %mul3A_20 = arith.constant 16 : i32
      %mul3A_21 = arith.muli %scan3A_19, %mul3A_20 : i32
      %multiple_of3A = tpu.assume_multiple %mul3A_21, 16 : i32
      %broadcast_in_dim3A = arith.constant 0.000000e+00 : f32
      %broadcast_in_dim3A_22 = vector.broadcast %broadcast_in_dim3A : f32 to vector<16xf32>
      %add3A_23 = arith.constant 0 : i32
      %add3A_24 = arith.addi %multiple_of3A, %add3A_23 : i32
      %get3A = arith.index_cast %add3A_24 : i32 to index
      %get3A_25 = arith.constant 0 : index
      %get3A_26 = tpu.vector_load %arg8[%get3A, %get3A_25] {strides = array<i32>} : memref<128x128xf32, #tpu.memory_space<vmem>>, vector<1x16xf32>,
      %get3A_27 = vector.shape_cast %get3A_26 : vector<1x16xf32> to vector<16xf32>
      %get3A_28 = arith.index_cast %add3A_24 : i32 to index
      %get3A_29 = arith.constant 0 : index
      %get3A_30 = tpu.vector_load %arg7[%get3A_28, %get3A_29] {strides = array<i32>} : memref<128x128xf32, #tpu.memory_space<vmem>>, vector<1x16xf32>,
      %get3A_31 = vector.shape_cast %get3A_30 : vector<1x16xf32> to vector<16xf32>
      %mul3A_32 = arith.mulf %get3A_27, %get3A_31 : vector<16xf32>
      %get3A_33 = arith.index_cast %add3A_24 : i32 to index
      %get3A_34 = arith.constant 16 : index
      %get3A_35 = tpu.vector_load %arg8[%get3A_33, %get3A_34] {strides = array<i32>} : memref<128x128xf32, #tpu.memory_space<vmem>>, vector<1x16xf32>,
      %get3A_36 = vector.shape_cast %get3A_35 : vector<1x16xf32> to vector<16xf32>
      %get3A_37 = arith.index_cast %add3A_24 : i32 to index
      %get3A_38 = arith.constant 16 : index
      %get3A_39 = tpu.vector_load %arg7[%get3A_37, %get3A_38] {strides = array<i32>} : memref<128x128xf32, #tpu.memory_space<vmem>>, vector<1x16xf32>,
      %get3A_40 = vector.shape_cast %get3A_39 : vector<1x16xf32> to vector<16xf32>
      %mul3A_41 = arith.mulf %get3A_36, %get3A_40 : vector<16xf32>
      %add3A_42 = arith.addf %mul3A_32, %mul3A_41 : vector<16xf32>
      %get3A_43 = arith.index_cast %add3A_24 : i32 to index
      %get3A_44 = arith.constant 32 : index
      %get3A_45 = tpu.vector_load %arg8[%get3A_43, %get3A_44] {strides = array<i32>} : memref<128x128xf32, #tpu.memory_space<vmem>>, vector<1x16xf32>,
      %get3A_46 = vector.shape_cast %get3A_45 : vector<1x16xf32> to vector<16xf32>
      %get3A_47 = arith.index_cast %add3A_24 : i32 to index
      %get3A_48 = arith.constant 32 : index
      %get3A_49 = tpu.vector_load %arg7[%get3A_47, %get3A_48] {strides = array<i32>} : memref<128x128xf32, #tpu.memory_space<vmem>>, vector<1x16xf32>,
      %get3A_50 = vector.shape_cast %get3A_49 : vector<1x16xf32> to vector<16xf32>
      %mul3A_51 = arith.mulf %get3A_46, %get3A_50 : vector<16xf32>
      %add3A_52 = arith.addf %add3A_42, %mul3A_51 : vector<16xf32>
      %get3A_53 = arith.index_cast %add3A_24 : i32 to index
      %get3A_54 = arith.constant 48 : index
      %get3A_55 = tpu.vector_load %arg8[%get3A_53, %get3A_54] {strides = array<i32>} : memref<128x128xf32, #tpu.memory_space<vmem>>, vector<1x16xf32>,
      %get3A_56 = vector.shape_cast %get3A_55 : vector<1x16xf32> to vector<16xf32>
      %get3A_57 = arith.index_cast %add3A_24 : i32 to index
      %get3A_58 = arith.constant 48 : index
      %get3A_59 = tpu.vector_load %arg7[%get3A_57, %get3A_58] {strides = array<i32>} : memref<128x128xf32, #tpu.memory_space<vmem>>, vector<1x16xf32>,
      %get3A_60 = vector.shape_cast %get3A_59 : vector<1x16xf32> to vector<16xf32>
      %mul3A_61 = arith.mulf %get3A_56, %get3A_60 : vector<16xf32>
      %add3A_62 = arith.addf %add3A_52, %mul3A_61 : vector<16xf32>
      %get3A_63 = arith.index_cast %add3A_24 : i32 to index
      %get3A_64 = arith.constant 64 : index
      %get3A_65 = tpu.vector_load %arg8[%get3A_63, %get3A_64] {strides = array<i32>} : memref<128x128xf32, #tpu.memory_space<vmem>>, vector<1x16xf32>,
      %get3A_66 = vector.shape_cast %get3A_65 : vector<1x16xf32> to vector<16xf32>
      %get3A_67 = arith.index_cast %add3A_24 : i32 to index
      %get3A_68 = arith.constant 64 : index
      %get3A_69 = tpu.vector_load %arg7[%get3A_67, %get3A_68] {strides = array<i32>} : memref<128x128xf32, #tpu.memory_space<vmem>>, vector<1x16xf32>,
      %get3A_70 = vector.shape_cast %get3A_69 : vector<1x16xf32> to vector<16xf32>
      %mul3A_71 = arith.mulf %get3A_66, %get3A_70 : vector<16xf32>
      %add3A_72 = arith.addf %add3A_62, %mul3A_71 : vector<16xf32>
      %get3A_73 = arith.index_cast %add3A_24 : i32 to index
      %get3A_74 = arith.constant 80 : index
      %get3A_75 = tpu.vector_load %arg8[%get3A_73, %get3A_74] {strides = array<i32>} : memref<128x128xf32, #tpu.memory_space<vmem>>, vector<1x16xf32>,
      %get3A_76 = vector.shape_cast %get3A_75 : vector<1x16xf32> to vector<16xf32>
      %get3A_77 = arith.index_cast %add3A_24 : i32 to index
      %get3A_78 = arith.constant 80 : index
      %get3A_79 = tpu.vector_load %arg7[%get3A_77, %get3A_78] {strides = array<i32>} : memref<128x128xf32, #tpu.memory_space<vmem>>, vector<1x16xf32>,
      %get3A_80 = vector.shape_cast %get3A_79 : vector<1x16xf32> to vector<16xf32>
      %mul3A_81 = arith.mulf %get3A_76, %get3A_80 : vector<16xf32>
      %add3A_82 = arith.addf %add3A_72, %mul3A_81 : vector<16xf32>
      %get3A_83 = arith.index_cast %add3A_24 : i32 to index
      %get3A_84 = arith.constant 96 : index
      %get3A_85 = tpu.vector_load %arg8[%get3A_83, %get3A_84] {strides = array<i32>} : memref<128x128xf32, #tpu.memory_space<vmem>>, vector<1x16xf32>,
      %get3A_86 = vector.shape_cast %get3A_85 : vector<1x16xf32> to vector<16xf32>
      %get3A_87 = arith.index_cast %add3A_24 : i32 to index
      %get3A_88 = arith.constant 96 : index
      %get3A_89 = tpu.vector_load %arg7[%get3A_87, %get3A_88] {strides = array<i32>} : memref<128x128xf32, #tpu.memory_space<vmem>>, vector<1x16xf32>,
      %get3A_90 = vector.shape_cast %get3A_89 : vector<1x16xf32> to vector<16xf32>
      %mul3A_91 = arith.mulf %get3A_86, %get3A_90 : vector<16xf32>
      %add3A_92 = arith.addf %add3A_82, %mul3A_91 : vector<16xf32>
      %get3A_93 = arith.index_cast %add3A_24 : i32 to index
      %get3A_94 = arith.constant 112 : index
      %get3A_95 = tpu.vector_load %arg8[%get3A_93, %get3A_94] {strides = array<i32>} : memref<128x128xf32, #tpu.memory_space<vmem>>, vector<1x16xf32>,
      %get3A_96 = vector.shape_cast %get3A_95 : vector<1x16xf32> to vector<16xf32>
      %get3A_97 = arith.index_cast %add3A_24 : i32 to index
      %get3A_98 = arith.constant 112 : index
      %get3A_99 = tpu.vector_load %arg7[%get3A_97, %get3A_98] {strides = array<i32>} : memref<128x128xf32, #tpu.memory_space<vmem>>, vector<1x16xf32>,
      %get3A_100 = vector.shape_cast %get3A_99 : vector<1x16xf32> to vector<16xf32>
      %mul3A_101 = arith.mulf %get3A_96, %get3A_100 : vector<16xf32>
      %add3A_102 = arith.addf %add3A_92, %mul3A_101 : vector<16xf32>
      %xor3A = arith.constant 1 : i32
      %xor3A_103 = vector.broadcast %xor3A : i32 to vector<16xi32>
      %xor3A_104 = arith.xori %iota3A, %xor3A_103 : vector<16xi32>
      %broadcast_in_dim3A_105 = vector.shape_cast %xor3A_104 : vector<16xi32> to vector<16x1xi32>
      %gather3A = vector.shape_cast %broadcast_in_dim3A_105 : vector<16x1xi32> to vector<16xi32>
      %gather3A_106 = tpu.dynamic_gather %add3A_102[%gather3A] in [0] : vector<16xf32>, vector<16xi32> -> vector<16xf32>
      %add3A_107 = arith.addf %add3A_102, %gather3A_106 : vector<16xf32>
      %xor3A_108 = arith.constant 2 : i32
      %xor3A_109 = vector.broadcast %xor3A_108 : i32 to vector<16xi32>
      %xor3A_110 = arith.xori %iota3A, %xor3A_109 : vector<16xi32>
      %broadcast_in_dim3A_111 = vector.shape_cast %xor3A_110 : vector<16xi32> to vector<16x1xi32>
      %gather3A_112 = vector.shape_cast %broadcast_in_dim3A_111 : vector<16x1xi32> to vector<16xi32>
      %gather3A_113 = tpu.dynamic_gather %add3A_107[%gather3A_112] in [0] : vector<16xf32>, vector<16xi32> -> vector<16xf32>
      %add3A_114 = arith.addf %add3A_107, %gather3A_113 : vector<16xf32>
      %xor3A_115 = arith.constant 4 : i32
      %xor3A_116 = vector.broadcast %xor3A_115 : i32 to vector<16xi32>
      %xor3A_117 = arith.xori %iota3A, %xor3A_116 : vector<16xi32>
      %broadcast_in_dim3A_118 = vector.shape_cast %xor3A_117 : vector<16xi32> to vector<16x1xi32>
      %gather3A_119 = vector.shape_cast %broadcast_in_dim3A_118 : vector<16x1xi32> to vector<16xi32>
      %gather3A_120 = tpu.dynamic_gather %add3A_114[%gather3A_119] in [0] : vector<16xf32>, vector<16xi32> -> vector<16xf32>
      %add3A_121 = arith.addf %add3A_114, %gather3A_120 : vector<16xf32>
      %xor3A_122 = arith.constant 8 : i32
      %xor3A_123 = vector.broadcast %xor3A_122 : i32 to vector<16xi32>
      %xor3A_124 = arith.xori %iota3A, %xor3A_123 : vector<16xi32>
      %broadcast_in_dim3A_125 = vector.shape_cast %xor3A_124 : vector<16xi32> to vector<16x1xi32>
      %gather3A_126 = vector.shape_cast %broadcast_in_dim3A_125 : vector<16x1xi32> to vector<16xi32>
      %gather3A_127 = tpu.dynamic_gather %add3A_121[%gather3A_126] in [0] : vector<16xf32>, vector<16xi32> -> vector<16xf32>
      %add3A_128 = arith.addf %add3A_121, %gather3A_127 : vector<16xf32>
      %eq3A = arith.constant 0 : i32
      %eq3A_129 = vector.broadcast %eq3A : i32 to vector<16xi32>
      %eq3A_130 = arith.cmpi eq, %iota3A, %eq3A_129 : vector<16xi32>
      %select_n3A = arith.select %eq3A_130, %add3A_128, %broadcast_in_dim3A_22 : vector<16xi1>, vector<16xf32>
      %add3A_131 = arith.constant 1 : i32
      %add3A_132 = arith.addi %multiple_of3A, %add3A_131 : i32
      %get3A_133 = arith.index_cast %add3A_132 : i32 to index
      %get3A_134 = arith.constant 0 : index
      %get3A_135 = tpu.vector_load %arg8[%get3A_133, %get3A_134] {strides = array<i32>} : memref<128x128xf32, #tpu.memory_space<vmem>>, vector<1x16xf32>,
      %get3A_136 = vector.shape_cast %get3A_135 : vector<1x16xf32> to vector<16xf32>
      %get3A_137 = arith.index_cast %add3A_132 : i32 to index
      %get3A_138 = arith.constant 0 : index
      %get3A_139 = tpu.vector_load %arg7[%get3A_137, %get3A_138] {strides = array<i32>} : memref<128x128xf32, #tpu.memory_space<vmem>>, vector<1x16xf32>,
      %get3A_140 = vector.shape_cast %get3A_139 : vector<1x16xf32> to vector<16xf32>
      %mul3A_141 = arith.mulf %get3A_136, %get3A_140 : vector<16xf32>
      %get3A_142 = arith.index_cast %add3A_132 : i32 to index
      %get3A_143 = arith.constant 16 : index
      %get3A_144 = tpu.vector_load %arg8[%get3A_142, %get3A_143] {strides = array<i32>} : memref<128x128xf32, #tpu.memory_space<vmem>>, vector<1x16xf32>,
      %get3A_145 = vector.shape_cast %get3A_144 : vector<1x16xf32> to vector<16xf32>
      %get3A_146 = arith.index_cast %add3A_132 : i32 to index
      %get3A_147 = arith.constant 16 : index
      %get3A_148 = tpu.vector_load %arg7[%get3A_146, %get3A_147] {strides = array<i32>} : memref<128x128xf32, #tpu.memory_space<vmem>>, vector<1x16xf32>,
      %get3A_149 = vector.shape_cast %get3A_148 : vector<1x16xf32> to vector<16xf32>
      %mul3A_150 = arith.mulf %get3A_145, %get3A_149 : vector<16xf32>
      %add3A_151 = arith.addf %mul3A_141, %mul3A_150 : vector<16xf32>
      %get3A_152 = arith.index_cast %add3A_132 : i32 to index
      %get3A_153 = arith.constant 32 : index
      %get3A_154 = tpu.vector_load %arg8[%get3A_152, %get3A_153] {strides = array<i32>} : memref<128x128xf32, #tpu.memory_space<vmem>>, vector<1x16xf32>,
      %get3A_155 = vector.shape_cast %get3A_154 : vector<1x16xf32> to vector<16xf32>
      %get3A_156 = arith.index_cast %add3A_132 : i32 to index
      %get3A_157 = arith.constant 32 : index
      %get3A_158 = tpu.vector_load %arg7[%get3A_156, %get3A_157] {strides = array<i32>} : memref<128x128xf32, #tpu.memory_space<vmem>>, vector<1x16xf32>,
      %get3A_159 = vector.shape_cast %get3A_158 : vector<1x16xf32> to vector<16xf32>
      %mul3A_160 = arith.mulf %get3A_155, %get3A_159 : vector<16xf32>
      %add3A_161 = arith.addf %add3A_151, %mul3A_160 : vector<16xf32>
      %get3A_162 = arith.index_cast %add3A_132 : i32 to index
      %get3A_163 = arith.constant 48 : index
      %get3A_164 = tpu.vector_load %arg8[%get3A_162, %get3A_163] {strides = array<i32>} : memref<128x128xf32, #tpu.memory_space<vmem>>, vector<1x16xf32>,
      %get3A_165 = vector.shape_cast %get3A_164 : vector<1x16xf32> to vector<16xf32>
      %get3A_166 = arith.index_cast %add3A_132 : i32 to index
      %get3A_167 = arith.constant 48 : index
      %get3A_168 = tpu.vector_load %arg7[%get3A_166, %get3A_167] {strides = array<i32>} : memref<128x128xf32, #tpu.memory_space<vmem>>, vector<1x16xf32>,
      %get3A_169 = vector.shape_cast %get3A_168 : vector<1x16xf32> to vector<16xf32>
      %mul3A_170 = arith.mulf %get3A_165, %get3A_169 : vector<16xf32>
      %add3A_171 = arith.addf %add3A_161, %mul3A_170 : vector<16xf32>
      %get3A_172 = arith.index_cast %add3A_132 : i32 to index
      %get3A_173 = arith.constant 64 : index
      %get3A_174 = tpu.vector_load %arg8[%get3A_172, %get3A_173] {strides = array<i32>} : memref<128x128xf32, #tpu.memory_space<vmem>>, vector<1x16xf32>,
      %get3A_175 = vector.shape_cast %get3A_174 : vector<1x16xf32> to vector<16xf32>
      %get3A_176 = arith.index_cast %add3A_132 : i32 to index
      %get3A_177 = arith.constant 64 : index
      %get3A_178 = tpu.vector_load %arg7[%get3A_176, %get3A_177] {strides = array<i32>} : memref<128x128xf32, #tpu.memory_space<vmem>>, vector<1x16xf32>,
      %get3A_179 = vector.shape_cast %get3A_178 : vector<1x16xf32> to vector<16xf32>
      %mul3A_180 = arith.mulf %get3A_175, %get3A_179 : vector<16xf32>
      %add3A_181 = arith.addf %add3A_171, %mul3A_180 : vector<16xf32>
      %get3A_182 = arith.index_cast %add3A_132 : i32 to index
      %get3A_183 = arith.constant 80 : index
      %get3A_184 = tpu.vector_load %arg8[%get3A_182, %get3A_183] {strides = array<i32>} : memref<128x128xf32, #tpu.memory_space<vmem>>, vector<1x16xf32>,
      %get3A_185 = vector.shape_cast %get3A_184 : vector<1x16xf32> to vector<16xf32>
      %get3A_186 = arith.index_cast %add3A_132 : i32 to index
      %get3A_187 = arith.constant 80 : index
      %get3A_188 = tpu.vector_load %arg7[%get3A_186, %get3A_187] {strides = array<i32>} : memref<128x128xf32, #tpu.memory_space<vmem>>, vector<1x16xf32>,
      %get3A_189 = vector.shape_cast %get3A_188 : vector<1x16xf32> to vector<16xf32>
      %mul3A_190 = arith.mulf %get3A_185, %get3A_189 : vector<16xf32>
      %add3A_191 = arith.addf %add3A_181, %mul3A_190 : vector<16xf32>
      %get3A_192 = arith.index_cast %add3A_132 : i32 to index
      %get3A_193 = arith.constant 96 : index
      %get3A_194 = tpu.vector_load %arg8[%get3A_192, %get3A_193] {strides = array<i32>} : memref<128x128xf32, #tpu.memory_space<vmem>>, vector<1x16xf32>,
      %get3A_195 = vector.shape_cast %get3A_194 : vector<1x16xf32> to vector<16xf32>
      %get3A_196 = arith.index_cast %add3A_132 : i32 to index
      %get3A_197 = arith.constant 96 : index
      %get3A_198 = tpu.vector_load %arg7[%get3A_196, %get3A_197] {strides = array<i32>} : memref<128x128xf32, #tpu.memory_space<vmem>>, vector<1x16xf32>,
      %get3A_199 = vector.shape_cast %get3A_198 : vector<1x16xf32> to vector<16xf32>
      %mul3A_200 = arith.mulf %get3A_195, %get3A_199 : vector<16xf32>
      %add3A_201 = arith.addf %add3A_191, %mul3A_200 : vector<16xf32>
      %get3A_202 = arith.index_cast %add3A_132 : i32 to index
      %get3A_203 = arith.constant 112 : index
      %get3A_204 = tpu.vector_load %arg8[%get3A_202, %get3A_203] {strides = array<i32>} : memref<128x128xf32, #tpu.memory_space<vmem>>, vector<1x16xf32>,
      %get3A_205 = vector.shape_cast %get3A_204 : vector<1x16xf32> to vector<16xf32>
      %get3A_206 = arith.index_cast %add3A_132 : i32 to index
      %get3A_207 = arith.constant 112 : index
      %get3A_208 = tpu.vector_load %arg7[%get3A_206, %get3A_207] {strides = array<i32>} : memref<128x128xf32, #tpu.memory_space<vmem>>, vector<1x16xf32>,
      %get3A_209 = vector.shape_cast %get3A_208 : vector<1x16xf32> to vector<16xf32>
      %mul3A_210 = arith.mulf %get3A_205, %get3A_209 : vector<16xf32>
      %add3A_211 = arith.addf %add3A_201, %mul3A_210 : vector<16xf32>
      %xor3A_212 = arith.constant 1 : i32
      %xor3A_213 = vector.broadcast %xor3A_212 : i32 to vector<16xi32>
      %xor3A_214 = arith.xori %iota3A, %xor3A_213 : vector<16xi32>
      %broadcast_in_dim3A_215 = vector.shape_cast %xor3A_214 : vector<16xi32> to vector<16x1xi32>
      %gather3A_216 = vector.shape_cast %broadcast_in_dim3A_215 : vector<16x1xi32> to vector<16xi32>
      %gather3A_217 = tpu.dynamic_gather %add3A_211[%gather3A_216] in [0] : vector<16xf32>, vector<16xi32> -> vector<16xf32>
      %add3A_218 = arith.addf %add3A_211, %gather3A_217 : vector<16xf32>
      %xor3A_219 = arith.constant 2 : i32
      %xor3A_220 = vector.broadcast %xor3A_219 : i32 to vector<16xi32>
      %xor3A_221 = arith.xori %iota3A, %xor3A_220 : vector<16xi32>
      %broadcast_in_dim3A_222 = vector.shape_cast %xor3A_221 : vector<16xi32> to vector<16x1xi32>
      %gather3A_223 = vector.shape_cast %broadcast_in_dim3A_222 : vector<16x1xi32> to vector<16xi32>
      %gather3A_224 = tpu.dynamic_gather %add3A_218[%gather3A_223] in [0] : vector<16xf32>, vector<16xi32> -> vector<16xf32>
      %add3A_225 = arith.addf %add3A_218, %gather3A_224 : vector<16xf32>
      %xor3A_226 = arith.constant 4 : i32
      %xor3A_227 = vector.broadcast %xor3A_226 : i32 to vector<16xi32>
      %xor3A_228 = arith.xori %iota3A, %xor3A_227 : vector<16xi32>
      %broadcast_in_dim3A_229 = vector.shape_cast %xor3A_228 : vector<16xi32> to vector<16x1xi32>
      %gather3A_230 = vector.shape_cast %broadcast_in_dim3A_229 : vector<16x1xi32> to vector<16xi32>
      %gather3A_231 = tpu.dynamic_gather %add3A_225[%gather3A_230] in [0] : vector<16xf32>, vector<16xi32> -> vector<16xf32>
      %add3A_232 = arith.addf %add3A_225, %gather3A_231 : vector<16xf32>
      %xor3A_233 = arith.constant 8 : i32
      %xor3A_234 = vector.broadcast %xor3A_233 : i32 to vector<16xi32>
      %xor3A_235 = arith.xori %iota3A, %xor3A_234 : vector<16xi32>
      %broadcast_in_dim3A_236 = vector.shape_cast %xor3A_235 : vector<16xi32> to vector<16x1xi32>
      %gather3A_237 = vector.shape_cast %broadcast_in_dim3A_236 : vector<16x1xi32> to vector<16xi32>
      %gather3A_238 = tpu.dynamic_gather %add3A_232[%gather3A_237] in [0] : vector<16xf32>, vector<16xi32> -> vector<16xf32>
      %add3A_239 = arith.addf %add3A_232, %gather3A_238 : vector<16xf32>
      %eq3A_240 = arith.constant 1 : i32
      %eq3A_241 = vector.broadcast %eq3A_240 : i32 to vector<16xi32>
      %eq3A_242 = arith.cmpi eq, %iota3A, %eq3A_241 : vector<16xi32>
      %select_n3A_243 = arith.select %eq3A_242, %add3A_239, %select_n3A : vector<16xi1>, vector<16xf32>
      %add3A_244 = arith.constant 2 : i32
      %add3A_245 = arith.addi %multiple_of3A, %add3A_244 : i32
      %get3A_246 = arith.index_cast %add3A_245 : i32 to index
      %get3A_247 = arith.constant 0 : index
      %get3A_248 = tpu.vector_load %arg8[%get3A_246, %get3A_247] {strides = array<i32>} : memref<128x128xf32, #tpu.memory_space<vmem>>, vector<1x16xf32>,
      %get3A_249 = vector.shape_cast %get3A_248 : vector<1x16xf32> to vector<16xf32>
      %get3A_250 = arith.index_cast %add3A_245 : i32 to index
      %get3A_251 = arith.constant 0 : index
      %get3A_252 = tpu.vector_load %arg7[%get3A_250, %get3A_251] {strides = array<i32>} : memref<128x128xf32, #tpu.memory_space<vmem>>, vector<1x16xf32>,
      %get3A_253 = vector.shape_cast %get3A_252 : vector<1x16xf32> to vector<16xf32>
      %mul3A_254 = arith.mulf %get3A_249, %get3A_253 : vector<16xf32>
      %get3A_255 = arith.index_cast %add3A_245 : i32 to index
      %get3A_256 = arith.constant 16 : index
      %get3A_257 = tpu.vector_load %arg8[%get3A_255, %get3A_256] {strides = array<i32>} : memref<128x128xf32, #tpu.memory_space<vmem>>, vector<1x16xf32>,
      %get3A_258 = vector.shape_cast %get3A_257 : vector<1x16xf32> to vector<16xf32>
      %get3A_259 = arith.index_cast %add3A_245 : i32 to index
      %get3A_260 = arith.constant 16 : index
      %get3A_261 = tpu.vector_load %arg7[%get3A_259, %get3A_260] {strides = array<i32>} : memref<128x128xf32, #tpu.memory_space<vmem>>, vector<1x16xf32>,
      %get3A_262 = vector.shape_cast %get3A_261 : vector<1x16xf32> to vector<16xf32>
      %mul3A_263 = arith.mulf %get3A_258, %get3A_262 : vector<16xf32>
      %add3A_264 = arith.addf %mul3A_254, %mul3A_263 : vector<16xf32>
      %get3A_265 = arith.index_cast %add3A_245 : i32 to index
      %get3A_266 = arith.constant 32 : index
      %get3A_267 = tpu.vector_load %arg8[%get3A_265, %get3A_266] {strides = array<i32>} : memref<128x128xf32, #tpu.memory_space<vmem>>, vector<1x16xf32>,
      %get3A_268 = vector.shape_cast %get3A_267 : vector<1x16xf32> to vector<16xf32>
      %get3A_269 = arith.index_cast %add3A_245 : i32 to index
      %get3A_270 = arith.constant 32 : index
      %get3A_271 = tpu.vector_load %arg7[%get3A_269, %get3A_270] {strides = array<i32>} : memref<128x128xf32, #tpu.memory_space<vmem>>, vector<1x16xf32>,
      %get3A_272 = vector.shape_cast %get3A_271 : vector<1x16xf32> to vector<16xf32>
      %mul3A_273 = arith.mulf %get3A_268, %get3A_272 : vector<16xf32>
      %add3A_274 = arith.addf %add3A_264, %mul3A_273 : vector<16xf32>
      %get3A_275 = arith.index_cast %add3A_245 : i32 to index
      %get3A_276 = arith.constant 48 : index
      %get3A_277 = tpu.vector_load %arg8[%get3A_275, %get3A_276] {strides = array<i32>} : memref<128x128xf32, #tpu.memory_space<vmem>>, vector<1x16xf32>,
      %get3A_278 = vector.shape_cast %get3A_277 : vector<1x16xf32> to vector<16xf32>
      %get3A_279 = arith.index_cast %add3A_245 : i32 to index
      %get3A_280 = arith.constant 48 : index
      %get3A_281 = tpu.vector_load %arg7[%get3A_279, %get3A_280] {strides = array<i32>} : memref<128x128xf32, #tpu.memory_space<vmem>>, vector<1x16xf32>,
      %get3A_282 = vector.shape_cast %get3A_281 : vector<1x16xf32> to vector<16xf32>
      %mul3A_283 = arith.mulf %get3A_278, %get3A_282 : vector<16xf32>
      %add3A_284 = arith.addf %add3A_274, %mul3A_283 : vector<16xf32>
      %get3A_285 = arith.index_cast %add3A_245 : i32 to index
      %get3A_286 = arith.constant 64 : index
      %get3A_287 = tpu.vector_load %arg8[%get3A_285, %get3A_286] {strides = array<i32>} : memref<128x128xf32, #tpu.memory_space<vmem>>, vector<1x16xf32>,
      %get3A_288 = vector.shape_cast %get3A_287 : vector<1x16xf32> to vector<16xf32>
      %get3A_289 = arith.index_cast %add3A_245 : i32 to index
      %get3A_290 = arith.constant 64 : index
      %get3A_291 = tpu.vector_load %arg7[%get3A_289, %get3A_290] {strides = array<i32>} : memref<128x128xf32, #tpu.memory_space<vmem>>, vector<1x16xf32>,
      %get3A_292 = vector.shape_cast %get3A_291 : vector<1x16xf32> to vector<16xf32>
      %mul3A_293 = arith.mulf %get3A_288, %get3A_292 : vector<16xf32>
      %add3A_294 = arith.addf %add3A_284, %mul3A_293 : vector<16xf32>
      %get3A_295 = arith.index_cast %add3A_245 : i32 to index
      %get3A_296 = arith.constant 80 : index
      %get3A_297 = tpu.vector_load %arg8[%get3A_295, %get3A_296] {strides = array<i32>} : memref<128x128xf32, #tpu.memory_space<vmem>>, vector<1x16xf32>,
      %get3A_298 = vector.shape_cast %get3A_297 : vector<1x16xf32> to vector<16xf32>
      %get3A_299 = arith.index_cast %add3A_245 : i32 to index
      %get3A_300 = arith.constant 80 : index
      %get3A_301 = tpu.vector_load %arg7[%get3A_299, %get3A_300] {strides = array<i32>} : memref<128x128xf32, #tpu.memory_space<vmem>>, vector<1x16xf32>,
      %get3A_302 = vector.shape_cast %get3A_301 : vector<1x16xf32> to vector<16xf32>
      %mul3A_303 = arith.mulf %get3A_298, %get3A_302 : vector<16xf32>
      %add3A_304 = arith.addf %add3A_294, %mul3A_303 : vector<16xf32>
      %get3A_305 = arith.index_cast %add3A_245 : i32 to index
      %get3A_306 = arith.constant 96 : index
      %get3A_307 = tpu.vector_load %arg8[%get3A_305, %get3A_306] {strides = array<i32>} : memref<128x128xf32, #tpu.memory_space<vmem>>, vector<1x16xf32>,
      %get3A_308 = vector.shape_cast %get3A_307 : vector<1x16xf32> to vector<16xf32>
      %get3A_309 = arith.index_cast %add3A_245 : i32 to index
      %get3A_310 = arith.constant 96 : index
      %get3A_311 = tpu.vector_load %arg7[%get3A_309, %get3A_310] {strides = array<i32>} : memref<128x128xf32, #tpu.memory_space<vmem>>, vector<1x16xf32>,
      %get3A_312 = vector.shape_cast %get3A_311 : vector<1x16xf32> to vector<16xf32>
      %mul3A_313 = arith.mulf %get3A_308, %get3A_312 : vector<16xf32>
      %add3A_314 = arith.addf %add3A_304, %mul3A_313 : vector<16xf32>
      %get3A_315 = arith.index_cast %add3A_245 : i32 to index
      %get3A_316 = arith.constant 112 : index
      %get3A_317 = tpu.vector_load %arg8[%get3A_315, %get3A_316] {strides = array<i32>} : memref<128x128xf32, #tpu.memory_space<vmem>>, vector<1x16xf32>,
      %get3A_318 = vector.shape_cast %get3A_317 : vector<1x16xf32> to vector<16xf32>
      %get3A_319 = arith.index_cast %add3A_245 : i32 to index
      %get3A_320 = arith.constant 112 : index
      %get3A_321 = tpu.vector_load %arg7[%get3A_319, %get3A_320] {strides = array<i32>} : memref<128x128xf32, #tpu.memory_space<vmem>>, vector<1x16xf32>,
      %get3A_322 = vector.shape_cast %get3A_321 : vector<1x16xf32> to vector<16xf32>
      %mul3A_323 = arith.mulf %get3A_318, %get3A_322 : vector<16xf32>
      %add3A_324 = arith.addf %add3A_314, %mul3A_323 : vector<16xf32>
      %xor3A_325 = arith.constant 1 : i32
      %xor3A_326 = vector.broadcast %xor3A_325 : i32 to vector<16xi32>
      %xor3A_327 = arith.xori %iota3A, %xor3A_326 : vector<16xi32>
      %broadcast_in_dim3A_328 = vector.shape_cast %xor3A_327 : vector<16xi32> to vector<16x1xi32>
      %gather3A_329 = vector.shape_cast %broadcast_in_dim3A_328 : vector<16x1xi32> to vector<16xi32>
      %gather3A_330 = tpu.dynamic_gather %add3A_324[%gather3A_329] in [0] : vector<16xf32>, vector<16xi32> -> vector<16xf32>
      %add3A_331 = arith.addf %add3A_324, %gather3A_330 : vector<16xf32>
      %xor3A_332 = arith.constant 2 : i32
      %xor3A_333 = vector.broadcast %xor3A_332 : i32 to vector<16xi32>
      %xor3A_334 = arith.xori %iota3A, %xor3A_333 : vector<16xi32>
      %broadcast_in_dim3A_335 = vector.shape_cast %xor3A_334 : vector<16xi32> to vector<16x1xi32>
      %gather3A_336 = vector.shape_cast %broadcast_in_dim3A_335 : vector<16x1xi32> to vector<16xi32>
      %gather3A_337 = tpu.dynamic_gather %add3A_331[%gather3A_336] in [0] : vector<16xf32>, vector<16xi32> -> vector<16xf32>
      %add3A_338 = arith.addf %add3A_331, %gather3A_337 : vector<16xf32>
      %xor3A_339 = arith.constant 4 : i32
      %xor3A_340 = vector.broadcast %xor3A_339 : i32 to vector<16xi32>
      %xor3A_341 = arith.xori %iota3A, %xor3A_340 : vector<16xi32>
      %broadcast_in_dim3A_342 = vector.shape_cast %xor3A_341 : vector<16xi32> to vector<16x1xi32>
      %gather3A_343 = vector.shape_cast %broadcast_in_dim3A_342 : vector<16x1xi32> to vector<16xi32>
      %gather3A_344 = tpu.dynamic_gather %add3A_338[%gather3A_343] in [0] : vector<16xf32>, vector<16xi32> -> vector<16xf32>
      %add3A_345 = arith.addf %add3A_338, %gather3A_344 : vector<16xf32>
      %xor3A_346 = arith.constant 8 : i32
      %xor3A_347 = vector.broadcast %xor3A_346 : i32 to vector<16xi32>
      %xor3A_348 = arith.xori %iota3A, %xor3A_347 : vector<16xi32>
      %broadcast_in_dim3A_349 = vector.shape_cast %xor3A_348 : vector<16xi32> to vector<16x1xi32>
      %gather3A_350 = vector.shape_cast %broadcast_in_dim3A_349 : vector<16x1xi32> to vector<16xi32>
      %gather3A_351 = tpu.dynamic_gather %add3A_345[%gather3A_350] in [0] : vector<16xf32>, vector<16xi32> -> vector<16xf32>
      %add3A_352 = arith.addf %add3A_345, %gather3A_351 : vector<16xf32>
      %eq3A_353 = arith.constant 2 : i32
      %eq3A_354 = vector.broadcast %eq3A_353 : i32 to vector<16xi32>
      %eq3A_355 = arith.cmpi eq, %iota3A, %eq3A_354 : vector<16xi32>
      %select_n3A_356 = arith.select %eq3A_355, %add3A_352, %select_n3A_243 : vector<16xi1>, vector<16xf32>
      %add3A_357 = arith.constant 3 : i32
      %add3A_358 = arith.addi %multiple_of3A, %add3A_357 : i32
      %get3A_359 = arith.index_cast %add3A_358 : i32 to index
      %get3A_360 = arith.constant 0 : index
      %get3A_361 = tpu.vector_load %arg8[%get3A_359, %get3A_360] {strides = array<i32>} : memref<128x128xf32, #tpu.memory_space<vmem>>, vector<1x16xf32>,
      %get3A_362 = vector.shape_cast %get3A_361 : vector<1x16xf32> to vector<16xf32>
      %get3A_363 = arith.index_cast %add3A_358 : i32 to index
      %get3A_364 = arith.constant 0 : index
      %get3A_365 = tpu.vector_load %arg7[%get3A_363, %get3A_364] {strides = array<i32>} : memref<128x128xf32, #tpu.memory_space<vmem>>, vector<1x16xf32>,
      %get3A_366 = vector.shape_cast %get3A_365 : vector<1x16xf32> to vector<16xf32>
      %mul3A_367 = arith.mulf %get3A_362, %get3A_366 : vector<16xf32>
      %get3A_368 = arith.index_cast %add3A_358 : i32 to index
      %get3A_369 = arith.constant 16 : index
      %get3A_370 = tpu.vector_load %arg8[%get3A_368, %get3A_369] {strides = array<i32>} : memref<128x128xf32, #tpu.memory_space<vmem>>, vector<1x16xf32>,
      %get3A_371 = vector.shape_cast %get3A_370 : vector<1x16xf32> to vector<16xf32>
      %get3A_372 = arith.index_cast %add3A_358 : i32 to index
      %get3A_373 = arith.constant 16 : index
      %get3A_374 = tpu.vector_load %arg7[%get3A_372, %get3A_373] {strides = array<i32>} : memref<128x128xf32, #tpu.memory_space<vmem>>, vector<1x16xf32>,
      %get3A_375 = vector.shape_cast %get3A_374 : vector<1x16xf32> to vector<16xf32>
      %mul3A_376 = arith.mulf %get3A_371, %get3A_375 : vector<16xf32>
      %add3A_377 = arith.addf %mul3A_367, %mul3A_376 : vector<16xf32>
      %get3A_378 = arith.index_cast %add3A_358 : i32 to index
      %get3A_379 = arith.constant 32 : index
      %get3A_380 = tpu.vector_load %arg8[%get3A_378, %get3A_379] {strides = array<i32>} : memref<128x128xf32, #tpu.memory_space<vmem>>, vector<1x16xf32>,
      %get3A_381 = vector.shape_cast %get3A_380 : vector<1x16xf32> to vector<16xf32>
      %get3A_382 = arith.index_cast %add3A_358 : i32 to index
      %get3A_383 = arith.constant 32 : index
      %get3A_384 = tpu.vector_load %arg7[%get3A_382, %get3A_383] {strides = array<i32>} : memref<128x128xf32, #tpu.memory_space<vmem>>, vector<1x16xf32>,
      %get3A_385 = vector.shape_cast %get3A_384 : vector<1x16xf32> to vector<16xf32>
      %mul3A_386 = arith.mulf %get3A_381, %get3A_385 : vector<16xf32>
      %add3A_387 = arith.addf %add3A_377, %mul3A_386 : vector<16xf32>
      %get3A_388 = arith.index_cast %add3A_358 : i32 to index
      %get3A_389 = arith.constant 48 : index
      %get3A_390 = tpu.vector_load %arg8[%get3A_388, %get3A_389] {strides = array<i32>} : memref<128x128xf32, #tpu.memory_space<vmem>>, vector<1x16xf32>,
      %get3A_391 = vector.shape_cast %get3A_390 : vector<1x16xf32> to vector<16xf32>
      %get3A_392 = arith.index_cast %add3A_358 : i32 to index
      %get3A_393 = arith.constant 48 : index
      %get3A_394 = tpu.vector_load %arg7[%get3A_392, %get3A_393] {strides = array<i32>} : memref<128x128xf32, #tpu.memory_space<vmem>>, vector<1x16xf32>,
      %get3A_395 = vector.shape_cast %get3A_394 : vector<1x16xf32> to vector<16xf32>
      %mul3A_396 = arith.mulf %get3A_391, %get3A_395 : vector<16xf32>
      %add3A_397 = arith.addf %add3A_387, %mul3A_396 : vector<16xf32>
      %get3A_398 = arith.index_cast %add3A_358 : i32 to index
      %get3A_399 = arith.constant 64 : index
      %get3A_400 = tpu.vector_load %arg8[%get3A_398, %get3A_399] {strides = array<i32>} : memref<128x128xf32, #tpu.memory_space<vmem>>, vector<1x16xf32>,
      %get3A_401 = vector.shape_cast %get3A_400 : vector<1x16xf32> to vector<16xf32>
      %get3A_402 = arith.index_cast %add3A_358 : i32 to index
      %get3A_403 = arith.constant 64 : index
      %get3A_404 = tpu.vector_load %arg7[%get3A_402, %get3A_403] {strides = array<i32>} : memref<128x128xf32, #tpu.memory_space<vmem>>, vector<1x16xf32>,
      %get3A_405 = vector.shape_cast %get3A_404 : vector<1x16xf32> to vector<16xf32>
      %mul3A_406 = arith.mulf %get3A_401, %get3A_405 : vector<16xf32>
      %add3A_407 = arith.addf %add3A_397, %mul3A_406 : vector<16xf32>
      %get3A_408 = arith.index_cast %add3A_358 : i32 to index
      %get3A_409 = arith.constant 80 : index
      %get3A_410 = tpu.vector_load %arg8[%get3A_408, %get3A_409] {strides = array<i32>} : memref<128x128xf32, #tpu.memory_space<vmem>>, vector<1x16xf32>,
      %get3A_411 = vector.shape_cast %get3A_410 : vector<1x16xf32> to vector<16xf32>
      %get3A_412 = arith.index_cast %add3A_358 : i32 to index
      %get3A_413 = arith.constant 80 : index
      %get3A_414 = tpu.vector_load %arg7[%get3A_412, %get3A_413] {strides = array<i32>} : memref<128x128xf32, #tpu.memory_space<vmem>>, vector<1x16xf32>,
      %get3A_415 = vector.shape_cast %get3A_414 : vector<1x16xf32> to vector<16xf32>
      %mul3A_416 = arith.mulf %get3A_411, %get3A_415 : vector<16xf32>
      %add3A_417 = arith.addf %add3A_407, %mul3A_416 : vector<16xf32>
      %get3A_418 = arith.index_cast %add3A_358 : i32 to index
      %get3A_419 = arith.constant 96 : index
      %get3A_420 = tpu.vector_load %arg8[%get3A_418, %get3A_419] {strides = array<i32>} : memref<128x128xf32, #tpu.memory_space<vmem>>, vector<1x16xf32>,
      %get3A_421 = vector.shape_cast %get3A_420 : vector<1x16xf32> to vector<16xf32>
      %get3A_422 = arith.index_cast %add3A_358 : i32 to index
      %get3A_423 = arith.constant 96 : index
      %get3A_424 = tpu.vector_load %arg7[%get3A_422, %get3A_423] {strides = array<i32>} : memref<128x128xf32, #tpu.memory_space<vmem>>, vector<1x16xf32>,
      %get3A_425 = vector.shape_cast %get3A_424 : vector<1x16xf32> to vector<16xf32>
      %mul3A_426 = arith.mulf %get3A_421, %get3A_425 : vector<16xf32>
      %add3A_427 = arith.addf %add3A_417, %mul3A_426 : vector<16xf32>
      %get3A_428 = arith.index_cast %add3A_358 : i32 to index
      %get3A_429 = arith.constant 112 : index
      %get3A_430 = tpu.vector_load %arg8[%get3A_428, %get3A_429] {strides = array<i32>} : memref<128x128xf32, #tpu.memory_space<vmem>>, vector<1x16xf32>,
      %get3A_431 = vector.shape_cast %get3A_430 : vector<1x16xf32> to vector<16xf32>
      %get3A_432 = arith.index_cast %add3A_358 : i32 to index
      %get3A_433 = arith.constant 112 : index
      %get3A_434 = tpu.vector_load %arg7[%get3A_432, %get3A_433] {strides = array<i32>} : memref<128x128xf32, #tpu.memory_space<vmem>>, vector<1x16xf32>,
      %get3A_435 = vector.shape_cast %get3A_434 : vector<1x16xf32> to vector<16xf32>
      %mul3A_436 = arith.mulf %get3A_431, %get3A_435 : vector<16xf32>
      %add3A_437 = arith.addf %add3A_427, %mul3A_436 : vector<16xf32>
      %xor3A_438 = arith.constant 1 : i32
      %xor3A_439 = vector.broadcast %xor3A_438 : i32 to vector<16xi32>
      %xor3A_440 = arith.xori %iota3A, %xor3A_439 : vector<16xi32>
      %broadcast_in_dim3A_441 = vector.shape_cast %xor3A_440 : vector<16xi32> to vector<16x1xi32>
      %gather3A_442 = vector.shape_cast %broadcast_in_dim3A_441 : vector<16x1xi32> to vector<16xi32>
      %gather3A_443 = tpu.dynamic_gather %add3A_437[%gather3A_442] in [0] : vector<16xf32>, vector<16xi32> -> vector<16xf32>
      %add3A_444 = arith.addf %add3A_437, %gather3A_443 : vector<16xf32>
      %xor3A_445 = arith.constant 2 : i32
      %xor3A_446 = vector.broadcast %xor3A_445 : i32 to vector<16xi32>
      %xor3A_447 = arith.xori %iota3A, %xor3A_446 : vector<16xi32>
      %broadcast_in_dim3A_448 = vector.shape_cast %xor3A_447 : vector<16xi32> to vector<16x1xi32>
      %gather3A_449 = vector.shape_cast %broadcast_in_dim3A_448 : vector<16x1xi32> to vector<16xi32>
      %gather3A_450 = tpu.dynamic_gather %add3A_444[%gather3A_449] in [0] : vector<16xf32>, vector<16xi32> -> vector<16xf32>
      %add3A_451 = arith.addf %add3A_444, %gather3A_450 : vector<16xf32>
      %xor3A_452 = arith.constant 4 : i32
      %xor3A_453 = vector.broadcast %xor3A_452 : i32 to vector<16xi32>
      %xor3A_454 = arith.xori %iota3A, %xor3A_453 : vector<16xi32>
      %broadcast_in_dim3A_455 = vector.shape_cast %xor3A_454 : vector<16xi32> to vector<16x1xi32>
      %gather3A_456 = vector.shape_cast %broadcast_in_dim3A_455 : vector<16x1xi32> to vector<16xi32>
      %gather3A_457 = tpu.dynamic_gather %add3A_451[%gather3A_456] in [0] : vector<16xf32>, vector<16xi32> -> vector<16xf32>
      %add3A_458 = arith.addf %add3A_451, %gather3A_457 : vector<16xf32>
      %xor3A_459 = arith.constant 8 : i32
      %xor3A_460 = vector.broadcast %xor3A_459 : i32 to vector<16xi32>
      %xor3A_461 = arith.xori %iota3A, %xor3A_460 : vector<16xi32>
      %broadcast_in_dim3A_462 = vector.shape_cast %xor3A_461 : vector<16xi32> to vector<16x1xi32>
      %gather3A_463 = vector.shape_cast %broadcast_in_dim3A_462 : vector<16x1xi32> to vector<16xi32>
      %gather3A_464 = tpu.dynamic_gather %add3A_458[%gather3A_463] in [0] : vector<16xf32>, vector<16xi32> -> vector<16xf32>
      %add3A_465 = arith.addf %add3A_458, %gather3A_464 : vector<16xf32>
      %eq3A_466 = arith.constant 3 : i32
      %eq3A_467 = vector.broadcast %eq3A_466 : i32 to vector<16xi32>
      %eq3A_468 = arith.cmpi eq, %iota3A, %eq3A_467 : vector<16xi32>
      %select_n3A_469 = arith.select %eq3A_468, %add3A_465, %select_n3A_356 : vector<16xi1>, vector<16xf32>
      %add3A_470 = arith.constant 4 : i32
      %add3A_471 = arith.addi %multiple_of3A, %add3A_470 : i32
      %get3A_472 = arith.index_cast %add3A_471 : i32 to index
      %get3A_473 = arith.constant 0 : index
      %get3A_474 = tpu.vector_load %arg8[%get3A_472, %get3A_473] {strides = array<i32>} : memref<128x128xf32, #tpu.memory_space<vmem>>, vector<1x16xf32>,
      %get3A_475 = vector.shape_cast %get3A_474 : vector<1x16xf32> to vector<16xf32>
      %get3A_476 = arith.index_cast %add3A_471 : i32 to index
      %get3A_477 = arith.constant 0 : index
      %get3A_478 = tpu.vector_load %arg7[%get3A_476, %get3A_477] {strides = array<i32>} : memref<128x128xf32, #tpu.memory_space<vmem>>, vector<1x16xf32>,
      %get3A_479 = vector.shape_cast %get3A_478 : vector<1x16xf32> to vector<16xf32>
      %mul3A_480 = arith.mulf %get3A_475, %get3A_479 : vector<16xf32>
      %get3A_481 = arith.index_cast %add3A_471 : i32 to index
      %get3A_482 = arith.constant 16 : index
      %get3A_483 = tpu.vector_load %arg8[%get3A_481, %get3A_482] {strides = array<i32>} : memref<128x128xf32, #tpu.memory_space<vmem>>, vector<1x16xf32>,
      %get3A_484 = vector.shape_cast %get3A_483 : vector<1x16xf32> to vector<16xf32>
      %get3A_485 = arith.index_cast %add3A_471 : i32 to index
      %get3A_486 = arith.constant 16 : index
      %get3A_487 = tpu.vector_load %arg7[%get3A_485, %get3A_486] {strides = array<i32>} : memref<128x128xf32, #tpu.memory_space<vmem>>, vector<1x16xf32>,
      %get3A_488 = vector.shape_cast %get3A_487 : vector<1x16xf32> to vector<16xf32>
      %mul3A_489 = arith.mulf %get3A_484, %get3A_488 : vector<16xf32>
      %add3A_490 = arith.addf %mul3A_480, %mul3A_489 : vector<16xf32>
      %get3A_491 = arith.index_cast %add3A_471 : i32 to index
      %get3A_492 = arith.constant 32 : index
      %get3A_493 = tpu.vector_load %arg8[%get3A_491, %get3A_492] {strides = array<i32>} : memref<128x128xf32, #tpu.memory_space<vmem>>, vector<1x16xf32>,
      %get3A_494 = vector.shape_cast %get3A_493 : vector<1x16xf32> to vector<16xf32>
      %get3A_495 = arith.index_cast %add3A_471 : i32 to index
      %get3A_496 = arith.constant 32 : index
      %get3A_497 = tpu.vector_load %arg7[%get3A_495, %get3A_496] {strides = array<i32>} : memref<128x128xf32, #tpu.memory_space<vmem>>, vector<1x16xf32>,
      %get3A_498 = vector.shape_cast %get3A_497 : vector<1x16xf32> to vector<16xf32>
      %mul3A_499 = arith.mulf %get3A_494, %get3A_498 : vector<16xf32>
      %add3A_500 = arith.addf %add3A_490, %mul3A_499 : vector<16xf32>
      %get3A_501 = arith.index_cast %add3A_471 : i32 to index
      %get3A_502 = arith.constant 48 : index
      %get3A_503 = tpu.vector_load %arg8[%get3A_501, %get3A_502] {strides = array<i32>} : memref<128x128xf32, #tpu.memory_space<vmem>>, vector<1x16xf32>,
      %get3A_504 = vector.shape_cast %get3A_503 : vector<1x16xf32> to vector<16xf32>
      %get3A_505 = arith.index_cast %add3A_471 : i32 to index
      %get3A_506 = arith.constant 48 : index
      %get3A_507 = tpu.vector_load %arg7[%get3A_505, %get3A_506] {strides = array<i32>} : memref<128x128xf32, #tpu.memory_space<vmem>>, vector<1x16xf32>,
      %get3A_508 = vector.shape_cast %get3A_507 : vector<1x16xf32> to vector<16xf32>
      %mul3A_509 = arith.mulf %get3A_504, %get3A_508 : vector<16xf32>
      %add3A_510 = arith.addf %add3A_500, %mul3A_509 : vector<16xf32>
      %get3A_511 = arith.index_cast %add3A_471 : i32 to index
      %get3A_512 = arith.constant 64 : index
      %get3A_513 = tpu.vector_load %arg8[%get3A_511, %get3A_512] {strides = array<i32>} : memref<128x128xf32, #tpu.memory_space<vmem>>, vector<1x16xf32>,
      %get3A_514 = vector.shape_cast %get3A_513 : vector<1x16xf32> to vector<16xf32>
      %get3A_515 = arith.index_cast %add3A_471 : i32 to index
      %get3A_516 = arith.constant 64 : index
      %get3A_517 = tpu.vector_load %arg7[%get3A_515, %get3A_516] {strides = array<i32>} : memref<128x128xf32, #tpu.memory_space<vmem>>, vector<1x16xf32>,
      %get3A_518 = vector.shape_cast %get3A_517 : vector<1x16xf32> to vector<16xf32>
      %mul3A_519 = arith.mulf %get3A_514, %get3A_518 : vector<16xf32>
      %add3A_520 = arith.addf %add3A_510, %mul3A_519 : vector<16xf32>
      %get3A_521 = arith.index_cast %add3A_471 : i32 to index
      %get3A_522 = arith.constant 80 : index
      %get3A_523 = tpu.vector_load %arg8[%get3A_521, %get3A_522] {strides = array<i32>} : memref<128x128xf32, #tpu.memory_space<vmem>>, vector<1x16xf32>,
      %get3A_524 = vector.shape_cast %get3A_523 : vector<1x16xf32> to vector<16xf32>
      %get3A_525 = arith.index_cast %add3A_471 : i32 to index
      %get3A_526 = arith.constant 80 : index
      %get3A_527 = tpu.vector_load %arg7[%get3A_525, %get3A_526] {strides = array<i32>} : memref<128x128xf32, #tpu.memory_space<vmem>>, vector<1x16xf32>,
      %get3A_528 = vector.shape_cast %get3A_527 : vector<1x16xf32> to vector<16xf32>
      %mul3A_529 = arith.mulf %get3A_524, %get3A_528 : vector<16xf32>
      %add3A_530 = arith.addf %add3A_520, %mul3A_529 : vector<16xf32>
      %get3A_531 = arith.index_cast %add3A_471 : i32 to index
      %get3A_532 = arith.constant 96 : index
      %get3A_533 = tpu.vector_load %arg8[%get3A_531, %get3A_532] {strides = array<i32>} : memref<128x128xf32, #tpu.memory_space<vmem>>, vector<1x16xf32>,
      %get3A_534 = vector.shape_cast %get3A_533 : vector<1x16xf32> to vector<16xf32>
      %get3A_535 = arith.index_cast %add3A_471 : i32 to index
      %get3A_536 = arith.constant 96 : index
      %get3A_537 = tpu.vector_load %arg7[%get3A_535, %get3A_536] {strides = array<i32>} : memref<128x128xf32, #tpu.memory_space<vmem>>, vector<1x16xf32>,
      %get3A_538 = vector.shape_cast %get3A_537 : vector<1x16xf32> to vector<16xf32>
      %mul3A_539 = arith.mulf %get3A_534, %get3A_538 : vector<16xf32>
      %add3A_540 = arith.addf %add3A_530, %mul3A_539 : vector<16xf32>
      %get3A_541 = arith.index_cast %add3A_471 : i32 to index
      %get3A_542 = arith.constant 112 : index
      %get3A_543 = tpu.vector_load %arg8[%get3A_541, %get3A_542] {strides = array<i32>} : memref<128x128xf32, #tpu.memory_space<vmem>>, vector<1x16xf32>,
      %get3A_544 = vector.shape_cast %get3A_543 : vector<1x16xf32> to vector<16xf32>
      %get3A_545 = arith.index_cast %add3A_471 : i32 to index
      %get3A_546 = arith.constant 112 : index
      %get3A_547 = tpu.vector_load %arg7[%get3A_545, %get3A_546] {strides = array<i32>} : memref<128x128xf32, #tpu.memory_space<vmem>>, vector<1x16xf32>,
      %get3A_548 = vector.shape_cast %get3A_547 : vector<1x16xf32> to vector<16xf32>
      %mul3A_549 = arith.mulf %get3A_544, %get3A_548 : vector<16xf32>
      %add3A_550 = arith.addf %add3A_540, %mul3A_549 : vector<16xf32>
      %xor3A_551 = arith.constant 1 : i32
      %xor3A_552 = vector.broadcast %xor3A_551 : i32 to vector<16xi32>
      %xor3A_553 = arith.xori %iota3A, %xor3A_552 : vector<16xi32>
      %broadcast_in_dim3A_554 = vector.shape_cast %xor3A_553 : vector<16xi32> to vector<16x1xi32>
      %gather3A_555 = vector.shape_cast %broadcast_in_dim3A_554 : vector<16x1xi32> to vector<16xi32>
      %gather3A_556 = tpu.dynamic_gather %add3A_550[%gather3A_555] in [0] : vector<16xf32>, vector<16xi32> -> vector<16xf32>
      %add3A_557 = arith.addf %add3A_550, %gather3A_556 : vector<16xf32>
      %xor3A_558 = arith.constant 2 : i32
      %xor3A_559 = vector.broadcast %xor3A_558 : i32 to vector<16xi32>
      %xor3A_560 = arith.xori %iota3A, %xor3A_559 : vector<16xi32>
      %broadcast_in_dim3A_561 = vector.shape_cast %xor3A_560 : vector<16xi32> to vector<16x1xi32>
      %gather3A_562 = vector.shape_cast %broadcast_in_dim3A_561 : vector<16x1xi32> to vector<16xi32>
      %gather3A_563 = tpu.dynamic_gather %add3A_557[%gather3A_562] in [0] : vector<16xf32>, vector<16xi32> -> vector<16xf32>
      %add3A_564 = arith.addf %add3A_557, %gather3A_563 : vector<16xf32>
      %xor3A_565 = arith.constant 4 : i32
      %xor3A_566 = vector.broadcast %xor3A_565 : i32 to vector<16xi32>
      %xor3A_567 = arith.xori %iota3A, %xor3A_566 : vector<16xi32>
      %broadcast_in_dim3A_568 = vector.shape_cast %xor3A_567 : vector<16xi32> to vector<16x1xi32>
      %gather3A_569 = vector.shape_cast %broadcast_in_dim3A_568 : vector<16x1xi32> to vector<16xi32>
      %gather3A_570 = tpu.dynamic_gather %add3A_564[%gather3A_569] in [0] : vector<16xf32>, vector<16xi32> -> vector<16xf32>
      %add3A_571 = arith.addf %add3A_564, %gather3A_570 : vector<16xf32>
      %xor3A_572 = arith.constant 8 : i32
      %xor3A_573 = vector.broadcast %xor3A_572 : i32 to vector<16xi32>
      %xor3A_574 = arith.xori %iota3A, %xor3A_573 : vector<16xi32>
      %broadcast_in_dim3A_575 = vector.shape_cast %xor3A_574 : vector<16xi32> to vector<16x1xi32>
      %gather3A_576 = vector.shape_cast %broadcast_in_dim3A_575 : vector<16x1xi32> to vector<16xi32>
      %gather3A_577 = tpu.dynamic_gather %add3A_571[%gather3A_576] in [0] : vector<16xf32>, vector<16xi32> -> vector<16xf32>
      %add3A_578 = arith.addf %add3A_571, %gather3A_577 : vector<16xf32>
      %eq3A_579 = arith.constant 4 : i32
      %eq3A_580 = vector.broadcast %eq3A_579 : i32 to vector<16xi32>
      %eq3A_581 = arith.cmpi eq, %iota3A, %eq3A_580 : vector<16xi32>
      %select_n3A_582 = arith.select %eq3A_581, %add3A_578, %select_n3A_469 : vector<16xi1>, vector<16xf32>
      %add3A_583 = arith.constant 5 : i32
      %add3A_584 = arith.addi %multiple_of3A, %add3A_583 : i32
      %get3A_585 = arith.index_cast %add3A_584 : i32 to index
      %get3A_586 = arith.constant 0 : index
      %get3A_587 = tpu.vector_load %arg8[%get3A_585, %get3A_586] {strides = array<i32>} : memref<128x128xf32, #tpu.memory_space<vmem>>, vector<1x16xf32>,
      %get3A_588 = vector.shape_cast %get3A_587 : vector<1x16xf32> to vector<16xf32>
      %get3A_589 = arith.index_cast %add3A_584 : i32 to index
      %get3A_590 = arith.constant 0 : index
      %get3A_591 = tpu.vector_load %arg7[%get3A_589, %get3A_590] {strides = array<i32>} : memref<128x128xf32, #tpu.memory_space<vmem>>, vector<1x16xf32>,
      %get3A_592 = vector.shape_cast %get3A_591 : vector<1x16xf32> to vector<16xf32>
      %mul3A_593 = arith.mulf %get3A_588, %get3A_592 : vector<16xf32>
      %get3A_594 = arith.index_cast %add3A_584 : i32 to index
      %get3A_595 = arith.constant 16 : index
      %get3A_596 = tpu.vector_load %arg8[%get3A_594, %get3A_595] {strides = array<i32>} : memref<128x128xf32, #tpu.memory_space<vmem>>, vector<1x16xf32>,
      %get3A_597 = vector.shape_cast %get3A_596 : vector<1x16xf32> to vector<16xf32>
      %get3A_598 = arith.index_cast %add3A_584 : i32 to index
      %get3A_599 = arith.constant 16 : index
      %get3A_600 = tpu.vector_load %arg7[%get3A_598, %get3A_599] {strides = array<i32>} : memref<128x128xf32, #tpu.memory_space<vmem>>, vector<1x16xf32>,
      %get3A_601 = vector.shape_cast %get3A_600 : vector<1x16xf32> to vector<16xf32>
      %mul3A_602 = arith.mulf %get3A_597, %get3A_601 : vector<16xf32>
      %add3A_603 = arith.addf %mul3A_593, %mul3A_602 : vector<16xf32>
      %get3A_604 = arith.index_cast %add3A_584 : i32 to index
      %get3A_605 = arith.constant 32 : index
      %get3A_606 = tpu.vector_load %arg8[%get3A_604, %get3A_605] {strides = array<i32>} : memref<128x128xf32, #tpu.memory_space<vmem>>, vector<1x16xf32>,
      %get3A_607 = vector.shape_cast %get3A_606 : vector<1x16xf32> to vector<16xf32>
      %get3A_608 = arith.index_cast %add3A_584 : i32 to index
      %get3A_609 = arith.constant 32 : index
      %get3A_610 = tpu.vector_load %arg7[%get3A_608, %get3A_609] {strides = array<i32>} : memref<128x128xf32, #tpu.memory_space<vmem>>, vector<1x16xf32>,
      %get3A_611 = vector.shape_cast %get3A_610 : vector<1x16xf32> to vector<16xf32>
      %mul3A_612 = arith.mulf %get3A_607, %get3A_611 : vector<16xf32>
      %add3A_613 = arith.addf %add3A_603, %mul3A_612 : vector<16xf32>
      %get3A_614 = arith.index_cast %add3A_584 : i32 to index
      %get3A_615 = arith.constant 48 : index
      %get3A_616 = tpu.vector_load %arg8[%get3A_614, %get3A_615] {strides = array<i32>} : memref<128x128xf32, #tpu.memory_space<vmem>>, vector<1x16xf32>,
      %get3A_617 = vector.shape_cast %get3A_616 : vector<1x16xf32> to vector<16xf32>
      %get3A_618 = arith.index_cast %add3A_584 : i32 to index
      %get3A_619 = arith.constant 48 : index
      %get3A_620 = tpu.vector_load %arg7[%get3A_618, %get3A_619] {strides = array<i32>} : memref<128x128xf32, #tpu.memory_space<vmem>>, vector<1x16xf32>,
      %get3A_621 = vector.shape_cast %get3A_620 : vector<1x16xf32> to vector<16xf32>
      %mul3A_622 = arith.mulf %get3A_617, %get3A_621 : vector<16xf32>
      %add3A_623 = arith.addf %add3A_613, %mul3A_622 : vector<16xf32>
      %get3A_624 = arith.index_cast %add3A_584 : i32 to index
      %get3A_625 = arith.constant 64 : index
      %get3A_626 = tpu.vector_load %arg8[%get3A_624, %get3A_625] {strides = array<i32>} : memref<128x128xf32, #tpu.memory_space<vmem>>, vector<1x16xf32>,
      %get3A_627 = vector.shape_cast %get3A_626 : vector<1x16xf32> to vector<16xf32>
      %get3A_628 = arith.index_cast %add3A_584 : i32 to index
      %get3A_629 = arith.constant 64 : index
      %get3A_630 = tpu.vector_load %arg7[%get3A_628, %get3A_629] {strides = array<i32>} : memref<128x128xf32, #tpu.memory_space<vmem>>, vector<1x16xf32>,
      %get3A_631 = vector.shape_cast %get3A_630 : vector<1x16xf32> to vector<16xf32>
      %mul3A_632 = arith.mulf %get3A_627, %get3A_631 : vector<16xf32>
      %add3A_633 = arith.addf %add3A_623, %mul3A_632 : vector<16xf32>
      %get3A_634 = arith.index_cast %add3A_584 : i32 to index
      %get3A_635 = arith.constant 80 : index
      %get3A_636 = tpu.vector_load %arg8[%get3A_634, %get3A_635] {strides = array<i32>} : memref<128x128xf32, #tpu.memory_space<vmem>>, vector<1x16xf32>,
      %get3A_637 = vector.shape_cast %get3A_636 : vector<1x16xf32> to vector<16xf32>
      %get3A_638 = arith.index_cast %add3A_584 : i32 to index
      %get3A_639 = arith.constant 80 : index
      %get3A_640 = tpu.vector_load %arg7[%get3A_638, %get3A_639] {strides = array<i32>} : memref<128x128xf32, #tpu.memory_space<vmem>>, vector<1x16xf32>,
      %get3A_641 = vector.shape_cast %get3A_640 : vector<1x16xf32> to vector<16xf32>
      %mul3A_642 = arith.mulf %get3A_637, %get3A_641 : vector<16xf32>
      %add3A_643 = arith.addf %add3A_633, %mul3A_642 : vector<16xf32>
      %get3A_644 = arith.index_cast %add3A_584 : i32 to index
      %get3A_645 = arith.constant 96 : index
      %get3A_646 = tpu.vector_load %arg8[%get3A_644, %get3A_645] {strides = array<i32>} : memref<128x128xf32, #tpu.memory_space<vmem>>, vector<1x16xf32>,
      %get3A_647 = vector.shape_cast %get3A_646 : vector<1x16xf32> to vector<16xf32>
      %get3A_648 = arith.index_cast %add3A_584 : i32 to index
      %get3A_649 = arith.constant 96 : index
      %get3A_650 = tpu.vector_load %arg7[%get3A_648, %get3A_649] {strides = array<i32>} : memref<128x128xf32, #tpu.memory_space<vmem>>, vector<1x16xf32>,
      %get3A_651 = vector.shape_cast %get3A_650 : vector<1x16xf32> to vector<16xf32>
      %mul3A_652 = arith.mulf %get3A_647, %get3A_651 : vector<16xf32>
      %add3A_653 = arith.addf %add3A_643, %mul3A_652 : vector<16xf32>
      %get3A_654 = arith.index_cast %add3A_584 : i32 to index
      %get3A_655 = arith.constant 112 : index
      %get3A_656 = tpu.vector_load %arg8[%get3A_654, %get3A_655] {strides = array<i32>} : memref<128x128xf32, #tpu.memory_space<vmem>>, vector<1x16xf32>,
      %get3A_657 = vector.shape_cast %get3A_656 : vector<1x16xf32> to vector<16xf32>
      %get3A_658 = arith.index_cast %add3A_584 : i32 to index
      %get3A_659 = arith.constant 112 : index
      %get3A_660 = tpu.vector_load %arg7[%get3A_658, %get3A_659] {strides = array<i32>} : memref<128x128xf32, #tpu.memory_space<vmem>>, vector<1x16xf32>,
      %get3A_661 = vector.shape_cast %get3A_660 : vector<1x16xf32> to vector<16xf32>
      %mul3A_662 = arith.mulf %get3A_657, %get3A_661 : vector<16xf32>
      %add3A_663 = arith.addf %add3A_653, %mul3A_662 : vector<16xf32>
      %xor3A_664 = arith.constant 1 : i32
      %xor3A_665 = vector.broadcast %xor3A_664 : i32 to vector<16xi32>
      %xor3A_666 = arith.xori %iota3A, %xor3A_665 : vector<16xi32>
      %broadcast_in_dim3A_667 = vector.shape_cast %xor3A_666 : vector<16xi32> to vector<16x1xi32>
      %gather3A_668 = vector.shape_cast %broadcast_in_dim3A_667 : vector<16x1xi32> to vector<16xi32>
      %gather3A_669 = tpu.dynamic_gather %add3A_663[%gather3A_668] in [0] : vector<16xf32>, vector<16xi32> -> vector<16xf32>
      %add3A_670 = arith.addf %add3A_663, %gather3A_669 : vector<16xf32>
      %xor3A_671 = arith.constant 2 : i32
      %xor3A_672 = vector.broadcast %xor3A_671 : i32 to vector<16xi32>
      %xor3A_673 = arith.xori %iota3A, %xor3A_672 : vector<16xi32>
      %broadcast_in_dim3A_674 = vector.shape_cast %xor3A_673 : vector<16xi32> to vector<16x1xi32>
      %gather3A_675 = vector.shape_cast %broadcast_in_dim3A_674 : vector<16x1xi32> to vector<16xi32>
      %gather3A_676 = tpu.dynamic_gather %add3A_670[%gather3A_675] in [0] : vector<16xf32>, vector<16xi32> -> vector<16xf32>
      %add3A_677 = arith.addf %add3A_670, %gather3A_676 : vector<16xf32>
      %xor3A_678 = arith.constant 4 : i32
      %xor3A_679 = vector.broadcast %xor3A_678 : i32 to vector<16xi32>
      %xor3A_680 = arith.xori %iota3A, %xor3A_679 : vector<16xi32>
      %broadcast_in_dim3A_681 = vector.shape_cast %xor3A_680 : vector<16xi32> to vector<16x1xi32>
      %gather3A_682 = vector.shape_cast %broadcast_in_dim3A_681 : vector<16x1xi32> to vector<16xi32>
      %gather3A_683 = tpu.dynamic_gather %add3A_677[%gather3A_682] in [0] : vector<16xf32>, vector<16xi32> -> vector<16xf32>
      %add3A_684 = arith.addf %add3A_677, %gather3A_683 : vector<16xf32>
      %xor3A_685 = arith.constant 8 : i32
      %xor3A_686 = vector.broadcast %xor3A_685 : i32 to vector<16xi32>
      %xor3A_687 = arith.xori %iota3A, %xor3A_686 : vector<16xi32>
      %broadcast_in_dim3A_688 = vector.shape_cast %xor3A_687 : vector<16xi32> to vector<16x1xi32>
      %gather3A_689 = vector.shape_cast %broadcast_in_dim3A_688 : vector<16x1xi32> to vector<16xi32>
      %gather3A_690 = tpu.dynamic_gather %add3A_684[%gather3A_689] in [0] : vector<16xf32>, vector<16xi32> -> vector<16xf32>
      %add3A_691 = arith.addf %add3A_684, %gather3A_690 : vector<16xf32>
      %eq3A_692 = arith.constant 5 : i32
      %eq3A_693 = vector.broadcast %eq3A_692 : i32 to vector<16xi32>
      %eq3A_694 = arith.cmpi eq, %iota3A, %eq3A_693 : vector<16xi32>
      %select_n3A_695 = arith.select %eq3A_694, %add3A_691, %select_n3A_582 : vector<16xi1>, vector<16xf32>
      %add3A_696 = arith.constant 6 : i32
      %add3A_697 = arith.addi %multiple_of3A, %add3A_696 : i32
      %get3A_698 = arith.index_cast %add3A_697 : i32 to index
      %get3A_699 = arith.constant 0 : index
      %get3A_700 = tpu.vector_load %arg8[%get3A_698, %get3A_699] {strides = array<i32>} : memref<128x128xf32, #tpu.memory_space<vmem>>, vector<1x16xf32>,
      %get3A_701 = vector.shape_cast %get3A_700 : vector<1x16xf32> to vector<16xf32>
      %get3A_702 = arith.index_cast %add3A_697 : i32 to index
      %get3A_703 = arith.constant 0 : index
      %get3A_704 = tpu.vector_load %arg7[%get3A_702, %get3A_703] {strides = array<i32>} : memref<128x128xf32, #tpu.memory_space<vmem>>, vector<1x16xf32>,
      %get3A_705 = vector.shape_cast %get3A_704 : vector<1x16xf32> to vector<16xf32>
      %mul3A_706 = arith.mulf %get3A_701, %get3A_705 : vector<16xf32>
      %get3A_707 = arith.index_cast %add3A_697 : i32 to index
      %get3A_708 = arith.constant 16 : index
      %get3A_709 = tpu.vector_load %arg8[%get3A_707, %get3A_708] {strides = array<i32>} : memref<128x128xf32, #tpu.memory_space<vmem>>, vector<1x16xf32>,
      %get3A_710 = vector.shape_cast %get3A_709 : vector<1x16xf32> to vector<16xf32>
      %get3A_711 = arith.index_cast %add3A_697 : i32 to index
      %get3A_712 = arith.constant 16 : index
      %get3A_713 = tpu.vector_load %arg7[%get3A_711, %get3A_712] {strides = array<i32>} : memref<128x128xf32, #tpu.memory_space<vmem>>, vector<1x16xf32>,
      %get3A_714 = vector.shape_cast %get3A_713 : vector<1x16xf32> to vector<16xf32>
      %mul3A_715 = arith.mulf %get3A_710, %get3A_714 : vector<16xf32>
      %add3A_716 = arith.addf %mul3A_706, %mul3A_715 : vector<16xf32>
      %get3A_717 = arith.index_cast %add3A_697 : i32 to index
      %get3A_718 = arith.constant 32 : index
      %get3A_719 = tpu.vector_load %arg8[%get3A_717, %get3A_718] {strides = array<i32>} : memref<128x128xf32, #tpu.memory_space<vmem>>, vector<1x16xf32>,
      %get3A_720 = vector.shape_cast %get3A_719 : vector<1x16xf32> to vector<16xf32>
      %get3A_721 = arith.index_cast %add3A_697 : i32 to index
      %get3A_722 = arith.constant 32 : index
      %get3A_723 = tpu.vector_load %arg7[%get3A_721, %get3A_722] {strides = array<i32>} : memref<128x128xf32, #tpu.memory_space<vmem>>, vector<1x16xf32>,
      %get3A_724 = vector.shape_cast %get3A_723 : vector<1x16xf32> to vector<16xf32>
      %mul3A_725 = arith.mulf %get3A_720, %get3A_724 : vector<16xf32>
      %add3A_726 = arith.addf %add3A_716, %mul3A_725 : vector<16xf32>
      %get3A_727 = arith.index_cast %add3A_697 : i32 to index
      %get3A_728 = arith.constant 48 : index
      %get3A_729 = tpu.vector_load %arg8[%get3A_727, %get3A_728] {strides = array<i32>} : memref<128x128xf32, #tpu.memory_space<vmem>>, vector<1x16xf32>,
      %get3A_730 = vector.shape_cast %get3A_729 : vector<1x16xf32> to vector<16xf32>
      %get3A_731 = arith.index_cast %add3A_697 : i32 to index
      %get3A_732 = arith.constant 48 : index
      %get3A_733 = tpu.vector_load %arg7[%get3A_731, %get3A_732] {strides = array<i32>} : memref<128x128xf32, #tpu.memory_space<vmem>>, vector<1x16xf32>,
      %get3A_734 = vector.shape_cast %get3A_733 : vector<1x16xf32> to vector<16xf32>
      %mul3A_735 = arith.mulf %get3A_730, %get3A_734 : vector<16xf32>
      %add3A_736 = arith.addf %add3A_726, %mul3A_735 : vector<16xf32>
      %get3A_737 = arith.index_cast %add3A_697 : i32 to index
      %get3A_738 = arith.constant 64 : index
      %get3A_739 = tpu.vector_load %arg8[%get3A_737, %get3A_738] {strides = array<i32>} : memref<128x128xf32, #tpu.memory_space<vmem>>, vector<1x16xf32>,
      %get3A_740 = vector.shape_cast %get3A_739 : vector<1x16xf32> to vector<16xf32>
      %get3A_741 = arith.index_cast %add3A_697 : i32 to index
      %get3A_742 = arith.constant 64 : index
      %get3A_743 = tpu.vector_load %arg7[%get3A_741, %get3A_742] {strides = array<i32>} : memref<128x128xf32, #tpu.memory_space<vmem>>, vector<1x16xf32>,
      %get3A_744 = vector.shape_cast %get3A_743 : vector<1x16xf32> to vector<16xf32>
      %mul3A_745 = arith.mulf %get3A_740, %get3A_744 : vector<16xf32>
      %add3A_746 = arith.addf %add3A_736, %mul3A_745 : vector<16xf32>
      %get3A_747 = arith.index_cast %add3A_697 : i32 to index
      %get3A_748 = arith.constant 80 : index
      %get3A_749 = tpu.vector_load %arg8[%get3A_747, %get3A_748] {strides = array<i32>} : memref<128x128xf32, #tpu.memory_space<vmem>>, vector<1x16xf32>,
      %get3A_750 = vector.shape_cast %get3A_749 : vector<1x16xf32> to vector<16xf32>
      %get3A_751 = arith.index_cast %add3A_697 : i32 to index
      %get3A_752 = arith.constant 80 : index
      %get3A_753 = tpu.vector_load %arg7[%get3A_751, %get3A_752] {strides = array<i32>} : memref<128x128xf32, #tpu.memory_space<vmem>>, vector<1x16xf32>,
      %get3A_754 = vector.shape_cast %get3A_753 : vector<1x16xf32> to vector<16xf32>
      %mul3A_755 = arith.mulf %get3A_750, %get3A_754 : vector<16xf32>
      %add3A_756 = arith.addf %add3A_746, %mul3A_755 : vector<16xf32>
      %get3A_757 = arith.index_cast %add3A_697 : i32 to index
      %get3A_758 = arith.constant 96 : index
      %get3A_759 = tpu.vector_load %arg8[%get3A_757, %get3A_758] {strides = array<i32>} : memref<128x128xf32, #tpu.memory_space<vmem>>, vector<1x16xf32>,
      %get3A_760 = vector.shape_cast %get3A_759 : vector<1x16xf32> to vector<16xf32>
      %get3A_761 = arith.index_cast %add3A_697 : i32 to index
      %get3A_762 = arith.constant 96 : index
      %get3A_763 = tpu.vector_load %arg7[%get3A_761, %get3A_762] {strides = array<i32>} : memref<128x128xf32, #tpu.memory_space<vmem>>, vector<1x16xf32>,
      %get3A_764 = vector.shape_cast %get3A_763 : vector<1x16xf32> to vector<16xf32>
      %mul3A_765 = arith.mulf %get3A_760, %get3A_764 : vector<16xf32>
      %add3A_766 = arith.addf %add3A_756, %mul3A_765 : vector<16xf32>
      %get3A_767 = arith.index_cast %add3A_697 : i32 to index
      %get3A_768 = arith.constant 112 : index
      %get3A_769 = tpu.vector_load %arg8[%get3A_767, %get3A_768] {strides = array<i32>} : memref<128x128xf32, #tpu.memory_space<vmem>>, vector<1x16xf32>,
      %get3A_770 = vector.shape_cast %get3A_769 : vector<1x16xf32> to vector<16xf32>
      %get3A_771 = arith.index_cast %add3A_697 : i32 to index
      %get3A_772 = arith.constant 112 : index
      %get3A_773 = tpu.vector_load %arg7[%get3A_771, %get3A_772] {strides = array<i32>} : memref<128x128xf32, #tpu.memory_space<vmem>>, vector<1x16xf32>,
      %get3A_774 = vector.shape_cast %get3A_773 : vector<1x16xf32> to vector<16xf32>
      %mul3A_775 = arith.mulf %get3A_770, %get3A_774 : vector<16xf32>
      %add3A_776 = arith.addf %add3A_766, %mul3A_775 : vector<16xf32>
      %xor3A_777 = arith.constant 1 : i32
      %xor3A_778 = vector.broadcast %xor3A_777 : i32 to vector<16xi32>
      %xor3A_779 = arith.xori %iota3A, %xor3A_778 : vector<16xi32>
      %broadcast_in_dim3A_780 = vector.shape_cast %xor3A_779 : vector<16xi32> to vector<16x1xi32>
      %gather3A_781 = vector.shape_cast %broadcast_in_dim3A_780 : vector<16x1xi32> to vector<16xi32>
      %gather3A_782 = tpu.dynamic_gather %add3A_776[%gather3A_781] in [0] : vector<16xf32>, vector<16xi32> -> vector<16xf32>
      %add3A_783 = arith.addf %add3A_776, %gather3A_782 : vector<16xf32>
      %xor3A_784 = arith.constant 2 : i32
      %xor3A_785 = vector.broadcast %xor3A_784 : i32 to vector<16xi32>
      %xor3A_786 = arith.xori %iota3A, %xor3A_785 : vector<16xi32>
      %broadcast_in_dim3A_787 = vector.shape_cast %xor3A_786 : vector<16xi32> to vector<16x1xi32>
      %gather3A_788 = vector.shape_cast %broadcast_in_dim3A_787 : vector<16x1xi32> to vector<16xi32>
      %gather3A_789 = tpu.dynamic_gather %add3A_783[%gather3A_788] in [0] : vector<16xf32>, vector<16xi32> -> vector<16xf32>
      %add3A_790 = arith.addf %add3A_783, %gather3A_789 : vector<16xf32>
      %xor3A_791 = arith.constant 4 : i32
      %xor3A_792 = vector.broadcast %xor3A_791 : i32 to vector<16xi32>
      %xor3A_793 = arith.xori %iota3A, %xor3A_792 : vector<16xi32>
      %broadcast_in_dim3A_794 = vector.shape_cast %xor3A_793 : vector<16xi32> to vector<16x1xi32>
      %gather3A_795 = vector.shape_cast %broadcast_in_dim3A_794 : vector<16x1xi32> to vector<16xi32>
      %gather3A_796 = tpu.dynamic_gather %add3A_790[%gather3A_795] in [0] : vector<16xf32>, vector<16xi32> -> vector<16xf32>
      %add3A_797 = arith.addf %add3A_790, %gather3A_796 : vector<16xf32>
      %xor3A_798 = arith.constant 8 : i32
      %xor3A_799 = vector.broadcast %xor3A_798 : i32 to vector<16xi32>
      %xor3A_800 = arith.xori %iota3A, %xor3A_799 : vector<16xi32>
      %broadcast_in_dim3A_801 = vector.shape_cast %xor3A_800 : vector<16xi32> to vector<16x1xi32>
      %gather3A_802 = vector.shape_cast %broadcast_in_dim3A_801 : vector<16x1xi32> to vector<16xi32>
      %gather3A_803 = tpu.dynamic_gather %add3A_797[%gather3A_802] in [0] : vector<16xf32>, vector<16xi32> -> vector<16xf32>
      %add3A_804 = arith.addf %add3A_797, %gather3A_803 : vector<16xf32>
      %eq3A_805 = arith.constant 6 : i32
      %eq3A_806 = vector.broadcast %eq3A_805 : i32 to vector<16xi32>
      %eq3A_807 = arith.cmpi eq, %iota3A, %eq3A_806 : vector<16xi32>
      %select_n3A_808 = arith.select %eq3A_807, %add3A_804, %select_n3A_695 : vector<16xi1>, vector<16xf32>
      %add3A_809 = arith.constant 7 : i32
      %add3A_810 = arith.addi %multiple_of3A, %add3A_809 : i32
      %get3A_811 = arith.index_cast %add3A_810 : i32 to index
      %get3A_812 = arith.constant 0 : index
      %get3A_813 = tpu.vector_load %arg8[%get3A_811, %get3A_812] {strides = array<i32>} : memref<128x128xf32, #tpu.memory_space<vmem>>, vector<1x16xf32>,
      %get3A_814 = vector.shape_cast %get3A_813 : vector<1x16xf32> to vector<16xf32>
      %get3A_815 = arith.index_cast %add3A_810 : i32 to index
      %get3A_816 = arith.constant 0 : index
      %get3A_817 = tpu.vector_load %arg7[%get3A_815, %get3A_816] {strides = array<i32>} : memref<128x128xf32, #tpu.memory_space<vmem>>, vector<1x16xf32>,
      %get3A_818 = vector.shape_cast %get3A_817 : vector<1x16xf32> to vector<16xf32>
      %mul3A_819 = arith.mulf %get3A_814, %get3A_818 : vector<16xf32>
      %get3A_820 = arith.index_cast %add3A_810 : i32 to index
      %get3A_821 = arith.constant 16 : index
      %get3A_822 = tpu.vector_load %arg8[%get3A_820, %get3A_821] {strides = array<i32>} : memref<128x128xf32, #tpu.memory_space<vmem>>, vector<1x16xf32>,
      %get3A_823 = vector.shape_cast %get3A_822 : vector<1x16xf32> to vector<16xf32>
      %get3A_824 = arith.index_cast %add3A_810 : i32 to index
      %get3A_825 = arith.constant 16 : index
      %get3A_826 = tpu.vector_load %arg7[%get3A_824, %get3A_825] {strides = array<i32>} : memref<128x128xf32, #tpu.memory_space<vmem>>, vector<1x16xf32>,
      %get3A_827 = vector.shape_cast %get3A_826 : vector<1x16xf32> to vector<16xf32>
      %mul3A_828 = arith.mulf %get3A_823, %get3A_827 : vector<16xf32>
      %add3A_829 = arith.addf %mul3A_819, %mul3A_828 : vector<16xf32>
      %get3A_830 = arith.index_cast %add3A_810 : i32 to index
      %get3A_831 = arith.constant 32 : index
      %get3A_832 = tpu.vector_load %arg8[%get3A_830, %get3A_831] {strides = array<i32>} : memref<128x128xf32, #tpu.memory_space<vmem>>, vector<1x16xf32>,
      %get3A_833 = vector.shape_cast %get3A_832 : vector<1x16xf32> to vector<16xf32>
      %get3A_834 = arith.index_cast %add3A_810 : i32 to index
      %get3A_835 = arith.constant 32 : index
      %get3A_836 = tpu.vector_load %arg7[%get3A_834, %get3A_835] {strides = array<i32>} : memref<128x128xf32, #tpu.memory_space<vmem>>, vector<1x16xf32>,
      %get3A_837 = vector.shape_cast %get3A_836 : vector<1x16xf32> to vector<16xf32>
      %mul3A_838 = arith.mulf %get3A_833, %get3A_837 : vector<16xf32>
      %add3A_839 = arith.addf %add3A_829, %mul3A_838 : vector<16xf32>
      %get3A_840 = arith.index_cast %add3A_810 : i32 to index
      %get3A_841 = arith.constant 48 : index
      %get3A_842 = tpu.vector_load %arg8[%get3A_840, %get3A_841] {strides = array<i32>} : memref<128x128xf32, #tpu.memory_space<vmem>>, vector<1x16xf32>,
      %get3A_843 = vector.shape_cast %get3A_842 : vector<1x16xf32> to vector<16xf32>
      %get3A_844 = arith.index_cast %add3A_810 : i32 to index
      %get3A_845 = arith.constant 48 : index
      %get3A_846 = tpu.vector_load %arg7[%get3A_844, %get3A_845] {strides = array<i32>} : memref<128x128xf32, #tpu.memory_space<vmem>>, vector<1x16xf32>,
      %get3A_847 = vector.shape_cast %get3A_846 : vector<1x16xf32> to vector<16xf32>
      %mul3A_848 = arith.mulf %get3A_843, %get3A_847 : vector<16xf32>
      %add3A_849 = arith.addf %add3A_839, %mul3A_848 : vector<16xf32>
      %get3A_850 = arith.index_cast %add3A_810 : i32 to index
      %get3A_851 = arith.constant 64 : index
      %get3A_852 = tpu.vector_load %arg8[%get3A_850, %get3A_851] {strides = array<i32>} : memref<128x128xf32, #tpu.memory_space<vmem>>, vector<1x16xf32>,
      %get3A_853 = vector.shape_cast %get3A_852 : vector<1x16xf32> to vector<16xf32>
      %get3A_854 = arith.index_cast %add3A_810 : i32 to index
      %get3A_855 = arith.constant 64 : index
      %get3A_856 = tpu.vector_load %arg7[%get3A_854, %get3A_855] {strides = array<i32>} : memref<128x128xf32, #tpu.memory_space<vmem>>, vector<1x16xf32>,
      %get3A_857 = vector.shape_cast %get3A_856 : vector<1x16xf32> to vector<16xf32>
      %mul3A_858 = arith.mulf %get3A_853, %get3A_857 : vector<16xf32>
      %add3A_859 = arith.addf %add3A_849, %mul3A_858 : vector<16xf32>
      %get3A_860 = arith.index_cast %add3A_810 : i32 to index
      %get3A_861 = arith.constant 80 : index
      %get3A_862 = tpu.vector_load %arg8[%get3A_860, %get3A_861] {strides = array<i32>} : memref<128x128xf32, #tpu.memory_space<vmem>>, vector<1x16xf32>,
      %get3A_863 = vector.shape_cast %get3A_862 : vector<1x16xf32> to vector<16xf32>
      %get3A_864 = arith.index_cast %add3A_810 : i32 to index
      %get3A_865 = arith.constant 80 : index
      %get3A_866 = tpu.vector_load %arg7[%get3A_864, %get3A_865] {strides = array<i32>} : memref<128x128xf32, #tpu.memory_space<vmem>>, vector<1x16xf32>,
      %get3A_867 = vector.shape_cast %get3A_866 : vector<1x16xf32> to vector<16xf32>
      %mul3A_868 = arith.mulf %get3A_863, %get3A_867 : vector<16xf32>
      %add3A_869 = arith.addf %add3A_859, %mul3A_868 : vector<16xf32>
      %get3A_870 = arith.index_cast %add3A_810 : i32 to index
      %get3A_871 = arith.constant 96 : index
      %get3A_872 = tpu.vector_load %arg8[%get3A_870, %get3A_871] {strides = array<i32>} : memref<128x128xf32, #tpu.memory_space<vmem>>, vector<1x16xf32>,
      %get3A_873 = vector.shape_cast %get3A_872 : vector<1x16xf32> to vector<16xf32>
      %get3A_874 = arith.index_cast %add3A_810 : i32 to index
      %get3A_875 = arith.constant 96 : index
      %get3A_876 = tpu.vector_load %arg7[%get3A_874, %get3A_875] {strides = array<i32>} : memref<128x128xf32, #tpu.memory_space<vmem>>, vector<1x16xf32>,
      %get3A_877 = vector.shape_cast %get3A_876 : vector<1x16xf32> to vector<16xf32>
      %mul3A_878 = arith.mulf %get3A_873, %get3A_877 : vector<16xf32>
      %add3A_879 = arith.addf %add3A_869, %mul3A_878 : vector<16xf32>
      %get3A_880 = arith.index_cast %add3A_810 : i32 to index
      %get3A_881 = arith.constant 112 : index
      %get3A_882 = tpu.vector_load %arg8[%get3A_880, %get3A_881] {strides = array<i32>} : memref<128x128xf32, #tpu.memory_space<vmem>>, vector<1x16xf32>,
      %get3A_883 = vector.shape_cast %get3A_882 : vector<1x16xf32> to vector<16xf32>
      %get3A_884 = arith.index_cast %add3A_810 : i32 to index
      %get3A_885 = arith.constant 112 : index
      %get3A_886 = tpu.vector_load %arg7[%get3A_884, %get3A_885] {strides = array<i32>} : memref<128x128xf32, #tpu.memory_space<vmem>>, vector<1x16xf32>,
      %get3A_887 = vector.shape_cast %get3A_886 : vector<1x16xf32> to vector<16xf32>
      %mul3A_888 = arith.mulf %get3A_883, %get3A_887 : vector<16xf32>
      %add3A_889 = arith.addf %add3A_879, %mul3A_888 : vector<16xf32>
      %xor3A_890 = arith.constant 1 : i32
      %xor3A_891 = vector.broadcast %xor3A_890 : i32 to vector<16xi32>
      %xor3A_892 = arith.xori %iota3A, %xor3A_891 : vector<16xi32>
      %broadcast_in_dim3A_893 = vector.shape_cast %xor3A_892 : vector<16xi32> to vector<16x1xi32>
      %gather3A_894 = vector.shape_cast %broadcast_in_dim3A_893 : vector<16x1xi32> to vector<16xi32>
      %gather3A_895 = tpu.dynamic_gather %add3A_889[%gather3A_894] in [0] : vector<16xf32>, vector<16xi32> -> vector<16xf32>
      %add3A_896 = arith.addf %add3A_889, %gather3A_895 : vector<16xf32>
      %xor3A_897 = arith.constant 2 : i32
      %xor3A_898 = vector.broadcast %xor3A_897 : i32 to vector<16xi32>
      %xor3A_899 = arith.xori %iota3A, %xor3A_898 : vector<16xi32>
      %broadcast_in_dim3A_900 = vector.shape_cast %xor3A_899 : vector<16xi32> to vector<16x1xi32>
      %gather3A_901 = vector.shape_cast %broadcast_in_dim3A_900 : vector<16x1xi32> to vector<16xi32>
      %gather3A_902 = tpu.dynamic_gather %add3A_896[%gather3A_901] in [0] : vector<16xf32>, vector<16xi32> -> vector<16xf32>
      %add3A_903 = arith.addf %add3A_896, %gather3A_902 : vector<16xf32>
      %xor3A_904 = arith.constant 4 : i32
      %xor3A_905 = vector.broadcast %xor3A_904 : i32 to vector<16xi32>
      %xor3A_906 = arith.xori %iota3A, %xor3A_905 : vector<16xi32>
      %broadcast_in_dim3A_907 = vector.shape_cast %xor3A_906 : vector<16xi32> to vector<16x1xi32>
      %gather3A_908 = vector.shape_cast %broadcast_in_dim3A_907 : vector<16x1xi32> to vector<16xi32>
      %gather3A_909 = tpu.dynamic_gather %add3A_903[%gather3A_908] in [0] : vector<16xf32>, vector<16xi32> -> vector<16xf32>
      %add3A_910 = arith.addf %add3A_903, %gather3A_909 : vector<16xf32>
      %xor3A_911 = arith.constant 8 : i32
      %xor3A_912 = vector.broadcast %xor3A_911 : i32 to vector<16xi32>
      %xor3A_913 = arith.xori %iota3A, %xor3A_912 : vector<16xi32>
      %broadcast_in_dim3A_914 = vector.shape_cast %xor3A_913 : vector<16xi32> to vector<16x1xi32>
      %gather3A_915 = vector.shape_cast %broadcast_in_dim3A_914 : vector<16x1xi32> to vector<16xi32>
      %gather3A_916 = tpu.dynamic_gather %add3A_910[%gather3A_915] in [0] : vector<16xf32>, vector<16xi32> -> vector<16xf32>
      %add3A_917 = arith.addf %add3A_910, %gather3A_916 : vector<16xf32>
      %eq3A_918 = arith.constant 7 : i32
      %eq3A_919 = vector.broadcast %eq3A_918 : i32 to vector<16xi32>
      %eq3A_920 = arith.cmpi eq, %iota3A, %eq3A_919 : vector<16xi32>
      %select_n3A_921 = arith.select %eq3A_920, %add3A_917, %select_n3A_808 : vector<16xi1>, vector<16xf32>
      %add3A_922 = arith.constant 8 : i32
      %add3A_923 = arith.addi %multiple_of3A, %add3A_922 : i32
      %get3A_924 = arith.index_cast %add3A_923 : i32 to index
      %get3A_925 = arith.constant 0 : index
      %get3A_926 = tpu.vector_load %arg8[%get3A_924, %get3A_925] {strides = array<i32>} : memref<128x128xf32, #tpu.memory_space<vmem>>, vector<1x16xf32>,
      %get3A_927 = vector.shape_cast %get3A_926 : vector<1x16xf32> to vector<16xf32>
      %get3A_928 = arith.index_cast %add3A_923 : i32 to index
      %get3A_929 = arith.constant 0 : index
      %get3A_930 = tpu.vector_load %arg7[%get3A_928, %get3A_929] {strides = array<i32>} : memref<128x128xf32, #tpu.memory_space<vmem>>, vector<1x16xf32>,
      %get3A_931 = vector.shape_cast %get3A_930 : vector<1x16xf32> to vector<16xf32>
      %mul3A_932 = arith.mulf %get3A_927, %get3A_931 : vector<16xf32>
      %get3A_933 = arith.index_cast %add3A_923 : i32 to index
      %get3A_934 = arith.constant 16 : index
      %get3A_935 = tpu.vector_load %arg8[%get3A_933, %get3A_934] {strides = array<i32>} : memref<128x128xf32, #tpu.memory_space<vmem>>, vector<1x16xf32>,
      %get3A_936 = vector.shape_cast %get3A_935 : vector<1x16xf32> to vector<16xf32>
      %get3A_937 = arith.index_cast %add3A_923 : i32 to index
      %get3A_938 = arith.constant 16 : index
      %get3A_939 = tpu.vector_load %arg7[%get3A_937, %get3A_938] {strides = array<i32>} : memref<128x128xf32, #tpu.memory_space<vmem>>, vector<1x16xf32>,
      %get3A_940 = vector.shape_cast %get3A_939 : vector<1x16xf32> to vector<16xf32>
      %mul3A_941 = arith.mulf %get3A_936, %get3A_940 : vector<16xf32>
      %add3A_942 = arith.addf %mul3A_932, %mul3A_941 : vector<16xf32>
      %get3A_943 = arith.index_cast %add3A_923 : i32 to index
      %get3A_944 = arith.constant 32 : index
      %get3A_945 = tpu.vector_load %arg8[%get3A_943, %get3A_944] {strides = array<i32>} : memref<128x128xf32, #tpu.memory_space<vmem>>, vector<1x16xf32>,
      %get3A_946 = vector.shape_cast %get3A_945 : vector<1x16xf32> to vector<16xf32>
      %get3A_947 = arith.index_cast %add3A_923 : i32 to index
      %get3A_948 = arith.constant 32 : index
      %get3A_949 = tpu.vector_load %arg7[%get3A_947, %get3A_948] {strides = array<i32>} : memref<128x128xf32, #tpu.memory_space<vmem>>, vector<1x16xf32>,
      %get3A_950 = vector.shape_cast %get3A_949 : vector<1x16xf32> to vector<16xf32>
      %mul3A_951 = arith.mulf %get3A_946, %get3A_950 : vector<16xf32>
      %add3A_952 = arith.addf %add3A_942, %mul3A_951 : vector<16xf32>
      %get3A_953 = arith.index_cast %add3A_923 : i32 to index
      %get3A_954 = arith.constant 48 : index
      %get3A_955 = tpu.vector_load %arg8[%get3A_953, %get3A_954] {strides = array<i32>} : memref<128x128xf32, #tpu.memory_space<vmem>>, vector<1x16xf32>,
      %get3A_956 = vector.shape_cast %get3A_955 : vector<1x16xf32> to vector<16xf32>
      %get3A_957 = arith.index_cast %add3A_923 : i32 to index
      %get3A_958 = arith.constant 48 : index
      %get3A_959 = tpu.vector_load %arg7[%get3A_957, %get3A_958] {strides = array<i32>} : memref<128x128xf32, #tpu.memory_space<vmem>>, vector<1x16xf32>,
      %get3A_960 = vector.shape_cast %get3A_959 : vector<1x16xf32> to vector<16xf32>
      %mul3A_961 = arith.mulf %get3A_956, %get3A_960 : vector<16xf32>
      %add3A_962 = arith.addf %add3A_952, %mul3A_961 : vector<16xf32>
      %get3A_963 = arith.index_cast %add3A_923 : i32 to index
      %get3A_964 = arith.constant 64 : index
      %get3A_965 = tpu.vector_load %arg8[%get3A_963, %get3A_964] {strides = array<i32>} : memref<128x128xf32, #tpu.memory_space<vmem>>, vector<1x16xf32>,
      %get3A_966 = vector.shape_cast %get3A_965 : vector<1x16xf32> to vector<16xf32>
      %get3A_967 = arith.index_cast %add3A_923 : i32 to index
      %get3A_968 = arith.constant 64 : index
      %get3A_969 = tpu.vector_load %arg7[%get3A_967, %get3A_968] {strides = array<i32>} : memref<128x128xf32, #tpu.memory_space<vmem>>, vector<1x16xf32>,
      %get3A_970 = vector.shape_cast %get3A_969 : vector<1x16xf32> to vector<16xf32>
      %mul3A_971 = arith.mulf %get3A_966, %get3A_970 : vector<16xf32>
      %add3A_972 = arith.addf %add3A_962, %mul3A_971 : vector<16xf32>
      %get3A_973 = arith.index_cast %add3A_923 : i32 to index
      %get3A_974 = arith.constant 80 : index
      %get3A_975 = tpu.vector_load %arg8[%get3A_973, %get3A_974] {strides = array<i32>} : memref<128x128xf32, #tpu.memory_space<vmem>>, vector<1x16xf32>,
      %get3A_976 = vector.shape_cast %get3A_975 : vector<1x16xf32> to vector<16xf32>
      %get3A_977 = arith.index_cast %add3A_923 : i32 to index
      %get3A_978 = arith.constant 80 : index
      %get3A_979 = tpu.vector_load %arg7[%get3A_977, %get3A_978] {strides = array<i32>} : memref<128x128xf32, #tpu.memory_space<vmem>>, vector<1x16xf32>,
      %get3A_980 = vector.shape_cast %get3A_979 : vector<1x16xf32> to vector<16xf32>
      %mul3A_981 = arith.mulf %get3A_976, %get3A_980 : vector<16xf32>
      %add3A_982 = arith.addf %add3A_972, %mul3A_981 : vector<16xf32>
      %get3A_983 = arith.index_cast %add3A_923 : i32 to index
      %get3A_984 = arith.constant 96 : index
      %get3A_985 = tpu.vector_load %arg8[%get3A_983, %get3A_984] {strides = array<i32>} : memref<128x128xf32, #tpu.memory_space<vmem>>, vector<1x16xf32>,
      %get3A_986 = vector.shape_cast %get3A_985 : vector<1x16xf32> to vector<16xf32>
      %get3A_987 = arith.index_cast %add3A_923 : i32 to index
      %get3A_988 = arith.constant 96 : index
      %get3A_989 = tpu.vector_load %arg7[%get3A_987, %get3A_988] {strides = array<i32>} : memref<128x128xf32, #tpu.memory_space<vmem>>, vector<1x16xf32>,
      %get3A_990 = vector.shape_cast %get3A_989 : vector<1x16xf32> to vector<16xf32>
      %mul3A_991 = arith.mulf %get3A_986, %get3A_990 : vector<16xf32>
      %add3A_992 = arith.addf %add3A_982, %mul3A_991 : vector<16xf32>
      %get3A_993 = arith.index_cast %add3A_923 : i32 to index
      %get3A_994 = arith.constant 112 : index
      %get3A_995 = tpu.vector_load %arg8[%get3A_993, %get3A_994] {strides = array<i32>} : memref<128x128xf32, #tpu.memory_space<vmem>>, vector<1x16xf32>,
      %get3A_996 = vector.shape_cast %get3A_995 : vector<1x16xf32> to vector<16xf32>
      %get3A_997 = arith.index_cast %add3A_923 : i32 to index
      %get3A_998 = arith.constant 112 : index
      %get3A_999 = tpu.vector_load %arg7[%get3A_997, %get3A_998] {strides = array<i32>} : memref<128x128xf32, #tpu.memory_space<vmem>>, vector<1x16xf32>,
      %get3A_1000 = vector.shape_cast %get3A_999 : vector<1x16xf32> to vector<16xf32>
      %mul3A_1001 = arith.mulf %get3A_996, %get3A_1000 : vector<16xf32>
      %add3A_1002 = arith.addf %add3A_992, %mul3A_1001 : vector<16xf32>
      %xor3A_1003 = arith.constant 1 : i32
      %xor3A_1004 = vector.broadcast %xor3A_1003 : i32 to vector<16xi32>
      %xor3A_1005 = arith.xori %iota3A, %xor3A_1004 : vector<16xi32>
      %broadcast_in_dim3A_1006 = vector.shape_cast %xor3A_1005 : vector<16xi32> to vector<16x1xi32>
      %gather3A_1007 = vector.shape_cast %broadcast_in_dim3A_1006 : vector<16x1xi32> to vector<16xi32>
      %gather3A_1008 = tpu.dynamic_gather %add3A_1002[%gather3A_1007] in [0] : vector<16xf32>, vector<16xi32> -> vector<16xf32>
      %add3A_1009 = arith.addf %add3A_1002, %gather3A_1008 : vector<16xf32>
      %xor3A_1010 = arith.constant 2 : i32
      %xor3A_1011 = vector.broadcast %xor3A_1010 : i32 to vector<16xi32>
      %xor3A_1012 = arith.xori %iota3A, %xor3A_1011 : vector<16xi32>
      %broadcast_in_dim3A_1013 = vector.shape_cast %xor3A_1012 : vector<16xi32> to vector<16x1xi32>
      %gather3A_1014 = vector.shape_cast %broadcast_in_dim3A_1013 : vector<16x1xi32> to vector<16xi32>
      %gather3A_1015 = tpu.dynamic_gather %add3A_1009[%gather3A_1014] in [0] : vector<16xf32>, vector<16xi32> -> vector<16xf32>
      %add3A_1016 = arith.addf %add3A_1009, %gather3A_1015 : vector<16xf32>
      %xor3A_1017 = arith.constant 4 : i32
      %xor3A_1018 = vector.broadcast %xor3A_1017 : i32 to vector<16xi32>
      %xor3A_1019 = arith.xori %iota3A, %xor3A_1018 : vector<16xi32>
      %broadcast_in_dim3A_1020 = vector.shape_cast %xor3A_1019 : vector<16xi32> to vector<16x1xi32>
      %gather3A_1021 = vector.shape_cast %broadcast_in_dim3A_1020 : vector<16x1xi32> to vector<16xi32>
      %gather3A_1022 = tpu.dynamic_gather %add3A_1016[%gather3A_1021] in [0] : vector<16xf32>, vector<16xi32> -> vector<16xf32>
      %add3A_1023 = arith.addf %add3A_1016, %gather3A_1022 : vector<16xf32>
      %xor3A_1024 = arith.constant 8 : i32
      %xor3A_1025 = vector.broadcast %xor3A_1024 : i32 to vector<16xi32>
      %xor3A_1026 = arith.xori %iota3A, %xor3A_1025 : vector<16xi32>
      %broadcast_in_dim3A_1027 = vector.shape_cast %xor3A_1026 : vector<16xi32> to vector<16x1xi32>
      %gather3A_1028 = vector.shape_cast %broadcast_in_dim3A_1027 : vector<16x1xi32> to vector<16xi32>
      %gather3A_1029 = tpu.dynamic_gather %add3A_1023[%gather3A_1028] in [0] : vector<16xf32>, vector<16xi32> -> vector<16xf32>
      %add3A_1030 = arith.addf %add3A_1023, %gather3A_1029 : vector<16xf32>
      %eq3A_1031 = arith.constant 8 : i32
      %eq3A_1032 = vector.broadcast %eq3A_1031 : i32 to vector<16xi32>
      %eq3A_1033 = arith.cmpi eq, %iota3A, %eq3A_1032 : vector<16xi32>
      %select_n3A_1034 = arith.select %eq3A_1033, %add3A_1030, %select_n3A_921 : vector<16xi1>, vector<16xf32>
      %add3A_1035 = arith.constant 9 : i32
      %add3A_1036 = arith.addi %multiple_of3A, %add3A_1035 : i32
      %get3A_1037 = arith.index_cast %add3A_1036 : i32 to index
      %get3A_1038 = arith.constant 0 : index
      %get3A_1039 = tpu.vector_load %arg8[%get3A_1037, %get3A_1038] {strides = array<i32>} : memref<128x128xf32, #tpu.memory_space<vmem>>, vector<1x16xf32>,
      %get3A_1040 = vector.shape_cast %get3A_1039 : vector<1x16xf32> to vector<16xf32>
      %get3A_1041 = arith.index_cast %add3A_1036 : i32 to index
      %get3A_1042 = arith.constant 0 : index
      %get3A_1043 = tpu.vector_load %arg7[%get3A_1041, %get3A_1042] {strides = array<i32>} : memref<128x128xf32, #tpu.memory_space<vmem>>, vector<1x16xf32>,
      %get3A_1044 = vector.shape_cast %get3A_1043 : vector<1x16xf32> to vector<16xf32>
      %mul3A_1045 = arith.mulf %get3A_1040, %get3A_1044 : vector<16xf32>
      %get3A_1046 = arith.index_cast %add3A_1036 : i32 to index
      %get3A_1047 = arith.constant 16 : index
      %get3A_1048 = tpu.vector_load %arg8[%get3A_1046, %get3A_1047] {strides = array<i32>} : memref<128x128xf32, #tpu.memory_space<vmem>>, vector<1x16xf32>,
      %get3A_1049 = vector.shape_cast %get3A_1048 : vector<1x16xf32> to vector<16xf32>
      %get3A_1050 = arith.index_cast %add3A_1036 : i32 to index
      %get3A_1051 = arith.constant 16 : index
      %get3A_1052 = tpu.vector_load %arg7[%get3A_1050, %get3A_1051] {strides = array<i32>} : memref<128x128xf32, #tpu.memory_space<vmem>>, vector<1x16xf32>,
      %get3A_1053 = vector.shape_cast %get3A_1052 : vector<1x16xf32> to vector<16xf32>
      %mul3A_1054 = arith.mulf %get3A_1049, %get3A_1053 : vector<16xf32>
      %add3A_1055 = arith.addf %mul3A_1045, %mul3A_1054 : vector<16xf32>
      %get3A_1056 = arith.index_cast %add3A_1036 : i32 to index
      %get3A_1057 = arith.constant 32 : index
      %get3A_1058 = tpu.vector_load %arg8[%get3A_1056, %get3A_1057] {strides = array<i32>} : memref<128x128xf32, #tpu.memory_space<vmem>>, vector<1x16xf32>,
      %get3A_1059 = vector.shape_cast %get3A_1058 : vector<1x16xf32> to vector<16xf32>
      %get3A_1060 = arith.index_cast %add3A_1036 : i32 to index
      %get3A_1061 = arith.constant 32 : index
      %get3A_1062 = tpu.vector_load %arg7[%get3A_1060, %get3A_1061] {strides = array<i32>} : memref<128x128xf32, #tpu.memory_space<vmem>>, vector<1x16xf32>,
      %get3A_1063 = vector.shape_cast %get3A_1062 : vector<1x16xf32> to vector<16xf32>
      %mul3A_1064 = arith.mulf %get3A_1059, %get3A_1063 : vector<16xf32>
      %add3A_1065 = arith.addf %add3A_1055, %mul3A_1064 : vector<16xf32>
      %get3A_1066 = arith.index_cast %add3A_1036 : i32 to index
      %get3A_1067 = arith.constant 48 : index
      %get3A_1068 = tpu.vector_load %arg8[%get3A_1066, %get3A_1067] {strides = array<i32>} : memref<128x128xf32, #tpu.memory_space<vmem>>, vector<1x16xf32>,
      %get3A_1069 = vector.shape_cast %get3A_1068 : vector<1x16xf32> to vector<16xf32>
      %get3A_1070 = arith.index_cast %add3A_1036 : i32 to index
      %get3A_1071 = arith.constant 48 : index
      %get3A_1072 = tpu.vector_load %arg7[%get3A_1070, %get3A_1071] {strides = array<i32>} : memref<128x128xf32, #tpu.memory_space<vmem>>, vector<1x16xf32>,
      %get3A_1073 = vector.shape_cast %get3A_1072 : vector<1x16xf32> to vector<16xf32>
      %mul3A_1074 = arith.mulf %get3A_1069, %get3A_1073 : vector<16xf32>
      %add3A_1075 = arith.addf %add3A_1065, %mul3A_1074 : vector<16xf32>
      %get3A_1076 = arith.index_cast %add3A_1036 : i32 to index
      %get3A_1077 = arith.constant 64 : index
      %get3A_1078 = tpu.vector_load %arg8[%get3A_1076, %get3A_1077] {strides = array<i32>} : memref<128x128xf32, #tpu.memory_space<vmem>>, vector<1x16xf32>,
      %get3A_1079 = vector.shape_cast %get3A_1078 : vector<1x16xf32> to vector<16xf32>
      %get3A_1080 = arith.index_cast %add3A_1036 : i32 to index
      %get3A_1081 = arith.constant 64 : index
      %get3A_1082 = tpu.vector_load %arg7[%get3A_1080, %get3A_1081] {strides = array<i32>} : memref<128x128xf32, #tpu.memory_space<vmem>>, vector<1x16xf32>,
      %get3A_1083 = vector.shape_cast %get3A_1082 : vector<1x16xf32> to vector<16xf32>
      %mul3A_1084 = arith.mulf %get3A_1079, %get3A_1083 : vector<16xf32>
      %add3A_1085 = arith.addf %add3A_1075, %mul3A_1084 : vector<16xf32>
      %get3A_1086 = arith.index_cast %add3A_1036 : i32 to index
      %get3A_1087 = arith.constant 80 : index
      %get3A_1088 = tpu.vector_load %arg8[%get3A_1086, %get3A_1087] {strides = array<i32>} : memref<128x128xf32, #tpu.memory_space<vmem>>, vector<1x16xf32>,
      %get3A_1089 = vector.shape_cast %get3A_1088 : vector<1x16xf32> to vector<16xf32>
      %get3A_1090 = arith.index_cast %add3A_1036 : i32 to index
      %get3A_1091 = arith.constant 80 : index
      %get3A_1092 = tpu.vector_load %arg7[%get3A_1090, %get3A_1091] {strides = array<i32>} : memref<128x128xf32, #tpu.memory_space<vmem>>, vector<1x16xf32>,
      %get3A_1093 = vector.shape_cast %get3A_1092 : vector<1x16xf32> to vector<16xf32>
      %mul3A_1094 = arith.mulf %get3A_1089, %get3A_1093 : vector<16xf32>
      %add3A_1095 = arith.addf %add3A_1085, %mul3A_1094 : vector<16xf32>
      %get3A_1096 = arith.index_cast %add3A_1036 : i32 to index
      %get3A_1097 = arith.constant 96 : index
      %get3A_1098 = tpu.vector_load %arg8[%get3A_1096, %get3A_1097] {strides = array<i32>} : memref<128x128xf32, #tpu.memory_space<vmem>>, vector<1x16xf32>,
      %get3A_1099 = vector.shape_cast %get3A_1098 : vector<1x16xf32> to vector<16xf32>
      %get3A_1100 = arith.index_cast %add3A_1036 : i32 to index
      %get3A_1101 = arith.constant 96 : index
      %get3A_1102 = tpu.vector_load %arg7[%get3A_1100, %get3A_1101] {strides = array<i32>} : memref<128x128xf32, #tpu.memory_space<vmem>>, vector<1x16xf32>,
      %get3A_1103 = vector.shape_cast %get3A_1102 : vector<1x16xf32> to vector<16xf32>
      %mul3A_1104 = arith.mulf %get3A_1099, %get3A_1103 : vector<16xf32>
      %add3A_1105 = arith.addf %add3A_1095, %mul3A_1104 : vector<16xf32>
      %get3A_1106 = arith.index_cast %add3A_1036 : i32 to index
      %get3A_1107 = arith.constant 112 : index
      %get3A_1108 = tpu.vector_load %arg8[%get3A_1106, %get3A_1107] {strides = array<i32>} : memref<128x128xf32, #tpu.memory_space<vmem>>, vector<1x16xf32>,
      %get3A_1109 = vector.shape_cast %get3A_1108 : vector<1x16xf32> to vector<16xf32>
      %get3A_1110 = arith.index_cast %add3A_1036 : i32 to index
      %get3A_1111 = arith.constant 112 : index
      %get3A_1112 = tpu.vector_load %arg7[%get3A_1110, %get3A_1111] {strides = array<i32>} : memref<128x128xf32, #tpu.memory_space<vmem>>, vector<1x16xf32>,
      %get3A_1113 = vector.shape_cast %get3A_1112 : vector<1x16xf32> to vector<16xf32>
      %mul3A_1114 = arith.mulf %get3A_1109, %get3A_1113 : vector<16xf32>
      %add3A_1115 = arith.addf %add3A_1105, %mul3A_1114 : vector<16xf32>
      %xor3A_1116 = arith.constant 1 : i32
      %xor3A_1117 = vector.broadcast %xor3A_1116 : i32 to vector<16xi32>
      %xor3A_1118 = arith.xori %iota3A, %xor3A_1117 : vector<16xi32>
      %broadcast_in_dim3A_1119 = vector.shape_cast %xor3A_1118 : vector<16xi32> to vector<16x1xi32>
      %gather3A_1120 = vector.shape_cast %broadcast_in_dim3A_1119 : vector<16x1xi32> to vector<16xi32>
      %gather3A_1121 = tpu.dynamic_gather %add3A_1115[%gather3A_1120] in [0] : vector<16xf32>, vector<16xi32> -> vector<16xf32>
      %add3A_1122 = arith.addf %add3A_1115, %gather3A_1121 : vector<16xf32>
      %xor3A_1123 = arith.constant 2 : i32
      %xor3A_1124 = vector.broadcast %xor3A_1123 : i32 to vector<16xi32>
      %xor3A_1125 = arith.xori %iota3A, %xor3A_1124 : vector<16xi32>
      %broadcast_in_dim3A_1126 = vector.shape_cast %xor3A_1125 : vector<16xi32> to vector<16x1xi32>
      %gather3A_1127 = vector.shape_cast %broadcast_in_dim3A_1126 : vector<16x1xi32> to vector<16xi32>
      %gather3A_1128 = tpu.dynamic_gather %add3A_1122[%gather3A_1127] in [0] : vector<16xf32>, vector<16xi32> -> vector<16xf32>
      %add3A_1129 = arith.addf %add3A_1122, %gather3A_1128 : vector<16xf32>
      %xor3A_1130 = arith.constant 4 : i32
      %xor3A_1131 = vector.broadcast %xor3A_1130 : i32 to vector<16xi32>
      %xor3A_1132 = arith.xori %iota3A, %xor3A_1131 : vector<16xi32>
      %broadcast_in_dim3A_1133 = vector.shape_cast %xor3A_1132 : vector<16xi32> to vector<16x1xi32>
      %gather3A_1134 = vector.shape_cast %broadcast_in_dim3A_1133 : vector<16x1xi32> to vector<16xi32>
      %gather3A_1135 = tpu.dynamic_gather %add3A_1129[%gather3A_1134] in [0] : vector<16xf32>, vector<16xi32> -> vector<16xf32>
      %add3A_1136 = arith.addf %add3A_1129, %gather3A_1135 : vector<16xf32>
      %xor3A_1137 = arith.constant 8 : i32
      %xor3A_1138 = vector.broadcast %xor3A_1137 : i32 to vector<16xi32>
      %xor3A_1139 = arith.xori %iota3A, %xor3A_1138 : vector<16xi32>
      %broadcast_in_dim3A_1140 = vector.shape_cast %xor3A_1139 : vector<16xi32> to vector<16x1xi32>
      %gather3A_1141 = vector.shape_cast %broadcast_in_dim3A_1140 : vector<16x1xi32> to vector<16xi32>
      %gather3A_1142 = tpu.dynamic_gather %add3A_1136[%gather3A_1141] in [0] : vector<16xf32>, vector<16xi32> -> vector<16xf32>
      %add3A_1143 = arith.addf %add3A_1136, %gather3A_1142 : vector<16xf32>
      %eq3A_1144 = arith.constant 9 : i32
      %eq3A_1145 = vector.broadcast %eq3A_1144 : i32 to vector<16xi32>
      %eq3A_1146 = arith.cmpi eq, %iota3A, %eq3A_1145 : vector<16xi32>
      %select_n3A_1147 = arith.select %eq3A_1146, %add3A_1143, %select_n3A_1034 : vector<16xi1>, vector<16xf32>
      %add3A_1148 = arith.constant 10 : i32
      %add3A_1149 = arith.addi %multiple_of3A, %add3A_1148 : i32
      %get3A_1150 = arith.index_cast %add3A_1149 : i32 to index
      %get3A_1151 = arith.constant 0 : index
      %get3A_1152 = tpu.vector_load %arg8[%get3A_1150, %get3A_1151] {strides = array<i32>} : memref<128x128xf32, #tpu.memory_space<vmem>>, vector<1x16xf32>,
      %get3A_1153 = vector.shape_cast %get3A_1152 : vector<1x16xf32> to vector<16xf32>
      %get3A_1154 = arith.index_cast %add3A_1149 : i32 to index
      %get3A_1155 = arith.constant 0 : index
      %get3A_1156 = tpu.vector_load %arg7[%get3A_1154, %get3A_1155] {strides = array<i32>} : memref<128x128xf32, #tpu.memory_space<vmem>>, vector<1x16xf32>,
      %get3A_1157 = vector.shape_cast %get3A_1156 : vector<1x16xf32> to vector<16xf32>
      %mul3A_1158 = arith.mulf %get3A_1153, %get3A_1157 : vector<16xf32>
      %get3A_1159 = arith.index_cast %add3A_1149 : i32 to index
      %get3A_1160 = arith.constant 16 : index
      %get3A_1161 = tpu.vector_load %arg8[%get3A_1159, %get3A_1160] {strides = array<i32>} : memref<128x128xf32, #tpu.memory_space<vmem>>, vector<1x16xf32>,
      %get3A_1162 = vector.shape_cast %get3A_1161 : vector<1x16xf32> to vector<16xf32>
      %get3A_1163 = arith.index_cast %add3A_1149 : i32 to index
      %get3A_1164 = arith.constant 16 : index
      %get3A_1165 = tpu.vector_load %arg7[%get3A_1163, %get3A_1164] {strides = array<i32>} : memref<128x128xf32, #tpu.memory_space<vmem>>, vector<1x16xf32>,
      %get3A_1166 = vector.shape_cast %get3A_1165 : vector<1x16xf32> to vector<16xf32>
      %mul3A_1167 = arith.mulf %get3A_1162, %get3A_1166 : vector<16xf32>
      %add3A_1168 = arith.addf %mul3A_1158, %mul3A_1167 : vector<16xf32>
      %get3A_1169 = arith.index_cast %add3A_1149 : i32 to index
      %get3A_1170 = arith.constant 32 : index
      %get3A_1171 = tpu.vector_load %arg8[%get3A_1169, %get3A_1170] {strides = array<i32>} : memref<128x128xf32, #tpu.memory_space<vmem>>, vector<1x16xf32>,
      %get3A_1172 = vector.shape_cast %get3A_1171 : vector<1x16xf32> to vector<16xf32>
      %get3A_1173 = arith.index_cast %add3A_1149 : i32 to index
      %get3A_1174 = arith.constant 32 : index
      %get3A_1175 = tpu.vector_load %arg7[%get3A_1173, %get3A_1174] {strides = array<i32>} : memref<128x128xf32, #tpu.memory_space<vmem>>, vector<1x16xf32>,
      %get3A_1176 = vector.shape_cast %get3A_1175 : vector<1x16xf32> to vector<16xf32>
      %mul3A_1177 = arith.mulf %get3A_1172, %get3A_1176 : vector<16xf32>
      %add3A_1178 = arith.addf %add3A_1168, %mul3A_1177 : vector<16xf32>
      %get3A_1179 = arith.index_cast %add3A_1149 : i32 to index
      %get3A_1180 = arith.constant 48 : index
      %get3A_1181 = tpu.vector_load %arg8[%get3A_1179, %get3A_1180] {strides = array<i32>} : memref<128x128xf32, #tpu.memory_space<vmem>>, vector<1x16xf32>,
      %get3A_1182 = vector.shape_cast %get3A_1181 : vector<1x16xf32> to vector<16xf32>
      %get3A_1183 = arith.index_cast %add3A_1149 : i32 to index
      %get3A_1184 = arith.constant 48 : index
      %get3A_1185 = tpu.vector_load %arg7[%get3A_1183, %get3A_1184] {strides = array<i32>} : memref<128x128xf32, #tpu.memory_space<vmem>>, vector<1x16xf32>,
      %get3A_1186 = vector.shape_cast %get3A_1185 : vector<1x16xf32> to vector<16xf32>
      %mul3A_1187 = arith.mulf %get3A_1182, %get3A_1186 : vector<16xf32>
      %add3A_1188 = arith.addf %add3A_1178, %mul3A_1187 : vector<16xf32>
      %get3A_1189 = arith.index_cast %add3A_1149 : i32 to index
      %get3A_1190 = arith.constant 64 : index
      %get3A_1191 = tpu.vector_load %arg8[%get3A_1189, %get3A_1190] {strides = array<i32>} : memref<128x128xf32, #tpu.memory_space<vmem>>, vector<1x16xf32>,
      %get3A_1192 = vector.shape_cast %get3A_1191 : vector<1x16xf32> to vector<16xf32>
      %get3A_1193 = arith.index_cast %add3A_1149 : i32 to index
      %get3A_1194 = arith.constant 64 : index
      %get3A_1195 = tpu.vector_load %arg7[%get3A_1193, %get3A_1194] {strides = array<i32>} : memref<128x128xf32, #tpu.memory_space<vmem>>, vector<1x16xf32>,
      %get3A_1196 = vector.shape_cast %get3A_1195 : vector<1x16xf32> to vector<16xf32>
      %mul3A_1197 = arith.mulf %get3A_1192, %get3A_1196 : vector<16xf32>
      %add3A_1198 = arith.addf %add3A_1188, %mul3A_1197 : vector<16xf32>
      %get3A_1199 = arith.index_cast %add3A_1149 : i32 to index
      %get3A_1200 = arith.constant 80 : index
      %get3A_1201 = tpu.vector_load %arg8[%get3A_1199, %get3A_1200] {strides = array<i32>} : memref<128x128xf32, #tpu.memory_space<vmem>>, vector<1x16xf32>,
      %get3A_1202 = vector.shape_cast %get3A_1201 : vector<1x16xf32> to vector<16xf32>
      %get3A_1203 = arith.index_cast %add3A_1149 : i32 to index
      %get3A_1204 = arith.constant 80 : index
      %get3A_1205 = tpu.vector_load %arg7[%get3A_1203, %get3A_1204] {strides = array<i32>} : memref<128x128xf32, #tpu.memory_space<vmem>>, vector<1x16xf32>,
      %get3A_1206 = vector.shape_cast %get3A_1205 : vector<1x16xf32> to vector<16xf32>
      %mul3A_1207 = arith.mulf %get3A_1202, %get3A_1206 : vector<16xf32>
      %add3A_1208 = arith.addf %add3A_1198, %mul3A_1207 : vector<16xf32>
      %get3A_1209 = arith.index_cast %add3A_1149 : i32 to index
      %get3A_1210 = arith.constant 96 : index
      %get3A_1211 = tpu.vector_load %arg8[%get3A_1209, %get3A_1210] {strides = array<i32>} : memref<128x128xf32, #tpu.memory_space<vmem>>, vector<1x16xf32>,
      %get3A_1212 = vector.shape_cast %get3A_1211 : vector<1x16xf32> to vector<16xf32>
      %get3A_1213 = arith.index_cast %add3A_1149 : i32 to index
      %get3A_1214 = arith.constant 96 : index
      %get3A_1215 = tpu.vector_load %arg7[%get3A_1213, %get3A_1214] {strides = array<i32>} : memref<128x128xf32, #tpu.memory_space<vmem>>, vector<1x16xf32>,
      %get3A_1216 = vector.shape_cast %get3A_1215 : vector<1x16xf32> to vector<16xf32>
      %mul3A_1217 = arith.mulf %get3A_1212, %get3A_1216 : vector<16xf32>
      %add3A_1218 = arith.addf %add3A_1208, %mul3A_1217 : vector<16xf32>
      %get3A_1219 = arith.index_cast %add3A_1149 : i32 to index
      %get3A_1220 = arith.constant 112 : index
      %get3A_1221 = tpu.vector_load %arg8[%get3A_1219, %get3A_1220] {strides = array<i32>} : memref<128x128xf32, #tpu.memory_space<vmem>>, vector<1x16xf32>,
      %get3A_1222 = vector.shape_cast %get3A_1221 : vector<1x16xf32> to vector<16xf32>
      %get3A_1223 = arith.index_cast %add3A_1149 : i32 to index
      %get3A_1224 = arith.constant 112 : index
      %get3A_1225 = tpu.vector_load %arg7[%get3A_1223, %get3A_1224] {strides = array<i32>} : memref<128x128xf32, #tpu.memory_space<vmem>>, vector<1x16xf32>,
      %get3A_1226 = vector.shape_cast %get3A_1225 : vector<1x16xf32> to vector<16xf32>
      %mul3A_1227 = arith.mulf %get3A_1222, %get3A_1226 : vector<16xf32>
      %add3A_1228 = arith.addf %add3A_1218, %mul3A_1227 : vector<16xf32>
      %xor3A_1229 = arith.constant 1 : i32
      %xor3A_1230 = vector.broadcast %xor3A_1229 : i32 to vector<16xi32>
      %xor3A_1231 = arith.xori %iota3A, %xor3A_1230 : vector<16xi32>
      %broadcast_in_dim3A_1232 = vector.shape_cast %xor3A_1231 : vector<16xi32> to vector<16x1xi32>
      %gather3A_1233 = vector.shape_cast %broadcast_in_dim3A_1232 : vector<16x1xi32> to vector<16xi32>
      %gather3A_1234 = tpu.dynamic_gather %add3A_1228[%gather3A_1233] in [0] : vector<16xf32>, vector<16xi32> -> vector<16xf32>
      %add3A_1235 = arith.addf %add3A_1228, %gather3A_1234 : vector<16xf32>
      %xor3A_1236 = arith.constant 2 : i32
      %xor3A_1237 = vector.broadcast %xor3A_1236 : i32 to vector<16xi32>
      %xor3A_1238 = arith.xori %iota3A, %xor3A_1237 : vector<16xi32>
      %broadcast_in_dim3A_1239 = vector.shape_cast %xor3A_1238 : vector<16xi32> to vector<16x1xi32>
      %gather3A_1240 = vector.shape_cast %broadcast_in_dim3A_1239 : vector<16x1xi32> to vector<16xi32>
      %gather3A_1241 = tpu.dynamic_gather %add3A_1235[%gather3A_1240] in [0] : vector<16xf32>, vector<16xi32> -> vector<16xf32>
      %add3A_1242 = arith.addf %add3A_1235, %gather3A_1241 : vector<16xf32>
      %xor3A_1243 = arith.constant 4 : i32
      %xor3A_1244 = vector.broadcast %xor3A_1243 : i32 to vector<16xi32>
      %xor3A_1245 = arith.xori %iota3A, %xor3A_1244 : vector<16xi32>
      %broadcast_in_dim3A_1246 = vector.shape_cast %xor3A_1245 : vector<16xi32> to vector<16x1xi32>
      %gather3A_1247 = vector.shape_cast %broadcast_in_dim3A_1246 : vector<16x1xi32> to vector<16xi32>
      %gather3A_1248 = tpu.dynamic_gather %add3A_1242[%gather3A_1247] in [0] : vector<16xf32>, vector<16xi32> -> vector<16xf32>
      %add3A_1249 = arith.addf %add3A_1242, %gather3A_1248 : vector<16xf32>
      %xor3A_1250 = arith.constant 8 : i32
      %xor3A_1251 = vector.broadcast %xor3A_1250 : i32 to vector<16xi32>
      %xor3A_1252 = arith.xori %iota3A, %xor3A_1251 : vector<16xi32>
      %broadcast_in_dim3A_1253 = vector.shape_cast %xor3A_1252 : vector<16xi32> to vector<16x1xi32>
      %gather3A_1254 = vector.shape_cast %broadcast_in_dim3A_1253 : vector<16x1xi32> to vector<16xi32>
      %gather3A_1255 = tpu.dynamic_gather %add3A_1249[%gather3A_1254] in [0] : vector<16xf32>, vector<16xi32> -> vector<16xf32>
      %add3A_1256 = arith.addf %add3A_1249, %gather3A_1255 : vector<16xf32>
      %eq3A_1257 = arith.constant 10 : i32
      %eq3A_1258 = vector.broadcast %eq3A_1257 : i32 to vector<16xi32>
      %eq3A_1259 = arith.cmpi eq, %iota3A, %eq3A_1258 : vector<16xi32>
      %select_n3A_1260 = arith.select %eq3A_1259, %add3A_1256, %select_n3A_1147 : vector<16xi1>, vector<16xf32>
      %add3A_1261 = arith.constant 11 : i32
      %add3A_1262 = arith.addi %multiple_of3A, %add3A_1261 : i32
      %get3A_1263 = arith.index_cast %add3A_1262 : i32 to index
      %get3A_1264 = arith.constant 0 : index
      %get3A_1265 = tpu.vector_load %arg8[%get3A_1263, %get3A_1264] {strides = array<i32>} : memref<128x128xf32, #tpu.memory_space<vmem>>, vector<1x16xf32>,
      %get3A_1266 = vector.shape_cast %get3A_1265 : vector<1x16xf32> to vector<16xf32>
      %get3A_1267 = arith.index_cast %add3A_1262 : i32 to index
      %get3A_1268 = arith.constant 0 : index
      %get3A_1269 = tpu.vector_load %arg7[%get3A_1267, %get3A_1268] {strides = array<i32>} : memref<128x128xf32, #tpu.memory_space<vmem>>, vector<1x16xf32>,
      %get3A_1270 = vector.shape_cast %get3A_1269 : vector<1x16xf32> to vector<16xf32>
      %mul3A_1271 = arith.mulf %get3A_1266, %get3A_1270 : vector<16xf32>
      %get3A_1272 = arith.index_cast %add3A_1262 : i32 to index
      %get3A_1273 = arith.constant 16 : index
      %get3A_1274 = tpu.vector_load %arg8[%get3A_1272, %get3A_1273] {strides = array<i32>} : memref<128x128xf32, #tpu.memory_space<vmem>>, vector<1x16xf32>,
      %get3A_1275 = vector.shape_cast %get3A_1274 : vector<1x16xf32> to vector<16xf32>
      %get3A_1276 = arith.index_cast %add3A_1262 : i32 to index
      %get3A_1277 = arith.constant 16 : index
      %get3A_1278 = tpu.vector_load %arg7[%get3A_1276, %get3A_1277] {strides = array<i32>} : memref<128x128xf32, #tpu.memory_space<vmem>>, vector<1x16xf32>,
      %get3A_1279 = vector.shape_cast %get3A_1278 : vector<1x16xf32> to vector<16xf32>
      %mul3A_1280 = arith.mulf %get3A_1275, %get3A_1279 : vector<16xf32>
      %add3A_1281 = arith.addf %mul3A_1271, %mul3A_1280 : vector<16xf32>
      %get3A_1282 = arith.index_cast %add3A_1262 : i32 to index
      %get3A_1283 = arith.constant 32 : index
      %get3A_1284 = tpu.vector_load %arg8[%get3A_1282, %get3A_1283] {strides = array<i32>} : memref<128x128xf32, #tpu.memory_space<vmem>>, vector<1x16xf32>,
      %get3A_1285 = vector.shape_cast %get3A_1284 : vector<1x16xf32> to vector<16xf32>
      %get3A_1286 = arith.index_cast %add3A_1262 : i32 to index
      %get3A_1287 = arith.constant 32 : index
      %get3A_1288 = tpu.vector_load %arg7[%get3A_1286, %get3A_1287] {strides = array<i32>} : memref<128x128xf32, #tpu.memory_space<vmem>>, vector<1x16xf32>,
      %get3A_1289 = vector.shape_cast %get3A_1288 : vector<1x16xf32> to vector<16xf32>
      %mul3A_1290 = arith.mulf %get3A_1285, %get3A_1289 : vector<16xf32>
      %add3A_1291 = arith.addf %add3A_1281, %mul3A_1290 : vector<16xf32>
      %get3A_1292 = arith.index_cast %add3A_1262 : i32 to index
      %get3A_1293 = arith.constant 48 : index
      %get3A_1294 = tpu.vector_load %arg8[%get3A_1292, %get3A_1293] {strides = array<i32>} : memref<128x128xf32, #tpu.memory_space<vmem>>, vector<1x16xf32>,
      %get3A_1295 = vector.shape_cast %get3A_1294 : vector<1x16xf32> to vector<16xf32>
      %get3A_1296 = arith.index_cast %add3A_1262 : i32 to index
      %get3A_1297 = arith.constant 48 : index
      %get3A_1298 = tpu.vector_load %arg7[%get3A_1296, %get3A_1297] {strides = array<i32>} : memref<128x128xf32, #tpu.memory_space<vmem>>, vector<1x16xf32>,
      %get3A_1299 = vector.shape_cast %get3A_1298 : vector<1x16xf32> to vector<16xf32>
      %mul3A_1300 = arith.mulf %get3A_1295, %get3A_1299 : vector<16xf32>
      %add3A_1301 = arith.addf %add3A_1291, %mul3A_1300 : vector<16xf32>
      %get3A_1302 = arith.index_cast %add3A_1262 : i32 to index
      %get3A_1303 = arith.constant 64 : index
      %get3A_1304 = tpu.vector_load %arg8[%get3A_1302, %get3A_1303] {strides = array<i32>} : memref<128x128xf32, #tpu.memory_space<vmem>>, vector<1x16xf32>,
      %get3A_1305 = vector.shape_cast %get3A_1304 : vector<1x16xf32> to vector<16xf32>
      %get3A_1306 = arith.index_cast %add3A_1262 : i32 to index
      %get3A_1307 = arith.constant 64 : index
      %get3A_1308 = tpu.vector_load %arg7[%get3A_1306, %get3A_1307] {strides = array<i32>} : memref<128x128xf32, #tpu.memory_space<vmem>>, vector<1x16xf32>,
      %get3A_1309 = vector.shape_cast %get3A_1308 : vector<1x16xf32> to vector<16xf32>
      %mul3A_1310 = arith.mulf %get3A_1305, %get3A_1309 : vector<16xf32>
      %add3A_1311 = arith.addf %add3A_1301, %mul3A_1310 : vector<16xf32>
      %get3A_1312 = arith.index_cast %add3A_1262 : i32 to index
      %get3A_1313 = arith.constant 80 : index
      %get3A_1314 = tpu.vector_load %arg8[%get3A_1312, %get3A_1313] {strides = array<i32>} : memref<128x128xf32, #tpu.memory_space<vmem>>, vector<1x16xf32>,
      %get3A_1315 = vector.shape_cast %get3A_1314 : vector<1x16xf32> to vector<16xf32>
      %get3A_1316 = arith.index_cast %add3A_1262 : i32 to index
      %get3A_1317 = arith.constant 80 : index
      %get3A_1318 = tpu.vector_load %arg7[%get3A_1316, %get3A_1317] {strides = array<i32>} : memref<128x128xf32, #tpu.memory_space<vmem>>, vector<1x16xf32>,
      %get3A_1319 = vector.shape_cast %get3A_1318 : vector<1x16xf32> to vector<16xf32>
      %mul3A_1320 = arith.mulf %get3A_1315, %get3A_1319 : vector<16xf32>
      %add3A_1321 = arith.addf %add3A_1311, %mul3A_1320 : vector<16xf32>
      %get3A_1322 = arith.index_cast %add3A_1262 : i32 to index
      %get3A_1323 = arith.constant 96 : index
      %get3A_1324 = tpu.vector_load %arg8[%get3A_1322, %get3A_1323] {strides = array<i32>} : memref<128x128xf32, #tpu.memory_space<vmem>>, vector<1x16xf32>,
      %get3A_1325 = vector.shape_cast %get3A_1324 : vector<1x16xf32> to vector<16xf32>
      %get3A_1326 = arith.index_cast %add3A_1262 : i32 to index
      %get3A_1327 = arith.constant 96 : index
      %get3A_1328 = tpu.vector_load %arg7[%get3A_1326, %get3A_1327] {strides = array<i32>} : memref<128x128xf32, #tpu.memory_space<vmem>>, vector<1x16xf32>,
      %get3A_1329 = vector.shape_cast %get3A_1328 : vector<1x16xf32> to vector<16xf32>
      %mul3A_1330 = arith.mulf %get3A_1325, %get3A_1329 : vector<16xf32>
      %add3A_1331 = arith.addf %add3A_1321, %mul3A_1330 : vector<16xf32>
      %get3A_1332 = arith.index_cast %add3A_1262 : i32 to index
      %get3A_1333 = arith.constant 112 : index
      %get3A_1334 = tpu.vector_load %arg8[%get3A_1332, %get3A_1333] {strides = array<i32>} : memref<128x128xf32, #tpu.memory_space<vmem>>, vector<1x16xf32>,
      %get3A_1335 = vector.shape_cast %get3A_1334 : vector<1x16xf32> to vector<16xf32>
      %get3A_1336 = arith.index_cast %add3A_1262 : i32 to index
      %get3A_1337 = arith.constant 112 : index
      %get3A_1338 = tpu.vector_load %arg7[%get3A_1336, %get3A_1337] {strides = array<i32>} : memref<128x128xf32, #tpu.memory_space<vmem>>, vector<1x16xf32>,
      %get3A_1339 = vector.shape_cast %get3A_1338 : vector<1x16xf32> to vector<16xf32>
      %mul3A_1340 = arith.mulf %get3A_1335, %get3A_1339 : vector<16xf32>
      %add3A_1341 = arith.addf %add3A_1331, %mul3A_1340 : vector<16xf32>
      %xor3A_1342 = arith.constant 1 : i32
      %xor3A_1343 = vector.broadcast %xor3A_1342 : i32 to vector<16xi32>
      %xor3A_1344 = arith.xori %iota3A, %xor3A_1343 : vector<16xi32>
      %broadcast_in_dim3A_1345 = vector.shape_cast %xor3A_1344 : vector<16xi32> to vector<16x1xi32>
      %gather3A_1346 = vector.shape_cast %broadcast_in_dim3A_1345 : vector<16x1xi32> to vector<16xi32>
      %gather3A_1347 = tpu.dynamic_gather %add3A_1341[%gather3A_1346] in [0] : vector<16xf32>, vector<16xi32> -> vector<16xf32>
      %add3A_1348 = arith.addf %add3A_1341, %gather3A_1347 : vector<16xf32>
      %xor3A_1349 = arith.constant 2 : i32
      %xor3A_1350 = vector.broadcast %xor3A_1349 : i32 to vector<16xi32>
      %xor3A_1351 = arith.xori %iota3A, %xor3A_1350 : vector<16xi32>
      %broadcast_in_dim3A_1352 = vector.shape_cast %xor3A_1351 : vector<16xi32> to vector<16x1xi32>
      %gather3A_1353 = vector.shape_cast %broadcast_in_dim3A_1352 : vector<16x1xi32> to vector<16xi32>
      %gather3A_1354 = tpu.dynamic_gather %add3A_1348[%gather3A_1353] in [0] : vector<16xf32>, vector<16xi32> -> vector<16xf32>
      %add3A_1355 = arith.addf %add3A_1348, %gather3A_1354 : vector<16xf32>
      %xor3A_1356 = arith.constant 4 : i32
      %xor3A_1357 = vector.broadcast %xor3A_1356 : i32 to vector<16xi32>
      %xor3A_1358 = arith.xori %iota3A, %xor3A_1357 : vector<16xi32>
      %broadcast_in_dim3A_1359 = vector.shape_cast %xor3A_1358 : vector<16xi32> to vector<16x1xi32>
      %gather3A_1360 = vector.shape_cast %broadcast_in_dim3A_1359 : vector<16x1xi32> to vector<16xi32>
      %gather3A_1361 = tpu.dynamic_gather %add3A_1355[%gather3A_1360] in [0] : vector<16xf32>, vector<16xi32> -> vector<16xf32>
      %add3A_1362 = arith.addf %add3A_1355, %gather3A_1361 : vector<16xf32>
      %xor3A_1363 = arith.constant 8 : i32
      %xor3A_1364 = vector.broadcast %xor3A_1363 : i32 to vector<16xi32>
      %xor3A_1365 = arith.xori %iota3A, %xor3A_1364 : vector<16xi32>
      %broadcast_in_dim3A_1366 = vector.shape_cast %xor3A_1365 : vector<16xi32> to vector<16x1xi32>
      %gather3A_1367 = vector.shape_cast %broadcast_in_dim3A_1366 : vector<16x1xi32> to vector<16xi32>
      %gather3A_1368 = tpu.dynamic_gather %add3A_1362[%gather3A_1367] in [0] : vector<16xf32>, vector<16xi32> -> vector<16xf32>
      %add3A_1369 = arith.addf %add3A_1362, %gather3A_1368 : vector<16xf32>
      %eq3A_1370 = arith.constant 11 : i32
      %eq3A_1371 = vector.broadcast %eq3A_1370 : i32 to vector<16xi32>
      %eq3A_1372 = arith.cmpi eq, %iota3A, %eq3A_1371 : vector<16xi32>
      %select_n3A_1373 = arith.select %eq3A_1372, %add3A_1369, %select_n3A_1260 : vector<16xi1>, vector<16xf32>
      %add3A_1374 = arith.constant 12 : i32
      %add3A_1375 = arith.addi %multiple_of3A, %add3A_1374 : i32
      %get3A_1376 = arith.index_cast %add3A_1375 : i32 to index
      %get3A_1377 = arith.constant 0 : index
      %get3A_1378 = tpu.vector_load %arg8[%get3A_1376, %get3A_1377] {strides = array<i32>} : memref<128x128xf32, #tpu.memory_space<vmem>>, vector<1x16xf32>,
      %get3A_1379 = vector.shape_cast %get3A_1378 : vector<1x16xf32> to vector<16xf32>
      %get3A_1380 = arith.index_cast %add3A_1375 : i32 to index
      %get3A_1381 = arith.constant 0 : index
      %get3A_1382 = tpu.vector_load %arg7[%get3A_1380, %get3A_1381] {strides = array<i32>} : memref<128x128xf32, #tpu.memory_space<vmem>>, vector<1x16xf32>,
      %get3A_1383 = vector.shape_cast %get3A_1382 : vector<1x16xf32> to vector<16xf32>
      %mul3A_1384 = arith.mulf %get3A_1379, %get3A_1383 : vector<16xf32>
      %get3A_1385 = arith.index_cast %add3A_1375 : i32 to index
      %get3A_1386 = arith.constant 16 : index
      %get3A_1387 = tpu.vector_load %arg8[%get3A_1385, %get3A_1386] {strides = array<i32>} : memref<128x128xf32, #tpu.memory_space<vmem>>, vector<1x16xf32>,
      %get3A_1388 = vector.shape_cast %get3A_1387 : vector<1x16xf32> to vector<16xf32>
      %get3A_1389 = arith.index_cast %add3A_1375 : i32 to index
      %get3A_1390 = arith.constant 16 : index
      %get3A_1391 = tpu.vector_load %arg7[%get3A_1389, %get3A_1390] {strides = array<i32>} : memref<128x128xf32, #tpu.memory_space<vmem>>, vector<1x16xf32>,
      %get3A_1392 = vector.shape_cast %get3A_1391 : vector<1x16xf32> to vector<16xf32>
      %mul3A_1393 = arith.mulf %get3A_1388, %get3A_1392 : vector<16xf32>
      %add3A_1394 = arith.addf %mul3A_1384, %mul3A_1393 : vector<16xf32>
      %get3A_1395 = arith.index_cast %add3A_1375 : i32 to index
      %get3A_1396 = arith.constant 32 : index
      %get3A_1397 = tpu.vector_load %arg8[%get3A_1395, %get3A_1396] {strides = array<i32>} : memref<128x128xf32, #tpu.memory_space<vmem>>, vector<1x16xf32>,
      %get3A_1398 = vector.shape_cast %get3A_1397 : vector<1x16xf32> to vector<16xf32>
      %get3A_1399 = arith.index_cast %add3A_1375 : i32 to index
      %get3A_1400 = arith.constant 32 : index
      %get3A_1401 = tpu.vector_load %arg7[%get3A_1399, %get3A_1400] {strides = array<i32>} : memref<128x128xf32, #tpu.memory_space<vmem>>, vector<1x16xf32>,
      %get3A_1402 = vector.shape_cast %get3A_1401 : vector<1x16xf32> to vector<16xf32>
      %mul3A_1403 = arith.mulf %get3A_1398, %get3A_1402 : vector<16xf32>
      %add3A_1404 = arith.addf %add3A_1394, %mul3A_1403 : vector<16xf32>
      %get3A_1405 = arith.index_cast %add3A_1375 : i32 to index
      %get3A_1406 = arith.constant 48 : index
      %get3A_1407 = tpu.vector_load %arg8[%get3A_1405, %get3A_1406] {strides = array<i32>} : memref<128x128xf32, #tpu.memory_space<vmem>>, vector<1x16xf32>,
      %get3A_1408 = vector.shape_cast %get3A_1407 : vector<1x16xf32> to vector<16xf32>
      %get3A_1409 = arith.index_cast %add3A_1375 : i32 to index
      %get3A_1410 = arith.constant 48 : index
      %get3A_1411 = tpu.vector_load %arg7[%get3A_1409, %get3A_1410] {strides = array<i32>} : memref<128x128xf32, #tpu.memory_space<vmem>>, vector<1x16xf32>,
      %get3A_1412 = vector.shape_cast %get3A_1411 : vector<1x16xf32> to vector<16xf32>
      %mul3A_1413 = arith.mulf %get3A_1408, %get3A_1412 : vector<16xf32>
      %add3A_1414 = arith.addf %add3A_1404, %mul3A_1413 : vector<16xf32>
      %get3A_1415 = arith.index_cast %add3A_1375 : i32 to index
      %get3A_1416 = arith.constant 64 : index
      %get3A_1417 = tpu.vector_load %arg8[%get3A_1415, %get3A_1416] {strides = array<i32>} : memref<128x128xf32, #tpu.memory_space<vmem>>, vector<1x16xf32>,
      %get3A_1418 = vector.shape_cast %get3A_1417 : vector<1x16xf32> to vector<16xf32>
      %get3A_1419 = arith.index_cast %add3A_1375 : i32 to index
      %get3A_1420 = arith.constant 64 : index
      %get3A_1421 = tpu.vector_load %arg7[%get3A_1419, %get3A_1420] {strides = array<i32>} : memref<128x128xf32, #tpu.memory_space<vmem>>, vector<1x16xf32>,
      %get3A_1422 = vector.shape_cast %get3A_1421 : vector<1x16xf32> to vector<16xf32>
      %mul3A_1423 = arith.mulf %get3A_1418, %get3A_1422 : vector<16xf32>
      %add3A_1424 = arith.addf %add3A_1414, %mul3A_1423 : vector<16xf32>
      %get3A_1425 = arith.index_cast %add3A_1375 : i32 to index
      %get3A_1426 = arith.constant 80 : index
      %get3A_1427 = tpu.vector_load %arg8[%get3A_1425, %get3A_1426] {strides = array<i32>} : memref<128x128xf32, #tpu.memory_space<vmem>>, vector<1x16xf32>,
      %get3A_1428 = vector.shape_cast %get3A_1427 : vector<1x16xf32> to vector<16xf32>
      %get3A_1429 = arith.index_cast %add3A_1375 : i32 to index
      %get3A_1430 = arith.constant 80 : index
      %get3A_1431 = tpu.vector_load %arg7[%get3A_1429, %get3A_1430] {strides = array<i32>} : memref<128x128xf32, #tpu.memory_space<vmem>>, vector<1x16xf32>,
      %get3A_1432 = vector.shape_cast %get3A_1431 : vector<1x16xf32> to vector<16xf32>
      %mul3A_1433 = arith.mulf %get3A_1428, %get3A_1432 : vector<16xf32>
      %add3A_1434 = arith.addf %add3A_1424, %mul3A_1433 : vector<16xf32>
      %get3A_1435 = arith.index_cast %add3A_1375 : i32 to index
      %get3A_1436 = arith.constant 96 : index
      %get3A_1437 = tpu.vector_load %arg8[%get3A_1435, %get3A_1436] {strides = array<i32>} : memref<128x128xf32, #tpu.memory_space<vmem>>, vector<1x16xf32>,
      %get3A_1438 = vector.shape_cast %get3A_1437 : vector<1x16xf32> to vector<16xf32>
      %get3A_1439 = arith.index_cast %add3A_1375 : i32 to index
      %get3A_1440 = arith.constant 96 : index
      %get3A_1441 = tpu.vector_load %arg7[%get3A_1439, %get3A_1440] {strides = array<i32>} : memref<128x128xf32, #tpu.memory_space<vmem>>, vector<1x16xf32>,
      %get3A_1442 = vector.shape_cast %get3A_1441 : vector<1x16xf32> to vector<16xf32>
      %mul3A_1443 = arith.mulf %get3A_1438, %get3A_1442 : vector<16xf32>
      %add3A_1444 = arith.addf %add3A_1434, %mul3A_1443 : vector<16xf32>
      %get3A_1445 = arith.index_cast %add3A_1375 : i32 to index
      %get3A_1446 = arith.constant 112 : index
      %get3A_1447 = tpu.vector_load %arg8[%get3A_1445, %get3A_1446] {strides = array<i32>} : memref<128x128xf32, #tpu.memory_space<vmem>>, vector<1x16xf32>,
      %get3A_1448 = vector.shape_cast %get3A_1447 : vector<1x16xf32> to vector<16xf32>
      %get3A_1449 = arith.index_cast %add3A_1375 : i32 to index
      %get3A_1450 = arith.constant 112 : index
      %get3A_1451 = tpu.vector_load %arg7[%get3A_1449, %get3A_1450] {strides = array<i32>} : memref<128x128xf32, #tpu.memory_space<vmem>>, vector<1x16xf32>,
      %get3A_1452 = vector.shape_cast %get3A_1451 : vector<1x16xf32> to vector<16xf32>
      %mul3A_1453 = arith.mulf %get3A_1448, %get3A_1452 : vector<16xf32>
      %add3A_1454 = arith.addf %add3A_1444, %mul3A_1453 : vector<16xf32>
      %xor3A_1455 = arith.constant 1 : i32
      %xor3A_1456 = vector.broadcast %xor3A_1455 : i32 to vector<16xi32>
      %xor3A_1457 = arith.xori %iota3A, %xor3A_1456 : vector<16xi32>
      %broadcast_in_dim3A_1458 = vector.shape_cast %xor3A_1457 : vector<16xi32> to vector<16x1xi32>
      %gather3A_1459 = vector.shape_cast %broadcast_in_dim3A_1458 : vector<16x1xi32> to vector<16xi32>
      %gather3A_1460 = tpu.dynamic_gather %add3A_1454[%gather3A_1459] in [0] : vector<16xf32>, vector<16xi32> -> vector<16xf32>
      %add3A_1461 = arith.addf %add3A_1454, %gather3A_1460 : vector<16xf32>
      %xor3A_1462 = arith.constant 2 : i32
      %xor3A_1463 = vector.broadcast %xor3A_1462 : i32 to vector<16xi32>
      %xor3A_1464 = arith.xori %iota3A, %xor3A_1463 : vector<16xi32>
      %broadcast_in_dim3A_1465 = vector.shape_cast %xor3A_1464 : vector<16xi32> to vector<16x1xi32>
      %gather3A_1466 = vector.shape_cast %broadcast_in_dim3A_1465 : vector<16x1xi32> to vector<16xi32>
      %gather3A_1467 = tpu.dynamic_gather %add3A_1461[%gather3A_1466] in [0] : vector<16xf32>, vector<16xi32> -> vector<16xf32>
      %add3A_1468 = arith.addf %add3A_1461, %gather3A_1467 : vector<16xf32>
      %xor3A_1469 = arith.constant 4 : i32
      %xor3A_1470 = vector.broadcast %xor3A_1469 : i32 to vector<16xi32>
      %xor3A_1471 = arith.xori %iota3A, %xor3A_1470 : vector<16xi32>
      %broadcast_in_dim3A_1472 = vector.shape_cast %xor3A_1471 : vector<16xi32> to vector<16x1xi32>
      %gather3A_1473 = vector.shape_cast %broadcast_in_dim3A_1472 : vector<16x1xi32> to vector<16xi32>
      %gather3A_1474 = tpu.dynamic_gather %add3A_1468[%gather3A_1473] in [0] : vector<16xf32>, vector<16xi32> -> vector<16xf32>
      %add3A_1475 = arith.addf %add3A_1468, %gather3A_1474 : vector<16xf32>
      %xor3A_1476 = arith.constant 8 : i32
      %xor3A_1477 = vector.broadcast %xor3A_1476 : i32 to vector<16xi32>
      %xor3A_1478 = arith.xori %iota3A, %xor3A_1477 : vector<16xi32>
      %broadcast_in_dim3A_1479 = vector.shape_cast %xor3A_1478 : vector<16xi32> to vector<16x1xi32>
      %gather3A_1480 = vector.shape_cast %broadcast_in_dim3A_1479 : vector<16x1xi32> to vector<16xi32>
      %gather3A_1481 = tpu.dynamic_gather %add3A_1475[%gather3A_1480] in [0] : vector<16xf32>, vector<16xi32> -> vector<16xf32>
      %add3A_1482 = arith.addf %add3A_1475, %gather3A_1481 : vector<16xf32>
      %eq3A_1483 = arith.constant 12 : i32
      %eq3A_1484 = vector.broadcast %eq3A_1483 : i32 to vector<16xi32>
      %eq3A_1485 = arith.cmpi eq, %iota3A, %eq3A_1484 : vector<16xi32>
      %select_n3A_1486 = arith.select %eq3A_1485, %add3A_1482, %select_n3A_1373 : vector<16xi1>, vector<16xf32>
      %add3A_1487 = arith.constant 13 : i32
      %add3A_1488 = arith.addi %multiple_of3A, %add3A_1487 : i32
      %get3A_1489 = arith.index_cast %add3A_1488 : i32 to index
      %get3A_1490 = arith.constant 0 : index
      %get3A_1491 = tpu.vector_load %arg8[%get3A_1489, %get3A_1490] {strides = array<i32>} : memref<128x128xf32, #tpu.memory_space<vmem>>, vector<1x16xf32>,
      %get3A_1492 = vector.shape_cast %get3A_1491 : vector<1x16xf32> to vector<16xf32>
      %get3A_1493 = arith.index_cast %add3A_1488 : i32 to index
      %get3A_1494 = arith.constant 0 : index
      %get3A_1495 = tpu.vector_load %arg7[%get3A_1493, %get3A_1494] {strides = array<i32>} : memref<128x128xf32, #tpu.memory_space<vmem>>, vector<1x16xf32>,
      %get3A_1496 = vector.shape_cast %get3A_1495 : vector<1x16xf32> to vector<16xf32>
      %mul3A_1497 = arith.mulf %get3A_1492, %get3A_1496 : vector<16xf32>
      %get3A_1498 = arith.index_cast %add3A_1488 : i32 to index
      %get3A_1499 = arith.constant 16 : index
      %get3A_1500 = tpu.vector_load %arg8[%get3A_1498, %get3A_1499] {strides = array<i32>} : memref<128x128xf32, #tpu.memory_space<vmem>>, vector<1x16xf32>,
      %get3A_1501 = vector.shape_cast %get3A_1500 : vector<1x16xf32> to vector<16xf32>
      %get3A_1502 = arith.index_cast %add3A_1488 : i32 to index
      %get3A_1503 = arith.constant 16 : index
      %get3A_1504 = tpu.vector_load %arg7[%get3A_1502, %get3A_1503] {strides = array<i32>} : memref<128x128xf32, #tpu.memory_space<vmem>>, vector<1x16xf32>,
      %get3A_1505 = vector.shape_cast %get3A_1504 : vector<1x16xf32> to vector<16xf32>
      %mul3A_1506 = arith.mulf %get3A_1501, %get3A_1505 : vector<16xf32>
      %add3A_1507 = arith.addf %mul3A_1497, %mul3A_1506 : vector<16xf32>
      %get3A_1508 = arith.index_cast %add3A_1488 : i32 to index
      %get3A_1509 = arith.constant 32 : index
      %get3A_1510 = tpu.vector_load %arg8[%get3A_1508, %get3A_1509] {strides = array<i32>} : memref<128x128xf32, #tpu.memory_space<vmem>>, vector<1x16xf32>,
      %get3A_1511 = vector.shape_cast %get3A_1510 : vector<1x16xf32> to vector<16xf32>
      %get3A_1512 = arith.index_cast %add3A_1488 : i32 to index
      %get3A_1513 = arith.constant 32 : index
      %get3A_1514 = tpu.vector_load %arg7[%get3A_1512, %get3A_1513] {strides = array<i32>} : memref<128x128xf32, #tpu.memory_space<vmem>>, vector<1x16xf32>,
      %get3A_1515 = vector.shape_cast %get3A_1514 : vector<1x16xf32> to vector<16xf32>
      %mul3A_1516 = arith.mulf %get3A_1511, %get3A_1515 : vector<16xf32>
      %add3A_1517 = arith.addf %add3A_1507, %mul3A_1516 : vector<16xf32>
      %get3A_1518 = arith.index_cast %add3A_1488 : i32 to index
      %get3A_1519 = arith.constant 48 : index
      %get3A_1520 = tpu.vector_load %arg8[%get3A_1518, %get3A_1519] {strides = array<i32>} : memref<128x128xf32, #tpu.memory_space<vmem>>, vector<1x16xf32>,
      %get3A_1521 = vector.shape_cast %get3A_1520 : vector<1x16xf32> to vector<16xf32>
      %get3A_1522 = arith.index_cast %add3A_1488 : i32 to index
      %get3A_1523 = arith.constant 48 : index
      %get3A_1524 = tpu.vector_load %arg7[%get3A_1522, %get3A_1523] {strides = array<i32>} : memref<128x128xf32, #tpu.memory_space<vmem>>, vector<1x16xf32>,
      %get3A_1525 = vector.shape_cast %get3A_1524 : vector<1x16xf32> to vector<16xf32>
      %mul3A_1526 = arith.mulf %get3A_1521, %get3A_1525 : vector<16xf32>
      %add3A_1527 = arith.addf %add3A_1517, %mul3A_1526 : vector<16xf32>
      %get3A_1528 = arith.index_cast %add3A_1488 : i32 to index
      %get3A_1529 = arith.constant 64 : index
      %get3A_1530 = tpu.vector_load %arg8[%get3A_1528, %get3A_1529] {strides = array<i32>} : memref<128x128xf32, #tpu.memory_space<vmem>>, vector<1x16xf32>,
      %get3A_1531 = vector.shape_cast %get3A_1530 : vector<1x16xf32> to vector<16xf32>
      %get3A_1532 = arith.index_cast %add3A_1488 : i32 to index
      %get3A_1533 = arith.constant 64 : index
      %get3A_1534 = tpu.vector_load %arg7[%get3A_1532, %get3A_1533] {strides = array<i32>} : memref<128x128xf32, #tpu.memory_space<vmem>>, vector<1x16xf32>,
      %get3A_1535 = vector.shape_cast %get3A_1534 : vector<1x16xf32> to vector<16xf32>
      %mul3A_1536 = arith.mulf %get3A_1531, %get3A_1535 : vector<16xf32>
      %add3A_1537 = arith.addf %add3A_1527, %mul3A_1536 : vector<16xf32>
      %get3A_1538 = arith.index_cast %add3A_1488 : i32 to index
      %get3A_1539 = arith.constant 80 : index
      %get3A_1540 = tpu.vector_load %arg8[%get3A_1538, %get3A_1539] {strides = array<i32>} : memref<128x128xf32, #tpu.memory_space<vmem>>, vector<1x16xf32>,
      %get3A_1541 = vector.shape_cast %get3A_1540 : vector<1x16xf32> to vector<16xf32>
      %get3A_1542 = arith.index_cast %add3A_1488 : i32 to index
      %get3A_1543 = arith.constant 80 : index
      %get3A_1544 = tpu.vector_load %arg7[%get3A_1542, %get3A_1543] {strides = array<i32>} : memref<128x128xf32, #tpu.memory_space<vmem>>, vector<1x16xf32>,
      %get3A_1545 = vector.shape_cast %get3A_1544 : vector<1x16xf32> to vector<16xf32>
      %mul3A_1546 = arith.mulf %get3A_1541, %get3A_1545 : vector<16xf32>
      %add3A_1547 = arith.addf %add3A_1537, %mul3A_1546 : vector<16xf32>
      %get3A_1548 = arith.index_cast %add3A_1488 : i32 to index
      %get3A_1549 = arith.constant 96 : index
      %get3A_1550 = tpu.vector_load %arg8[%get3A_1548, %get3A_1549] {strides = array<i32>} : memref<128x128xf32, #tpu.memory_space<vmem>>, vector<1x16xf32>,
      %get3A_1551 = vector.shape_cast %get3A_1550 : vector<1x16xf32> to vector<16xf32>
      %get3A_1552 = arith.index_cast %add3A_1488 : i32 to index
      %get3A_1553 = arith.constant 96 : index
      %get3A_1554 = tpu.vector_load %arg7[%get3A_1552, %get3A_1553] {strides = array<i32>} : memref<128x128xf32, #tpu.memory_space<vmem>>, vector<1x16xf32>,
      %get3A_1555 = vector.shape_cast %get3A_1554 : vector<1x16xf32> to vector<16xf32>
      %mul3A_1556 = arith.mulf %get3A_1551, %get3A_1555 : vector<16xf32>
      %add3A_1557 = arith.addf %add3A_1547, %mul3A_1556 : vector<16xf32>
      %get3A_1558 = arith.index_cast %add3A_1488 : i32 to index
      %get3A_1559 = arith.constant 112 : index
      %get3A_1560 = tpu.vector_load %arg8[%get3A_1558, %get3A_1559] {strides = array<i32>} : memref<128x128xf32, #tpu.memory_space<vmem>>, vector<1x16xf32>,
      %get3A_1561 = vector.shape_cast %get3A_1560 : vector<1x16xf32> to vector<16xf32>
      %get3A_1562 = arith.index_cast %add3A_1488 : i32 to index
      %get3A_1563 = arith.constant 112 : index
      %get3A_1564 = tpu.vector_load %arg7[%get3A_1562, %get3A_1563] {strides = array<i32>} : memref<128x128xf32, #tpu.memory_space<vmem>>, vector<1x16xf32>,
      %get3A_1565 = vector.shape_cast %get3A_1564 : vector<1x16xf32> to vector<16xf32>
      %mul3A_1566 = arith.mulf %get3A_1561, %get3A_1565 : vector<16xf32>
      %add3A_1567 = arith.addf %add3A_1557, %mul3A_1566 : vector<16xf32>
      %xor3A_1568 = arith.constant 1 : i32
      %xor3A_1569 = vector.broadcast %xor3A_1568 : i32 to vector<16xi32>
      %xor3A_1570 = arith.xori %iota3A, %xor3A_1569 : vector<16xi32>
      %broadcast_in_dim3A_1571 = vector.shape_cast %xor3A_1570 : vector<16xi32> to vector<16x1xi32>
      %gather3A_1572 = vector.shape_cast %broadcast_in_dim3A_1571 : vector<16x1xi32> to vector<16xi32>
      %gather3A_1573 = tpu.dynamic_gather %add3A_1567[%gather3A_1572] in [0] : vector<16xf32>, vector<16xi32> -> vector<16xf32>
      %add3A_1574 = arith.addf %add3A_1567, %gather3A_1573 : vector<16xf32>
      %xor3A_1575 = arith.constant 2 : i32
      %xor3A_1576 = vector.broadcast %xor3A_1575 : i32 to vector<16xi32>
      %xor3A_1577 = arith.xori %iota3A, %xor3A_1576 : vector<16xi32>
      %broadcast_in_dim3A_1578 = vector.shape_cast %xor3A_1577 : vector<16xi32> to vector<16x1xi32>
      %gather3A_1579 = vector.shape_cast %broadcast_in_dim3A_1578 : vector<16x1xi32> to vector<16xi32>
      %gather3A_1580 = tpu.dynamic_gather %add3A_1574[%gather3A_1579] in [0] : vector<16xf32>, vector<16xi32> -> vector<16xf32>
      %add3A_1581 = arith.addf %add3A_1574, %gather3A_1580 : vector<16xf32>
      %xor3A_1582 = arith.constant 4 : i32
      %xor3A_1583 = vector.broadcast %xor3A_1582 : i32 to vector<16xi32>
      %xor3A_1584 = arith.xori %iota3A, %xor3A_1583 : vector<16xi32>
      %broadcast_in_dim3A_1585 = vector.shape_cast %xor3A_1584 : vector<16xi32> to vector<16x1xi32>
      %gather3A_1586 = vector.shape_cast %broadcast_in_dim3A_1585 : vector<16x1xi32> to vector<16xi32>
      %gather3A_1587 = tpu.dynamic_gather %add3A_1581[%gather3A_1586] in [0] : vector<16xf32>, vector<16xi32> -> vector<16xf32>
      %add3A_1588 = arith.addf %add3A_1581, %gather3A_1587 : vector<16xf32>
      %xor3A_1589 = arith.constant 8 : i32
      %xor3A_1590 = vector.broadcast %xor3A_1589 : i32 to vector<16xi32>
      %xor3A_1591 = arith.xori %iota3A, %xor3A_1590 : vector<16xi32>
      %broadcast_in_dim3A_1592 = vector.shape_cast %xor3A_1591 : vector<16xi32> to vector<16x1xi32>
      %gather3A_1593 = vector.shape_cast %broadcast_in_dim3A_1592 : vector<16x1xi32> to vector<16xi32>
      %gather3A_1594 = tpu.dynamic_gather %add3A_1588[%gather3A_1593] in [0] : vector<16xf32>, vector<16xi32> -> vector<16xf32>
      %add3A_1595 = arith.addf %add3A_1588, %gather3A_1594 : vector<16xf32>
      %eq3A_1596 = arith.constant 13 : i32
      %eq3A_1597 = vector.broadcast %eq3A_1596 : i32 to vector<16xi32>
      %eq3A_1598 = arith.cmpi eq, %iota3A, %eq3A_1597 : vector<16xi32>
      %select_n3A_1599 = arith.select %eq3A_1598, %add3A_1595, %select_n3A_1486 : vector<16xi1>, vector<16xf32>
      %add3A_1600 = arith.constant 14 : i32
      %add3A_1601 = arith.addi %multiple_of3A, %add3A_1600 : i32
      %get3A_1602 = arith.index_cast %add3A_1601 : i32 to index
      %get3A_1603 = arith.constant 0 : index
      %get3A_1604 = tpu.vector_load %arg8[%get3A_1602, %get3A_1603] {strides = array<i32>} : memref<128x128xf32, #tpu.memory_space<vmem>>, vector<1x16xf32>,
      %get3A_1605 = vector.shape_cast %get3A_1604 : vector<1x16xf32> to vector<16xf32>
      %get3A_1606 = arith.index_cast %add3A_1601 : i32 to index
      %get3A_1607 = arith.constant 0 : index
      %get3A_1608 = tpu.vector_load %arg7[%get3A_1606, %get3A_1607] {strides = array<i32>} : memref<128x128xf32, #tpu.memory_space<vmem>>, vector<1x16xf32>,
      %get3A_1609 = vector.shape_cast %get3A_1608 : vector<1x16xf32> to vector<16xf32>
      %mul3A_1610 = arith.mulf %get3A_1605, %get3A_1609 : vector<16xf32>
      %get3A_1611 = arith.index_cast %add3A_1601 : i32 to index
      %get3A_1612 = arith.constant 16 : index
      %get3A_1613 = tpu.vector_load %arg8[%get3A_1611, %get3A_1612] {strides = array<i32>} : memref<128x128xf32, #tpu.memory_space<vmem>>, vector<1x16xf32>,
      %get3A_1614 = vector.shape_cast %get3A_1613 : vector<1x16xf32> to vector<16xf32>
      %get3A_1615 = arith.index_cast %add3A_1601 : i32 to index
      %get3A_1616 = arith.constant 16 : index
      %get3A_1617 = tpu.vector_load %arg7[%get3A_1615, %get3A_1616] {strides = array<i32>} : memref<128x128xf32, #tpu.memory_space<vmem>>, vector<1x16xf32>,
      %get3A_1618 = vector.shape_cast %get3A_1617 : vector<1x16xf32> to vector<16xf32>
      %mul3A_1619 = arith.mulf %get3A_1614, %get3A_1618 : vector<16xf32>
      %add3A_1620 = arith.addf %mul3A_1610, %mul3A_1619 : vector<16xf32>
      %get3A_1621 = arith.index_cast %add3A_1601 : i32 to index
      %get3A_1622 = arith.constant 32 : index
      %get3A_1623 = tpu.vector_load %arg8[%get3A_1621, %get3A_1622] {strides = array<i32>} : memref<128x128xf32, #tpu.memory_space<vmem>>, vector<1x16xf32>,
      %get3A_1624 = vector.shape_cast %get3A_1623 : vector<1x16xf32> to vector<16xf32>
      %get3A_1625 = arith.index_cast %add3A_1601 : i32 to index
      %get3A_1626 = arith.constant 32 : index
      %get3A_1627 = tpu.vector_load %arg7[%get3A_1625, %get3A_1626] {strides = array<i32>} : memref<128x128xf32, #tpu.memory_space<vmem>>, vector<1x16xf32>,
      %get3A_1628 = vector.shape_cast %get3A_1627 : vector<1x16xf32> to vector<16xf32>
      %mul3A_1629 = arith.mulf %get3A_1624, %get3A_1628 : vector<16xf32>
      %add3A_1630 = arith.addf %add3A_1620, %mul3A_1629 : vector<16xf32>
      %get3A_1631 = arith.index_cast %add3A_1601 : i32 to index
      %get3A_1632 = arith.constant 48 : index
      %get3A_1633 = tpu.vector_load %arg8[%get3A_1631, %get3A_1632] {strides = array<i32>} : memref<128x128xf32, #tpu.memory_space<vmem>>, vector<1x16xf32>,
      %get3A_1634 = vector.shape_cast %get3A_1633 : vector<1x16xf32> to vector<16xf32>
      %get3A_1635 = arith.index_cast %add3A_1601 : i32 to index
      %get3A_1636 = arith.constant 48 : index
      %get3A_1637 = tpu.vector_load %arg7[%get3A_1635, %get3A_1636] {strides = array<i32>} : memref<128x128xf32, #tpu.memory_space<vmem>>, vector<1x16xf32>,
      %get3A_1638 = vector.shape_cast %get3A_1637 : vector<1x16xf32> to vector<16xf32>
      %mul3A_1639 = arith.mulf %get3A_1634, %get3A_1638 : vector<16xf32>
      %add3A_1640 = arith.addf %add3A_1630, %mul3A_1639 : vector<16xf32>
      %get3A_1641 = arith.index_cast %add3A_1601 : i32 to index
      %get3A_1642 = arith.constant 64 : index
      %get3A_1643 = tpu.vector_load %arg8[%get3A_1641, %get3A_1642] {strides = array<i32>} : memref<128x128xf32, #tpu.memory_space<vmem>>, vector<1x16xf32>,
      %get3A_1644 = vector.shape_cast %get3A_1643 : vector<1x16xf32> to vector<16xf32>
      %get3A_1645 = arith.index_cast %add3A_1601 : i32 to index
      %get3A_1646 = arith.constant 64 : index
      %get3A_1647 = tpu.vector_load %arg7[%get3A_1645, %get3A_1646] {strides = array<i32>} : memref<128x128xf32, #tpu.memory_space<vmem>>, vector<1x16xf32>,
      %get3A_1648 = vector.shape_cast %get3A_1647 : vector<1x16xf32> to vector<16xf32>
      %mul3A_1649 = arith.mulf %get3A_1644, %get3A_1648 : vector<16xf32>
      %add3A_1650 = arith.addf %add3A_1640, %mul3A_1649 : vector<16xf32>
      %get3A_1651 = arith.index_cast %add3A_1601 : i32 to index
      %get3A_1652 = arith.constant 80 : index
      %get3A_1653 = tpu.vector_load %arg8[%get3A_1651, %get3A_1652] {strides = array<i32>} : memref<128x128xf32, #tpu.memory_space<vmem>>, vector<1x16xf32>,
      %get3A_1654 = vector.shape_cast %get3A_1653 : vector<1x16xf32> to vector<16xf32>
      %get3A_1655 = arith.index_cast %add3A_1601 : i32 to index
      %get3A_1656 = arith.constant 80 : index
      %get3A_1657 = tpu.vector_load %arg7[%get3A_1655, %get3A_1656] {strides = array<i32>} : memref<128x128xf32, #tpu.memory_space<vmem>>, vector<1x16xf32>,
      %get3A_1658 = vector.shape_cast %get3A_1657 : vector<1x16xf32> to vector<16xf32>
      %mul3A_1659 = arith.mulf %get3A_1654, %get3A_1658 : vector<16xf32>
      %add3A_1660 = arith.addf %add3A_1650, %mul3A_1659 : vector<16xf32>
      %get3A_1661 = arith.index_cast %add3A_1601 : i32 to index
      %get3A_1662 = arith.constant 96 : index
      %get3A_1663 = tpu.vector_load %arg8[%get3A_1661, %get3A_1662] {strides = array<i32>} : memref<128x128xf32, #tpu.memory_space<vmem>>, vector<1x16xf32>,
      %get3A_1664 = vector.shape_cast %get3A_1663 : vector<1x16xf32> to vector<16xf32>
      %get3A_1665 = arith.index_cast %add3A_1601 : i32 to index
      %get3A_1666 = arith.constant 96 : index
      %get3A_1667 = tpu.vector_load %arg7[%get3A_1665, %get3A_1666] {strides = array<i32>} : memref<128x128xf32, #tpu.memory_space<vmem>>, vector<1x16xf32>,
      %get3A_1668 = vector.shape_cast %get3A_1667 : vector<1x16xf32> to vector<16xf32>
      %mul3A_1669 = arith.mulf %get3A_1664, %get3A_1668 : vector<16xf32>
      %add3A_1670 = arith.addf %add3A_1660, %mul3A_1669 : vector<16xf32>
      %get3A_1671 = arith.index_cast %add3A_1601 : i32 to index
      %get3A_1672 = arith.constant 112 : index
      %get3A_1673 = tpu.vector_load %arg8[%get3A_1671, %get3A_1672] {strides = array<i32>} : memref<128x128xf32, #tpu.memory_space<vmem>>, vector<1x16xf32>,
      %get3A_1674 = vector.shape_cast %get3A_1673 : vector<1x16xf32> to vector<16xf32>
      %get3A_1675 = arith.index_cast %add3A_1601 : i32 to index
      %get3A_1676 = arith.constant 112 : index
      %get3A_1677 = tpu.vector_load %arg7[%get3A_1675, %get3A_1676] {strides = array<i32>} : memref<128x128xf32, #tpu.memory_space<vmem>>, vector<1x16xf32>,
      %get3A_1678 = vector.shape_cast %get3A_1677 : vector<1x16xf32> to vector<16xf32>
      %mul3A_1679 = arith.mulf %get3A_1674, %get3A_1678 : vector<16xf32>
      %add3A_1680 = arith.addf %add3A_1670, %mul3A_1679 : vector<16xf32>
      %xor3A_1681 = arith.constant 1 : i32
      %xor3A_1682 = vector.broadcast %xor3A_1681 : i32 to vector<16xi32>
      %xor3A_1683 = arith.xori %iota3A, %xor3A_1682 : vector<16xi32>
      %broadcast_in_dim3A_1684 = vector.shape_cast %xor3A_1683 : vector<16xi32> to vector<16x1xi32>
      %gather3A_1685 = vector.shape_cast %broadcast_in_dim3A_1684 : vector<16x1xi32> to vector<16xi32>
      %gather3A_1686 = tpu.dynamic_gather %add3A_1680[%gather3A_1685] in [0] : vector<16xf32>, vector<16xi32> -> vector<16xf32>
      %add3A_1687 = arith.addf %add3A_1680, %gather3A_1686 : vector<16xf32>
      %xor3A_1688 = arith.constant 2 : i32
      %xor3A_1689 = vector.broadcast %xor3A_1688 : i32 to vector<16xi32>
      %xor3A_1690 = arith.xori %iota3A, %xor3A_1689 : vector<16xi32>
      %broadcast_in_dim3A_1691 = vector.shape_cast %xor3A_1690 : vector<16xi32> to vector<16x1xi32>
      %gather3A_1692 = vector.shape_cast %broadcast_in_dim3A_1691 : vector<16x1xi32> to vector<16xi32>
      %gather3A_1693 = tpu.dynamic_gather %add3A_1687[%gather3A_1692] in [0] : vector<16xf32>, vector<16xi32> -> vector<16xf32>
      %add3A_1694 = arith.addf %add3A_1687, %gather3A_1693 : vector<16xf32>
      %xor3A_1695 = arith.constant 4 : i32
      %xor3A_1696 = vector.broadcast %xor3A_1695 : i32 to vector<16xi32>
      %xor3A_1697 = arith.xori %iota3A, %xor3A_1696 : vector<16xi32>
      %broadcast_in_dim3A_1698 = vector.shape_cast %xor3A_1697 : vector<16xi32> to vector<16x1xi32>
      %gather3A_1699 = vector.shape_cast %broadcast_in_dim3A_1698 : vector<16x1xi32> to vector<16xi32>
      %gather3A_1700 = tpu.dynamic_gather %add3A_1694[%gather3A_1699] in [0] : vector<16xf32>, vector<16xi32> -> vector<16xf32>
      %add3A_1701 = arith.addf %add3A_1694, %gather3A_1700 : vector<16xf32>
      %xor3A_1702 = arith.constant 8 : i32
      %xor3A_1703 = vector.broadcast %xor3A_1702 : i32 to vector<16xi32>
      %xor3A_1704 = arith.xori %iota3A, %xor3A_1703 : vector<16xi32>
      %broadcast_in_dim3A_1705 = vector.shape_cast %xor3A_1704 : vector<16xi32> to vector<16x1xi32>
      %gather3A_1706 = vector.shape_cast %broadcast_in_dim3A_1705 : vector<16x1xi32> to vector<16xi32>
      %gather3A_1707 = tpu.dynamic_gather %add3A_1701[%gather3A_1706] in [0] : vector<16xf32>, vector<16xi32> -> vector<16xf32>
      %add3A_1708 = arith.addf %add3A_1701, %gather3A_1707 : vector<16xf32>
      %eq3A_1709 = arith.constant 14 : i32
      %eq3A_1710 = vector.broadcast %eq3A_1709 : i32 to vector<16xi32>
      %eq3A_1711 = arith.cmpi eq, %iota3A, %eq3A_1710 : vector<16xi32>
      %select_n3A_1712 = arith.select %eq3A_1711, %add3A_1708, %select_n3A_1599 : vector<16xi1>, vector<16xf32>
      %add3A_1713 = arith.constant 15 : i32
      %add3A_1714 = arith.addi %multiple_of3A, %add3A_1713 : i32
      %get3A_1715 = arith.index_cast %add3A_1714 : i32 to index
      %get3A_1716 = arith.constant 0 : index
      %get3A_1717 = tpu.vector_load %arg8[%get3A_1715, %get3A_1716] {strides = array<i32>} : memref<128x128xf32, #tpu.memory_space<vmem>>, vector<1x16xf32>,
      %get3A_1718 = vector.shape_cast %get3A_1717 : vector<1x16xf32> to vector<16xf32>
      %get3A_1719 = arith.index_cast %add3A_1714 : i32 to index
      %get3A_1720 = arith.constant 0 : index
      %get3A_1721 = tpu.vector_load %arg7[%get3A_1719, %get3A_1720] {strides = array<i32>} : memref<128x128xf32, #tpu.memory_space<vmem>>, vector<1x16xf32>,
      %get3A_1722 = vector.shape_cast %get3A_1721 : vector<1x16xf32> to vector<16xf32>
      %mul3A_1723 = arith.mulf %get3A_1718, %get3A_1722 : vector<16xf32>
      %get3A_1724 = arith.index_cast %add3A_1714 : i32 to index
      %get3A_1725 = arith.constant 16 : index
      %get3A_1726 = tpu.vector_load %arg8[%get3A_1724, %get3A_1725] {strides = array<i32>} : memref<128x128xf32, #tpu.memory_space<vmem>>, vector<1x16xf32>,
      %get3A_1727 = vector.shape_cast %get3A_1726 : vector<1x16xf32> to vector<16xf32>
      %get3A_1728 = arith.index_cast %add3A_1714 : i32 to index
      %get3A_1729 = arith.constant 16 : index
      %get3A_1730 = tpu.vector_load %arg7[%get3A_1728, %get3A_1729] {strides = array<i32>} : memref<128x128xf32, #tpu.memory_space<vmem>>, vector<1x16xf32>,
      %get3A_1731 = vector.shape_cast %get3A_1730 : vector<1x16xf32> to vector<16xf32>
      %mul3A_1732 = arith.mulf %get3A_1727, %get3A_1731 : vector<16xf32>
      %add3A_1733 = arith.addf %mul3A_1723, %mul3A_1732 : vector<16xf32>
      %get3A_1734 = arith.index_cast %add3A_1714 : i32 to index
      %get3A_1735 = arith.constant 32 : index
      %get3A_1736 = tpu.vector_load %arg8[%get3A_1734, %get3A_1735] {strides = array<i32>} : memref<128x128xf32, #tpu.memory_space<vmem>>, vector<1x16xf32>,
      %get3A_1737 = vector.shape_cast %get3A_1736 : vector<1x16xf32> to vector<16xf32>
      %get3A_1738 = arith.index_cast %add3A_1714 : i32 to index
      %get3A_1739 = arith.constant 32 : index
      %get3A_1740 = tpu.vector_load %arg7[%get3A_1738, %get3A_1739] {strides = array<i32>} : memref<128x128xf32, #tpu.memory_space<vmem>>, vector<1x16xf32>,
      %get3A_1741 = vector.shape_cast %get3A_1740 : vector<1x16xf32> to vector<16xf32>
      %mul3A_1742 = arith.mulf %get3A_1737, %get3A_1741 : vector<16xf32>
      %add3A_1743 = arith.addf %add3A_1733, %mul3A_1742 : vector<16xf32>
      %get3A_1744 = arith.index_cast %add3A_1714 : i32 to index
      %get3A_1745 = arith.constant 48 : index
      %get3A_1746 = tpu.vector_load %arg8[%get3A_1744, %get3A_1745] {strides = array<i32>} : memref<128x128xf32, #tpu.memory_space<vmem>>, vector<1x16xf32>,
      %get3A_1747 = vector.shape_cast %get3A_1746 : vector<1x16xf32> to vector<16xf32>
      %get3A_1748 = arith.index_cast %add3A_1714 : i32 to index
      %get3A_1749 = arith.constant 48 : index
      %get3A_1750 = tpu.vector_load %arg7[%get3A_1748, %get3A_1749] {strides = array<i32>} : memref<128x128xf32, #tpu.memory_space<vmem>>, vector<1x16xf32>,
      %get3A_1751 = vector.shape_cast %get3A_1750 : vector<1x16xf32> to vector<16xf32>
      %mul3A_1752 = arith.mulf %get3A_1747, %get3A_1751 : vector<16xf32>
      %add3A_1753 = arith.addf %add3A_1743, %mul3A_1752 : vector<16xf32>
      %get3A_1754 = arith.index_cast %add3A_1714 : i32 to index
      %get3A_1755 = arith.constant 64 : index
      %get3A_1756 = tpu.vector_load %arg8[%get3A_1754, %get3A_1755] {strides = array<i32>} : memref<128x128xf32, #tpu.memory_space<vmem>>, vector<1x16xf32>,
      %get3A_1757 = vector.shape_cast %get3A_1756 : vector<1x16xf32> to vector<16xf32>
      %get3A_1758 = arith.index_cast %add3A_1714 : i32 to index
      %get3A_1759 = arith.constant 64 : index
      %get3A_1760 = tpu.vector_load %arg7[%get3A_1758, %get3A_1759] {strides = array<i32>} : memref<128x128xf32, #tpu.memory_space<vmem>>, vector<1x16xf32>,
      %get3A_1761 = vector.shape_cast %get3A_1760 : vector<1x16xf32> to vector<16xf32>
      %mul3A_1762 = arith.mulf %get3A_1757, %get3A_1761 : vector<16xf32>
      %add3A_1763 = arith.addf %add3A_1753, %mul3A_1762 : vector<16xf32>
      %get3A_1764 = arith.index_cast %add3A_1714 : i32 to index
      %get3A_1765 = arith.constant 80 : index
      %get3A_1766 = tpu.vector_load %arg8[%get3A_1764, %get3A_1765] {strides = array<i32>} : memref<128x128xf32, #tpu.memory_space<vmem>>, vector<1x16xf32>,
      %get3A_1767 = vector.shape_cast %get3A_1766 : vector<1x16xf32> to vector<16xf32>
      %get3A_1768 = arith.index_cast %add3A_1714 : i32 to index
      %get3A_1769 = arith.constant 80 : index
      %get3A_1770 = tpu.vector_load %arg7[%get3A_1768, %get3A_1769] {strides = array<i32>} : memref<128x128xf32, #tpu.memory_space<vmem>>, vector<1x16xf32>,
      %get3A_1771 = vector.shape_cast %get3A_1770 : vector<1x16xf32> to vector<16xf32>
      %mul3A_1772 = arith.mulf %get3A_1767, %get3A_1771 : vector<16xf32>
      %add3A_1773 = arith.addf %add3A_1763, %mul3A_1772 : vector<16xf32>
      %get3A_1774 = arith.index_cast %add3A_1714 : i32 to index
      %get3A_1775 = arith.constant 96 : index
      %get3A_1776 = tpu.vector_load %arg8[%get3A_1774, %get3A_1775] {strides = array<i32>} : memref<128x128xf32, #tpu.memory_space<vmem>>, vector<1x16xf32>,
      %get3A_1777 = vector.shape_cast %get3A_1776 : vector<1x16xf32> to vector<16xf32>
      %get3A_1778 = arith.index_cast %add3A_1714 : i32 to index
      %get3A_1779 = arith.constant 96 : index
      %get3A_1780 = tpu.vector_load %arg7[%get3A_1778, %get3A_1779] {strides = array<i32>} : memref<128x128xf32, #tpu.memory_space<vmem>>, vector<1x16xf32>,
      %get3A_1781 = vector.shape_cast %get3A_1780 : vector<1x16xf32> to vector<16xf32>
      %mul3A_1782 = arith.mulf %get3A_1777, %get3A_1781 : vector<16xf32>
      %add3A_1783 = arith.addf %add3A_1773, %mul3A_1782 : vector<16xf32>
      %get3A_1784 = arith.index_cast %add3A_1714 : i32 to index
      %get3A_1785 = arith.constant 112 : index
      %get3A_1786 = tpu.vector_load %arg8[%get3A_1784, %get3A_1785] {strides = array<i32>} : memref<128x128xf32, #tpu.memory_space<vmem>>, vector<1x16xf32>,
      %get3A_1787 = vector.shape_cast %get3A_1786 : vector<1x16xf32> to vector<16xf32>
      %get3A_1788 = arith.index_cast %add3A_1714 : i32 to index
      %get3A_1789 = arith.constant 112 : index
      %get3A_1790 = tpu.vector_load %arg7[%get3A_1788, %get3A_1789] {strides = array<i32>} : memref<128x128xf32, #tpu.memory_space<vmem>>, vector<1x16xf32>,
      %get3A_1791 = vector.shape_cast %get3A_1790 : vector<1x16xf32> to vector<16xf32>
      %mul3A_1792 = arith.mulf %get3A_1787, %get3A_1791 : vector<16xf32>
      %add3A_1793 = arith.addf %add3A_1783, %mul3A_1792 : vector<16xf32>
      %xor3A_1794 = arith.constant 1 : i32
      %xor3A_1795 = vector.broadcast %xor3A_1794 : i32 to vector<16xi32>
      %xor3A_1796 = arith.xori %iota3A, %xor3A_1795 : vector<16xi32>
      %broadcast_in_dim3A_1797 = vector.shape_cast %xor3A_1796 : vector<16xi32> to vector<16x1xi32>
      %gather3A_1798 = vector.shape_cast %broadcast_in_dim3A_1797 : vector<16x1xi32> to vector<16xi32>
      %gather3A_1799 = tpu.dynamic_gather %add3A_1793[%gather3A_1798] in [0] : vector<16xf32>, vector<16xi32> -> vector<16xf32>
      %add3A_1800 = arith.addf %add3A_1793, %gather3A_1799 : vector<16xf32>
      %xor3A_1801 = arith.constant 2 : i32
      %xor3A_1802 = vector.broadcast %xor3A_1801 : i32 to vector<16xi32>
      %xor3A_1803 = arith.xori %iota3A, %xor3A_1802 : vector<16xi32>
      %broadcast_in_dim3A_1804 = vector.shape_cast %xor3A_1803 : vector<16xi32> to vector<16x1xi32>
      %gather3A_1805 = vector.shape_cast %broadcast_in_dim3A_1804 : vector<16x1xi32> to vector<16xi32>
      %gather3A_1806 = tpu.dynamic_gather %add3A_1800[%gather3A_1805] in [0] : vector<16xf32>, vector<16xi32> -> vector<16xf32>
      %add3A_1807 = arith.addf %add3A_1800, %gather3A_1806 : vector<16xf32>
      %xor3A_1808 = arith.constant 4 : i32
      %xor3A_1809 = vector.broadcast %xor3A_1808 : i32 to vector<16xi32>
      %xor3A_1810 = arith.xori %iota3A, %xor3A_1809 : vector<16xi32>
      %broadcast_in_dim3A_1811 = vector.shape_cast %xor3A_1810 : vector<16xi32> to vector<16x1xi32>
      %gather3A_1812 = vector.shape_cast %broadcast_in_dim3A_1811 : vector<16x1xi32> to vector<16xi32>
      %gather3A_1813 = tpu.dynamic_gather %add3A_1807[%gather3A_1812] in [0] : vector<16xf32>, vector<16xi32> -> vector<16xf32>
      %add3A_1814 = arith.addf %add3A_1807, %gather3A_1813 : vector<16xf32>
      %xor3A_1815 = arith.constant 8 : i32
      %xor3A_1816 = vector.broadcast %xor3A_1815 : i32 to vector<16xi32>
      %xor3A_1817 = arith.xori %iota3A, %xor3A_1816 : vector<16xi32>
      %broadcast_in_dim3A_1818 = vector.shape_cast %xor3A_1817 : vector<16xi32> to vector<16x1xi32>
      %gather3A_1819 = vector.shape_cast %broadcast_in_dim3A_1818 : vector<16x1xi32> to vector<16xi32>
      %gather3A_1820 = tpu.dynamic_gather %add3A_1814[%gather3A_1819] in [0] : vector<16xf32>, vector<16xi32> -> vector<16xf32>
      %add3A_1821 = arith.addf %add3A_1814, %gather3A_1820 : vector<16xf32>
      %eq3A_1822 = arith.constant 15 : i32
      %eq3A_1823 = vector.broadcast %eq3A_1822 : i32 to vector<16xi32>
      %eq3A_1824 = arith.cmpi eq, %iota3A, %eq3A_1823 : vector<16xi32>
      %select_n3A_1825 = arith.select %eq3A_1824, %add3A_1821, %select_n3A_1712 : vector<16xi1>, vector<16xf32>
      %swap3A = arith.index_cast %multiple_of3A : i32 to index
      %swap3A_1826 = tpu.vector_load %arg9[%swap3A] {strides = array<i32>} : memref<128xf32, #tpu.memory_space<vmem>>, vector<16xf32>,
      %swap3A_1827 = vector.shape_cast %swap3A_1826 : vector<16xf32> to vector<16xf32>
      %swap3A_1828 = vector.shape_cast %select_n3A_1825 : vector<16xf32> to vector<16xf32>
      tpu.vector_store %arg9[%swap3A], %swap3A_1828 {strides = array<i32>} : memref<128xf32, #tpu.memory_space<vmem>>, vector<16xf32>,
    }
    %scan3A_18 = arith.constant 8 : i32
    "tpu.region"() ({
      %run_scoped3A = tpu.sem_alloc : memref<!tpu.dma_semaphore, #tpu.memory_space<semaphore_mem>>
      %dma_start3A_19 = tpu.memref_slice %arg5[%mul3A_2] : memref<4096xf32, #tpu.memory_space<hbm>> -> memref<128xf32, #tpu.memory_space<hbm>>
      %dma_start3A_20 = tpu.memref_slice %arg5[%mul3A_2] : memref<4096xf32, #tpu.memory_space<hbm>> -> memref<128xf32, #tpu.memory_space<hbm>>
      tpu.enqueue_dma source(%arg9 : memref<128xf32, #tpu.memory_space<vmem>>) target(%dma_start3A_20 : memref<128xf32, #tpu.memory_space<hbm>>) target_semaphore(%run_scoped3A : memref<!tpu.dma_semaphore, #tpu.memory_space<semaphore_mem>>)
      %dma_wait3A_21 = tpu.memref_slice %arg5[%mul3A_2] : memref<4096xf32, #tpu.memory_space<hbm>> -> memref<128xf32, #tpu.memory_space<hbm>>
      %dma_wait3A_22 = tpu.memref_slice %arg5[%mul3A_2] : memref<4096xf32, #tpu.memory_space<hbm>> -> memref<128xf32, #tpu.memory_space<hbm>>
      tpu.wait_dma2 semaphore(%run_scoped3A : memref<!tpu.dma_semaphore, #tpu.memory_space<semaphore_mem>>) src(%arg9 : memref<128xf32, #tpu.memory_space<vmem>>) dst(%dma_wait3A_22 : memref<128xf32, #tpu.memory_space<hbm>>)
      tpu.yield
    }) : () -> ()
    return
  }
}

#map = affine_map<(d0, d1) -> (0, 0)>
#map1 = affine_map<(d0, d1) -> (0)>
module attributes {stable_mosaic.version = 14 : i64} {
  func.func @gather_kernel(%arg0: i32, %arg1: i32, %arg2: memref<100000x128xf32, #tpu.memory_space<hbm>>, %arg3: memref<1024xi32, #tpu.memory_space<hbm>>, %arg4: memref<1024x128xf32, #tpu.memory_space<hbm>>, %arg5: memref<32xi32, #tpu.memory_space<vmem>>, %arg6: memref<32x128xf32, #tpu.memory_space<vmem>>, %arg7: memref<!tpu.dma_semaphore, #tpu.memory_space<semaphore_mem>>) attributes {dimension_semantics = [#tpu.dimension_semantics<core_parallel>, #tpu.dimension_semantics<subcore_parallel>], iteration_bounds = array<i64: 2, 16>, scalar_prefetch = 0 : i64, scratch_operands = 3 : i64, tpu.core_type = #tpu.core_type<sc_vector_subcore>, window_params = [{transform_indices = #map}, {transform_indices = #map1}, {transform_indices = #map}]} {
    %mul3A = arith.constant 2 : i32
    %mul3A_0 = arith.muli %arg1, %mul3A : i32
    %add3A = arith.addi %mul3A_0, %arg0 : i32
    %mul3A_1 = arith.constant 32 : i32
    %mul3A_2 = arith.muli %add3A, %mul3A_1 : i32
    "tpu.region"() ({
      %run_scoped3A = tpu.sem_alloc : memref<!tpu.dma_semaphore, #tpu.memory_space<semaphore_mem>>
      %dma_start3A_7 = tpu.memref_slice %arg3[%mul3A_2] : memref<1024xi32, #tpu.memory_space<hbm>> -> memref<32xi32, #tpu.memory_space<hbm>>
      %dma_start3A_8 = tpu.memref_slice %arg3[%mul3A_2] : memref<1024xi32, #tpu.memory_space<hbm>> -> memref<32xi32, #tpu.memory_space<hbm>>
      tpu.enqueue_dma source(%dma_start3A_8 : memref<32xi32, #tpu.memory_space<hbm>>) target(%arg5 : memref<32xi32, #tpu.memory_space<vmem>>) target_semaphore(%run_scoped3A : memref<!tpu.dma_semaphore, #tpu.memory_space<semaphore_mem>>)
      %dma_wait3A_9 = tpu.memref_slice %arg3[%mul3A_2] : memref<1024xi32, #tpu.memory_space<hbm>> -> memref<32xi32, #tpu.memory_space<hbm>>
      %dma_wait3A_10 = tpu.memref_slice %arg3[%mul3A_2] : memref<1024xi32, #tpu.memory_space<hbm>> -> memref<32xi32, #tpu.memory_space<hbm>>
      tpu.wait_dma2 semaphore(%run_scoped3A : memref<!tpu.dma_semaphore, #tpu.memory_space<semaphore_mem>>) src(%dma_wait3A_10 : memref<32xi32, #tpu.memory_space<hbm>>) dst(%arg5 : memref<32xi32, #tpu.memory_space<vmem>>)
      tpu.yield
    }) : () -> ()
    %dma_start3A = arith.constant 0 : i32
    %dma_start3A_3 = arith.constant 0 : i32
    %dma_start3A_4 = tpu.memref_slice %arg2[%dma_start3A, %dma_start3A_3] : memref<100000x128xf32, #tpu.memory_space<hbm>> -> memref<100000x128xf32, #tpu.memory_space<hbm>>
    tpu.enqueue_indirect_dma source(%dma_start3A_4 : memref<100000x128xf32, #tpu.memory_space<hbm>>) target(%arg6 : memref<32x128xf32, #tpu.memory_space<vmem>>) offsets(%arg5 : memref<32xi32, #tpu.memory_space<vmem>>) semaphore(%arg7 : memref<!tpu.dma_semaphore, #tpu.memory_space<semaphore_mem>>)
    %dma_wait3A = arith.constant 0 : i32
    %dma_wait3A_5 = arith.constant 0 : i32
    %dma_wait3A_6 = tpu.memref_slice %arg2[%dma_wait3A, %dma_wait3A_5] : memref<100000x128xf32, #tpu.memory_space<hbm>> -> memref<100000x128xf32, #tpu.memory_space<hbm>>
    tpu.wait_indirect_dma semaphore(%arg7 : memref<!tpu.dma_semaphore, #tpu.memory_space<semaphore_mem>>) src(%dma_wait3A_6 : memref<100000x128xf32, #tpu.memory_space<hbm>>) dst(%arg6 : memref<32x128xf32, #tpu.memory_space<vmem>>)
    "tpu.region"() ({
      %run_scoped3A = tpu.sem_alloc : memref<!tpu.dma_semaphore, #tpu.memory_space<semaphore_mem>>
      %dma_start3A_7 = arith.constant 0 : i32
      %dma_start3A_8 = tpu.memref_slice %arg4[%mul3A_2, %dma_start3A_7] : memref<1024x128xf32, #tpu.memory_space<hbm>> -> memref<32x128xf32, #tpu.memory_space<hbm>>
      %dma_start3A_9 = arith.constant 0 : i32
      %dma_start3A_10 = tpu.memref_slice %arg4[%mul3A_2, %dma_start3A_9] : memref<1024x128xf32, #tpu.memory_space<hbm>> -> memref<32x128xf32, #tpu.memory_space<hbm>>
      tpu.enqueue_dma source(%arg6 : memref<32x128xf32, #tpu.memory_space<vmem>>) target(%dma_start3A_10 : memref<32x128xf32, #tpu.memory_space<hbm>>) target_semaphore(%run_scoped3A : memref<!tpu.dma_semaphore, #tpu.memory_space<semaphore_mem>>)
      %dma_wait3A_11 = arith.constant 0 : i32
      %dma_wait3A_12 = tpu.memref_slice %arg4[%mul3A_2, %dma_wait3A_11] : memref<1024x128xf32, #tpu.memory_space<hbm>> -> memref<32x128xf32, #tpu.memory_space<hbm>>
      %dma_wait3A_13 = arith.constant 0 : i32
      %dma_wait3A_14 = tpu.memref_slice %arg4[%mul3A_2, %dma_wait3A_13] : memref<1024x128xf32, #tpu.memory_space<hbm>> -> memref<32x128xf32, #tpu.memory_space<hbm>>
      tpu.wait_dma2 semaphore(%run_scoped3A : memref<!tpu.dma_semaphore, #tpu.memory_space<semaphore_mem>>) src(%arg6 : memref<32x128xf32, #tpu.memory_space<vmem>>) dst(%dma_wait3A_14 : memref<32x128xf32, #tpu.memory_space<hbm>>)
      tpu.yield
    }) : () -> ()
    return
  }
}

module attributes {stable_mosaic.version = 14 : i64} {
  func.func @_tc_combine_body(%arg0: memref<4096xf32, #tpu.memory_space<vmem>>, %arg1: memref<4096xi32, #tpu.memory_space<vmem>>, %arg2: memref<4x1024xf32, #tpu.memory_space<vmem>>, %arg3: memref<4096xf32, #tpu.memory_space<vmem>>) attributes {dimension_semantics = [], scalar_prefetch = 0 : i64, scratch_operands = 0 : i64, tpu.core_type = #tpu.core_type<tc>} {
    %get3A = arith.constant 0 : index
    %get3A_0 = vector.load %arg1[%get3A] : memref<4096xi32, #tpu.memory_space<vmem>>, vector<4096xi32>
    %convert_element_type3A = arith.sitofp %get3A_0 : vector<4096xi32> to vector<4096xf32>
    %add3A = arith.constant 2.000000e+00 : f32
    %add3A_1 = vector.broadcast %add3A : f32 to vector<4096xf32>
    %add3A_2 = arith.addf %convert_element_type3A, %add3A_1 : vector<4096xf32>
    %log3A = math.log %add3A_2 : vector<4096xf32>
    %add3A_3 = arith.constant 1.000000e+00 : f32
    %add3A_4 = vector.broadcast %add3A_3 : f32 to vector<4096xf32>
    %add3A_5 = arith.addf %convert_element_type3A, %add3A_4 : vector<4096xf32>
    %log3A_6 = math.log %add3A_5 : vector<4096xf32>
    %sub3A = arith.subf %log3A, %log3A_6 : vector<4096xf32>
    %log3A_7 = arith.constant 1.000010e+05 : f32
    %log3A_8 = math.log %log3A_7 : f32
    %div3A = vector.broadcast %log3A_8 : f32 to vector<4096xf32>
    %div3A_9 = arith.divf %sub3A, %div3A : vector<4096xf32>
    %mul3A = arith.constant 1.000000e+03 : f32
    %mul3A_10 = vector.broadcast %mul3A : f32 to vector<4096xf32>
    %mul3A_11 = arith.mulf %div3A_9, %mul3A_10 : vector<4096xf32>
    %get3A_12 = arith.constant 0 : index
    %get3A_13 = vector.load %arg0[%get3A_12] : memref<4096xf32, #tpu.memory_space<vmem>>, vector<4096xf32>
    %log3A_14 = math.log %mul3A_11 : vector<4096xf32>
    %sub3A_15 = arith.subf %get3A_13, %log3A_14 : vector<4096xf32>
    %get3A_16 = arith.constant 0 : index
    %get3A_17 = arith.constant 0 : index
    %get3A_18 = vector.load %arg2[%get3A_16, %get3A_17] : memref<4x1024xf32, #tpu.memory_space<vmem>>, vector<4x1024xf32>
    %reshape3A = vector.shape_cast %get3A_18 : vector<4x1024xf32> to vector<4096xf32>
    %max3A = arith.constant 3.200000e+01 : f32
    %max3A_19 = vector.broadcast %max3A : f32 to vector<4096xf32>
    %max3A_20 = arith.maximumf %sub3A_15, %max3A_19 : vector<4096xf32>
    %sub3A_21 = arith.subf %sub3A_15, %max3A_20 : vector<4096xf32>
    %exp3A = math.exp %sub3A_21 : vector<4096xf32>
    %sub3A_22 = arith.constant 3.200000e+01 : f32
    %sub3A_23 = vector.broadcast %sub3A_22 : f32 to vector<4096xf32>
    %sub3A_24 = arith.subf %sub3A_23, %max3A_20 : vector<4096xf32>
    %exp3A_25 = math.exp %sub3A_24 : vector<4096xf32>
    %mul3A_26 = arith.mulf %reshape3A, %exp3A_25 : vector<4096xf32>
    %add3A_27 = arith.addf %exp3A, %mul3A_26 : vector<4096xf32>
    %log3A_28 = math.log %add3A_27 : vector<4096xf32>
    %add3A_29 = arith.addf %log3A_28, %max3A_20 : vector<4096xf32>
    %sub3A_30 = arith.subf %add3A_29, %sub3A_15 : vector<4096xf32>
    %swap3A = arith.constant 0 : index
    %swap3A_31 = vector.load %arg3[%swap3A] : memref<4096xf32, #tpu.memory_space<vmem>>, vector<4096xf32>
    tpu.vector_store %arg3[%swap3A], %sub3A_30 {strides = array<i32>} : memref<4096xf32, #tpu.memory_space<vmem>>, vector<4096xf32>,
    return
  }
}

module attributes {stable_mosaic.version = 14 : i64} {
  func.func @_tc_matmul_body(%arg0: i32, %arg1: memref<1024x128xf32, #tpu.memory_space<vmem>>, %arg2: memref<1024x128xf32, #tpu.memory_space<vmem>>, %arg3: memref<4x1024xi32, #tpu.memory_space<vmem>>, %arg4: memref<1024x1xi32, #tpu.memory_space<vmem>>, %arg5: memref<1024x1xf32, #tpu.memory_space<vmem>>, %arg6: memref<4x1024xf32, #tpu.memory_space<vmem>>) attributes {dimension_semantics = [#tpu.dimension_semantics<arbitrary>], iteration_bounds = array<i64: 4>, scalar_prefetch = 0 : i64, scratch_operands = 0 : i64, tpu.core_type = #tpu.core_type<tc>, window_params = [{transform_indices = @transform_0, window_bounds = array<i64: 1024, 128>}, {pipeline_mode = #tpu.pipeline_mode<synchronous>, transform_indices = @transform_1, window_bounds = array<i64: 1024, 128>}, {pipeline_mode = #tpu.pipeline_mode<synchronous>, transform_indices = @transform_2, window_bounds = array<i64: 4, 1024>}, {pipeline_mode = #tpu.pipeline_mode<synchronous>, transform_indices = @transform_3, window_bounds = array<i64: 1024, 1>}, {pipeline_mode = #tpu.pipeline_mode<synchronous>, transform_indices = @transform_4, window_bounds = array<i64: 1024, 1>}, {pipeline_mode = #tpu.pipeline_mode<synchronous>, transform_indices = @transform_5, window_bounds = array<i64: 4, 1024>}]} {
    %get3A = arith.constant 0 : index
    %get3A_0 = arith.constant 0 : index
    %get3A_1 = vector.load %arg1[%get3A, %get3A_0] : memref<1024x128xf32, #tpu.memory_space<vmem>>, vector<1024x128xf32>
    %convert_element_type3A = arith.truncf %get3A_1 : vector<1024x128xf32> to vector<1024x128xbf16>
    %get3A_2 = arith.constant 0 : index
    %get3A_3 = arith.constant 0 : index
    %get3A_4 = vector.load %arg2[%get3A_2, %get3A_3] : memref<1024x128xf32, #tpu.memory_space<vmem>>, vector<1024x128xf32>
    %convert_element_type3A_5 = arith.truncf %get3A_4 : vector<1024x128xf32> to vector<1024x128xbf16>
    %dot_general3A = arith.constant dense<0.000000e+00> : vector<1024x1024xf32>
    %dot_general3A_6 = tpu.matmul %convert_element_type3A_5, %convert_element_type3A, %dot_general3A {dimension_numbers = #tpu.dot_dimension_numbers<[1], [1], [0], [0], [0, 0, 1, 0], [], []>, transpose_lhs_hint = false} : vector<1024x128xbf16>, vector<1024x128xbf16>, vector<1024x1024xf32> -> vector<1024x1024xf32>
    %iota3A = tpu.iota {dimensions = array<i32: 0>} : vector<4x1024xi32>
    %eq3A = vector.broadcast %arg0 : i32 to vector<4x1024xi32>
    %eq3A_7 = arith.cmpi eq, %iota3A, %eq3A : vector<4x1024xi32>
    %get3A_8 = arith.constant 0 : index
    %get3A_9 = arith.constant 0 : index
    %get3A_10 = vector.load %arg3[%get3A_8, %get3A_9] : memref<4x1024xi32, #tpu.memory_space<vmem>>, vector<4x1024xi32>
    %jit3A = arith.constant 0 : i32
    %broadcast_in_dim3A = vector.broadcast %jit3A : i32 to vector<4x1024xi32>
    %select_n3A = arith.select %eq3A_7, %get3A_10, %broadcast_in_dim3A : vector<4x1024xi1>, vector<4x1024xi32>
    %reduce_sum3A = arith.constant dense<0> : vector<1024xi32>
    %reduce_sum3A_11 = vector.multi_reduction <add>, %select_n3A, %reduce_sum3A [0] : vector<4x1024xi32> to vector<1024xi32>
    %broadcast_in_dim3A_12 = vector.shape_cast %reduce_sum3A_11 : vector<1024xi32> to vector<1x1024xi32>
    %get3A_13 = arith.constant 0 : index
    %get3A_14 = arith.constant 0 : index
    %get3A_15 = vector.load %arg4[%get3A_13, %get3A_14] : memref<1024x1xi32, #tpu.memory_space<vmem>>, vector<1024x1xi32>
    %eq3A_16 = vector.broadcast %broadcast_in_dim3A_12 : vector<1x1024xi32> to vector<1024x1024xi32>
    %eq3A_17 = vector.broadcast %get3A_15 : vector<1024x1xi32> to vector<1024x1024xi32>
    %eq3A_18 = arith.cmpi eq, %eq3A_16, %eq3A_17 : vector<1024x1024xi32>
    %get3A_19 = arith.constant 0 : index
    %get3A_20 = arith.constant 0 : index
    %get3A_21 = vector.load %arg5[%get3A_19, %get3A_20] : memref<1024x1xf32, #tpu.memory_space<vmem>>, vector<1024x1xf32>
    %add3A = vector.broadcast %get3A_21 : vector<1024x1xf32> to vector<1024x1024xf32>
    %add3A_22 = arith.addf %dot_general3A_6, %add3A : vector<1024x1024xf32>
    %exp3A = math.exp %add3A_22 : vector<1024x1024xf32>
    %jit3A_23 = arith.constant 0.000000e+00 : f32
    %broadcast_in_dim3A_24 = vector.broadcast %jit3A_23 : f32 to vector<1024x1024xf32>
    %select_n3A_25 = arith.select %eq3A_18, %broadcast_in_dim3A_24, %exp3A : vector<1024x1024xi1>, vector<1024x1024xf32>
    %reduce_sum3A_26 = arith.constant dense<0.000000e+00> : vector<1024xf32>
    %reduce_sum3A_27 = vector.multi_reduction <add>, %select_n3A_25, %reduce_sum3A_26 [0] : vector<1024x1024xf32> to vector<1024xf32>
    %broadcast_in_dim3A_28 = vector.shape_cast %reduce_sum3A_27 : vector<1024xf32> to vector<1x1024xf32>
    %get3A_29 = arith.constant 0 : index
    %get3A_30 = arith.constant 0 : index
    %get3A_31 = vector.load %arg6[%get3A_29, %get3A_30] : memref<4x1024xf32, #tpu.memory_space<vmem>>, vector<4x1024xf32>
    %broadcast_in_dim3A_32 = vector.shape_cast %broadcast_in_dim3A_28 : vector<1x1024xf32> to vector<1x1024xf32>
    %broadcast_in_dim3A_33 = vector.broadcast %broadcast_in_dim3A_32 : vector<1x1024xf32> to vector<4x1024xf32>
    %select_n3A_34 = arith.select %eq3A_7, %broadcast_in_dim3A_33, %get3A_31 : vector<4x1024xi1>, vector<4x1024xf32>
    %swap3A = arith.constant 0 : index
    %swap3A_35 = arith.constant 0 : index
    %swap3A_36 = vector.load %arg6[%swap3A, %swap3A_35] : memref<4x1024xf32, #tpu.memory_space<vmem>>, vector<4x1024xf32>
    tpu.vector_store %arg6[%swap3A, %swap3A_35], %select_n3A_34 {strides = array<i32>} : memref<4x1024xf32, #tpu.memory_space<vmem>>, vector<4x1024xf32>,
    return
  }
  func.func @transform_0(%arg0: i32) -> (i32, i32) {
    %c0_i32 = arith.constant 0 : i32
    %c0_i32_0 = arith.constant 0 : i32
    return %arg0, %c0_i32 : i32, i32
  }
  func.func @transform_1(%arg0: i32) -> (i32, i32) {
    %c0_i32 = arith.constant 0 : i32
    %c0_i32_0 = arith.constant 0 : i32
    %c0_i32_1 = arith.constant 0 : i32
    return %c0_i32, %c0_i32_0 : i32, i32
  }
  func.func @transform_2(%arg0: i32) -> (i32, i32) {
    %c0_i32 = arith.constant 0 : i32
    %c0_i32_0 = arith.constant 0 : i32
    %c0_i32_1 = arith.constant 0 : i32
    return %c0_i32, %c0_i32_0 : i32, i32
  }
  func.func @transform_3(%arg0: i32) -> (i32, i32) {
    %c0_i32 = arith.constant 0 : i32
    %c0_i32_0 = arith.constant 0 : i32
    %c0_i32_1 = arith.constant 0 : i32
    return %c0_i32, %c0_i32_0 : i32, i32
  }
  func.func @transform_4(%arg0: i32) -> (i32, i32) {
    %c0_i32 = arith.constant 0 : i32
    %c0_i32_0 = arith.constant 0 : i32
    %c0_i32_1 = arith.constant 0 : i32
    return %c0_i32, %c0_i32_0 : i32, i32
  }
  func.func @transform_5(%arg0: i32) -> (i32, i32) {
    %c0_i32 = arith.constant 0 : i32
    %c0_i32_0 = arith.constant 0 : i32
    %c0_i32_1 = arith.constant 0 : i32
    return %c0_i32, %c0_i32_0 : i32, i32
  }
}

</mosaic_0001>

<sc_bundles>
// kernel: kernel.6.cloned.1.call-start
scs
__scs_entry_jumppad:
0x0: {  	(pc) =	sbr.rel $0x88, $3  }
0x1: {  	(tag) =	ssettag $0x0;
	lr =	simm.s32 $0x1  }
0x2: {  	[smem:$0x3F9E] =	sst lr;
	_ =	strace $0xD0000000  }
0x3: {  	_ = 	snop  }
0x4: {  	_ = 	snop  }
0x5: {  	_ = 	snop  }
0x6: {  	_ = 	snop  }
0x7: {  	_ = 	snop  }
__scs_overlays_trampoline_lowered:
0x8: {  	[smem:$0x3FAD] =	sst s0  }
0x9: {  	[smem:$0x3FAE] =	sst s1  }
0xa: {  	[smem:$0x3FAF] =	sst s2  }
0xb: {  	[smem:$0x3FB0] =	sst s3  }
0xc: {  	[smem:$0x3FB1] =	sst s4  }
0xd: {  	[smem:$0x3FB2] =	sst s5  }
0xe: {  	[smem:$0x3FB3] =	sst s6  }
0xf: {  	[smem:$0x3FB4] =	sst s7  }
0x10: {  	[smem:$0x3FB5] =	sst s8  }
0x11: {  	[smem:$0x3FB6] =	sst s9;
	s0 =	simm.s32 @!p0 $0x0  }
0x12: {  	s1 =	sld [smem:$0x3F9C];
	s0 =	simm.s32 @p0 $0x1  }
0x13: {  	[smem:$0x3FB7] =	sst s0;
	s0 =	simm.s32 @!p1 $0x0  }
0x14: {  	s2 =	sld [smem:$0x3F9B];
	s0 =	simm.s32 @p1 $0x1  }
0x15: {  	[smem:$0x3FB8] =	sst s0;
	s0 =	simm.s32 @!p2 $0x0  }
0x16: {  	s3 =	sld [smem:$0x3FDB];
	s0 =	simm.s32 @p2 $0x1  }
0x17: {  	s4 =	simm.s32 $0x1BF5;
	[smem:$0x3FBA] =	sst s0  }
0x18: {  	s0 =	sld [smem:$0x3F9D];
	_ =	swait.ge [sflag:s4], $0x0  }
0x19: {  	s7 =	sld [smem:$0x3F9E]  }
0x1a: {  	s8 =	sadd.s32 $0xFFFFE003, lr  }
0x1b: {  	s9 =	sadd.s32 $0xFFFFFEF7, lr;
	s5 =	simm.s32 $0xFFFFFFFF;
	p2 =	slt.u32 s8, $0xFFFFF086  }
0x1c: {  	p1 =	slt.u32 s9, $0xF7A;
	s5 =	simm.s32 @!p2 $0x0  }
0x1d: {  	s5 =	simm.s32 @p1 $0x1;
	p0 =	seq.s32 s7, s2  }
0x1e: {  	s7 =	smul.u32 @!p0 $0xF7A, s2;
	p2 =	seq.s32 @!p0 s5, $0x0  }
0x1f: {  	s9 =	smul.u32 $0xF7A, s1;
	s8 =	simm.s32 @!p0 $0x1BF5;
	p2 =	por !p2, p0  }
0x20: {  	[sflag:s8] =	ssyncset.s32 @!p0 $0xFFFFF086;
	s6 =	sadd.s32 @!p0 s3, s7;
	s7 =	simm.s32 @!p0 $0x108  }
0x21: {  	s3 =	sadd.s32 s3, s9;
	s6 =	sadd.s32 @!p0 $0x88, s6;
	s7 =	simm.s32 @p2 $0x1082  }
0x22: {  	[simem:s7], [sflag:s8] =	dma.local @!p0 [hbm:s6], $0xF7A  }
0x23: {  	s9 =	sor.u32 $0xD0000000, s2;
	s6 =	simm.s32 $0x108;
	_ =	swait.ge @!p0 [sflag:s8], $0x0  }
0x24: {  	s3 =	sadd.s32 $0x88, s3;
	s6 =	simm.s32 @!p1 $0x1082;
	[sflag:s4] =	ssyncset.s32 $0xFFFFF086  }
0x25: {  	[simem:s6], [sflag:s4] =	dma.local [hbm:s3], $0xF7A  }
0x26: {  	[smem:$0x3F9E] =	sst s1;
	(tag) =	ssettag s2;
	_ =	strace s9  }
0x27: {  	s1 =	sld [smem:$0x3FAE]  }
0x28: {  	s2 =	sld [smem:$0x3FAF]  }
0x29: {  	s4 =	sld [smem:$0x3FB1]  }
0x2a: {  	p0 =	seq.s32 s5, $0x0;
	s5 =	sld [smem:$0x3FB2]  }
0x2b: {  	s6 =	sld [smem:$0x3FB3]  }
0x2c: {  	s7 =	sld [smem:$0x3FB4]  }
0x2d: {  	s3 =	simm.s32 $0x108;
	s8 =	sld [smem:$0x3FB5]  }
0x2e: {  	s3 =	simm.s32 @!p0 $0x1082;
	s9 =	sld [smem:$0x3FB6]  }
0x2f: {  	lr =	sadd.s32 s0, s3;
	s0 =	sld [smem:$0x3FAD]  }
0x30: {  	s3 =	sld [smem:$0x3FB0]  }
0x31: {  	[smem:$0x3FB9] =	sst s10  }
0x32: {  	s10 =	sld [smem:$0x3FB7];
	_ =	sdelay $0x3  }
0x33: {  	p0 =	seq.s32 s10, $0x1;
	s10 =	sld [smem:$0x3FB9];
	_ =	sdelay $0x3  }
0x34: {  	[smem:$0x3FB9] =	sst s10  }
0x35: {  	s10 =	sld [smem:$0x3FB8];
	_ =	sdelay $0x3  }
0x36: {  	p1 =	seq.s32 s10, $0x1;
	s10 =	sld [smem:$0x3FB9];
	_ =	sdelay $0x3  }
0x37: {  	[smem:$0x3FB9] =	sst s10  }
0x38: {  	s10 =	sld [smem:$0x3FBA]  }
0x39: {  	_ = 	snop;
	(pc) =	sbr.ind lr, $3  }
0x3a: {  	_ = 	snop  }
0x3b: {  	_ = 	snop  }
0x3c: {  	p2 =	seq.s32 s10, $0x1;
	s10 =	sld [smem:$0x3FB9]  }
0x3d: {  	_ =	shalt  }
0x3e: {  	_ =	shalt  }
0x3f: {  	_ =	shalt  }
0x40: {  	_ =	shalt  }
0x41: {  	_ =	shalt  }
0x42: {  	_ =	shalt  }
0x43: {  	_ =	shalt  }
0x44: {  	_ =	shalt  }
0x45: {  	_ =	shalt  }
0x46: {  	_ =	shalt  }
0x47: {  	_ =	shalt  }
0x48: {  	_ =	shalt  }
0x49: {  	_ =	shalt  }
0x4a: {  	_ =	shalt  }
0x4b: {  	_ =	shalt  }
0x4c: {  	_ =	shalt  }
0x4d: {  	_ =	shalt  }
0x4e: {  	_ =	shalt  }
0x4f: {  	_ =	shalt  }
0x50: {  	_ =	shalt  }
0x51: {  	_ =	shalt  }
0x52: {  	_ =	shalt  }
0x53: {  	_ =	shalt  }
0x54: {  	_ =	shalt  }
0x55: {  	_ =	shalt  }
0x56: {  	_ =	shalt  }
0x57: {  	_ =	shalt  }
0x58: {  	_ =	shalt  }
0x59: {  	_ =	shalt  }
0x5a: {  	_ =	shalt  }
0x5b: {  	_ =	shalt  }
0x5c: {  	_ =	shalt  }
0x5d: {  	_ =	shalt  }
0x5e: {  	_ =	shalt  }
0x5f: {  	_ =	shalt  }
0x60: {  	_ =	shalt  }
0x61: {  	_ =	shalt  }
0x62: {  	_ =	shalt  }
0x63: {  	_ =	shalt  }
0x64: {  	_ =	shalt  }
0x65: {  	_ =	shalt  }
0x66: {  	_ =	shalt  }
0x67: {  	_ =	shalt  }
0x68: {  	_ =	shalt  }
0x69: {  	_ =	shalt  }
0x6a: {  	_ =	shalt  }
0x6b: {  	_ =	shalt  }
0x6c: {  	_ =	shalt  }
0x6d: {  	_ =	shalt  }
0x6e: {  	_ =	shalt  }
0x6f: {  	_ =	shalt  }
0x70: {  	_ =	shalt  }
0x71: {  	_ =	shalt  }
0x72: {  	_ =	shalt  }
0x73: {  	_ =	shalt  }
0x74: {  	_ =	shalt  }
0x75: {  	_ =	shalt  }
0x76: {  	_ =	shalt  }
0x77: {  	_ =	shalt  }
0x78: {  	_ =	shalt  }
0x79: {  	_ =	shalt  }
0x7a: {  	_ =	shalt  }
0x7b: {  	_ =	shalt  }
0x7c: {  	_ =	shalt  }
0x7d: {  	_ =	shalt  }
0x7e: {  	_ =	shalt  }
0x7f: {  	_ =	shalt  }
0x80: {  	_ =	shalt  }
0x81: {  	_ =	shalt  }
0x82: {  	_ =	shalt  }
0x83: {  	_ =	shalt  }
0x84: {  	_ =	shalt  }
0x85: {  	_ =	shalt  }
0x86: {  	_ =	shalt  }
0x87: {  	_ =	shalt  }
.Lfunc_end0:
.L_simem_size_0:
called_computation_lowered:
.L_overlay_start_0:
0x88: {  	s2 =	sld [smem:$0x3FD9]  }
0x89: {  	s3 =	sld [smem:$0x3FFE];
	_ =	sdelay $0x1  }
0x8a: {  	s1 =	srdreg.scid  }
0x8b: {  	s0 =	sand.u32 $0x1, s1  }
0x8c: {  	s18 =	sshll.u32 s0, $0xA;
	s2 =	sadd.s32 s3, s2  }
0x8d: {  	s2 =	sadd.s32 s2, s18  }
0x8e: {  	[smem:$0x3FC5] =	sst s2  }
0x8f: {  	_ = 	snop  }
0x90: {  	s4 =	sld [smem:$0x3FC9]  }
0x91: {  	s19 =	sld [smem:$0x3FC8]  }
0x92: {  	s6 =	sld [smem:$0x3FC7]  }
0x93: {  	s5 =	sld [smem:$0x3FD0];
	(tm) =	ssettm $0x1  }
0x94: {  	s20 =	sld [smem:$0x3FFB];
	_ =	sdelay $0x3  }
0x95: {  	_ =	strace s20  }
0x96: {  	s2 =	sld [smem:$0x3FFC];
	_ =	sdelay $0x3  }
0x97: {  	_ =	strace s2  }
0x98: {  	s2 =	sld [smem:$0x3FFD];
	_ =	sdelay $0x3  }
0x99: {  	_ =	strace s2  }
0x9a: {  	_ =	strace $0x8FFFFFFF  }
0x9b: {  	s21 =	sld [smem:$0x3FDB];
	_ =	sdelay $0x1  }
0x9c: {  	s7 =	simm.s32 $_scs_section_size  }
0x9d: {  	s8 =	simm.s32 $_size__tile_overlayer_lowered;
	s9 =	simm.s32 $_tile_overlayer_lowered  }
0x9e: {  	s10 =	simm.s32 $0x1BFF;
	s22 =	sshll.u32 s9, $0x1;
	s7 =	sadd.s32 s7, s21  }
0x9f: {  	s23 =	simm.s32 $0x0;
	s8 =	sshll.u32 s8, $0x1;
	s9 =	sadd.s32 s22, s7  }
0xa0: {  	[timem:s23], [sflag:s10] =	dma.local [hbm:s9], s8  }
0xa1: {  	_ =	swait.ge [sflag:s10], s8  }
0xa2: {  	s8 =	ssub.s32 $0x0, s8;
	[sflag:s10] =	ssyncset.done $0x0  }
0xa3: {  	[sflag:s10] =	ssyncadd.s32 s8;
	_ =	sdelay $0x1  }
0xa4: {  	s24 =	simm.s32 $0x1B8B  }
0xa5: {  	_ =	swait.ge [sflag:s24], $0x1  }
0xa6: {  	[sflag:s24] =	ssyncset.done $0x0  }
0xa7: {  	[sflag:s24] =	ssyncadd.s32 $0xFFFFFFFF  }
0xa8: {  	s8 =	sld [smem:$0x0]  }
0xa9: {  	s9 =	sand.u32 $0xFFFFFFFE, s1  }
0xaa: {  	p0 =	sne.s32 s1, s9  }
0xab: {  	s9 =	sshll.u32 @p0 s9, $0xE  }
0xac: {  	s9 =	sadd.s32 @p0 $0x11B8D, s9;
	s10 =	sshll.u32 @p0 s8, $0x11  }
0xad: {  	s9 =	sor.u32 @p0 s10, s9  }
0xae: {  	[sflag:s9] =	ssyncadd.remote.s32 @p0 $0x1;
	_ =	sdelay $0x1  }
0xaf: {  	s9 =	simm.s32 @p0 $0x1B8D  }
0xb0: {  	_ =	swait.eq @p0 [sflag:s9], $0x1  }
0xb1: {  	[sflag:s9] =	ssyncadd.s32 @p0 $0xFFFFFFFF  }
0xb2: {  	s10 =	sshll.u32 @!p0 s1, $0xE  }
0xb3: {  	s10 =	sor.u32 @!p0 $0x4000, s10;
	s9 =	simm.s32 @!p0 $0x1B8D  }
0xb4: {  	s8 =	sshll.u32 @!p0 s8, $0x11;
	s10 =	sadd.s32 @!p0 $0x11B8D, s10;
	_ =	swait.eq @!p0 [sflag:s9], $0x1  }
0xb5: {  	s8 =	sor.u32 @!p0 s8, s10;
	[sflag:s9] =	ssyncadd.s32 @!p0 $0xFFFFFFFF  }
0xb6: {  	s25 =	simm.s32 $0x1B8E;
	[sflag:s8] =	ssyncadd.remote.s32 @!p0 $0x1  }
0xb7: {  	s26 =	simm.s32 $execute0_lowered;
	[smem:$0x3FD2] =	sst s25  }
0xb8: {  	s8 =	sshll.u32 s26, $0x1;
	_ =	strace $0x80000049;
	[dreg:$0x1] =	wrdreg $0xFFFFFFFF  }
0xb9: {  	s28 =	simm.s32 $_size_execute0_lowered;
	s7 =	sadd.s32 s7, s8;
	[dreg:$0x0] =	wrdreg $0x0  }
0xba: {  	s8 =	sshll.u32 s28, $0x1;
	[dreg:$0x2] =	wrdreg s7  }
0xbb: {  	[dreg:$0x3] =	wrdreg s8  }
0xbc: {  	[dreg:$0x4] =	wrdreg $0xC0  }
0xbd: {  	_ =	task [dreg:s23], $0x5FFFF  }
0xbe: {  	[dreg:$0x1] =	wrdreg $0xFFFFFFFF  }
0xbf: {  	[dreg:$0x0] =	wrdreg $0x60  }
0xc0: {  	[dreg:$0x2] =	wrdreg s4  }
0xc1: {  	[dreg:$0x3] =	wrdreg s6  }
0xc2: {  	[dreg:$0x4] =	wrdreg s19  }
0xc3: {  	[dreg:$0x5] =	wrdreg s5  }
0xc4: {  	[dreg:$0x6] =	wrdreg $0x9  }
0xc5: {  	_ =	task.clear_ibuf [dreg:s23], $0x7FFFF;
	_ =	strace $0x90000049  }
0xc6: {  	s29 =	simm.s32 $0x9;
	_ =	strace $0x8000004B  }
0xc7: {  	_ =	swait.ge [sflag:s29], $0x1  }
0xc8: {  	[sflag:s29] =	ssyncadd.s32 $0xFFFFFFFF  }
0xc9: {  	_ =	strace $0x9000004B  }
0xca: {  	_ =	sfence  }
0xcb: {  	s30 =	sld [smem:$0x0];
	_ =	sdelay $0x2  }
0xcc: {  	s31 =	sshll.u32 s1, $0xD;
	s1 =	sshrl.u32 s1, $0x2  }
0xcd: {  	s4 =	sand.u32 $0x4000, s31;
	s1 =	sadd.s32 s1, s30  }
0xce: {  	s0 =	sor.u32 s4, s0;
	s1 =	sshll.u32 s1, $0x11  }
0xcf: {  	s0 =	sor.u32 s1, s0  }
0xd0: {  	s0 =	sadd.s32 $0x8F2B, s0  }
0xd1: {  	[sflag:s0] =	ssyncadd.remote.s32 $0x1  }
0xd2: {  	_ =	sfence.sel $0xFFFF  }
0xd3: {  	[dreg:$0x0] =	wrdreg $0xFFFFFFFF;
	(pc) =	sbr.abs _section_cstart, $3  }
0xd4: {  	[dreg:$0x1] =	wrdreg $0xFFFFFFFF  }
0xd5: {  	_ =	task.clear_ibuf [dreg:s23], $0x2FFFF;
	_ =	strace $0x9FFFFFFF  }
0xd6: {  	(tm) =	ssettm $0x7FFFFFFF  }
0xd7: {  	_ =	shalt  }
tec
execute0_lowered:
.L_overlay_start_1:
0x0: {  	(tag) =	ssettag $0x1  }
0x1: {  	v0 =	vimm.s32 $0xEFCDAB89;
	v1 =	vimm.s32 $0x67452301  }
0x2: {  	v2 =	vimm.s32 $0xDCFE98BA;
	v3 =	vimm.s32 $0x54761032;
	v4 =	vimm.s32 $0xBA98FEDC  }
0x3: {  	v5 =	vimm.s32 $0x32107654;
	v6 =	vimm.s32 $0xFEDCBA98;
	v7 =	vimm.s32 $0x76543210  }
0x4: {  	s0 =	rddreg [dreg:$0x0];
	vm0 =	vmmov $0x1;
	vm1 =	vmmov $0x3;
	vm2 =	vmmov $0x7  }
0x5: {  	s5 =	rddreg [dreg:$0x1];
	vm3 =	vmmov $0xf;
	vm4 =	vmmov $0x1f;
	vm5 =	vmmov $0x3f  }
0x6: {  	s4 =	rddreg [dreg:$0x2];
	v0 =	vunpack.c.l.s4.s8 v0;
	v1 =	vunpack.c.l.s4.s8 v1;
	v2 =	vunpack.c.l.s4.s8 v2  }
0x7: {  	s6 =	rddreg [dreg:$0x3];
	v3 =	vunpack.c.l.s4.s8 v3;
	v4 =	vunpack.c.l.s4.s8 v4;
	v5 =	vunpack.c.l.s4.s8 v5  }
0x8: {  	s1 =	rddreg [dreg:$0x4];
	s7 =	srdreg.scid;
	v6 =	vunpack.c.l.s4.s8 v6;
	v0 =	vunpack.c.0.s8.s32 v0;
	v1 =	vunpack.c.0.s8.s32 v1  }
0x9: {  	s3 =	simm.s32 $0x0;
	s2 =	stileid.u32;
	s11 =	simm.s32 $0x2;
	v7 =	vunpack.c.l.s4.s8 v7;
	v2 =	vunpack.c.0.s8.s32 v2;
	v3 =	vunpack.c.0.s8.s32 v3  }
0xa: {  	s12 =	simm.s32 $0x1;
	s13 =	simm.s32 $0x8080;
	s7 =	sand.u32 $0x1, s7;
	v4 =	vunpack.c.0.s8.s32 v4;
	v5 =	vunpack.c.0.s8.s32 v5;
	v0 =	vcombine.low v1, v0  }
0xb: {  	vm6 =	vmmov $0x7f;
	s14 =	simm.s32 $0x0;
	s8 =	sshll.u32 s2, $0x8;
	s9 =	sshll.u32 s7, $0x7;
	v58 =	vunpack.c.0.s8.s32 v6;
	v2 =	vcombine.low v3, v2  }
0xc: {  	[smem:$0x7FF] =	sst s3;
	s7 =	ssub.s32 $0x2, s7;
	v60 =	vunpack.c.0.s8.s32 v7;
	s8 =	sor.u32 s9, s8;
	v59 =	vcombine.low v5, v4;
	v0 =	vand.u32 $0xF, v0  }
0xd: {  	vm7 =	vmmov $0xff;
	s31 =	sshrl.u32 s7, $0x1;
	s9 =	simm.s32 $0x3;
	s10 =	sshll.u32 s8, $0x4;
	v61 =	vand.u32 $0xF, v58;
	v62 =	vand.u32 $0xF, v2;
	[tilespmem:$0x1FFC0] =	vst v0  }
0xe: {  	vm8 =	vmmov $0x1ff;
	s8 =	sshrl.u32 s8, $0x3;
	s7 =	ssub.s32 s7, s31;
	v63 =	vand.u32 $0xF, v59;
	v0 =	vcombine.low v61, v60;
	_ =	strace $0x8000004A;
	[tilespmem:$0x1FFD0] =	vst v62  }
0xf: {  	vm9 =	vmmov $0x3ff;
	vm10 =	vmmov $0x7ff;
	vm11 =	vmmov $0xfff;
	s4 =	sadd.s32 s4, s10;
	s5 =	sadd.s32 s5, s8;
	s6 =	sadd.s32 s6, s8;
	[tilespmem:$0x1FFE0] =	vst v63  }
0x10: {  	vm12 =	vmmov $0x1fff;
	vm13 =	vmmov $0x3fff;
	vm14 =	vmmov $0x7fff;
	s7 =	smax.u32 s7, $0x1;
	s8 =	simm.s32 $0x4080;
	s10 =	simm.s32 $0x80;
	[tilespmem:$0x1FFF0] =	vst v0  }
.LBB2_1:
0x11: {  	[tilespmem:s8], [sflag:$0x2] =	stream.linear.gather [hbm4b:s4+s3], $0x4000, $0x38;
	[tilespmem:$0x8100] =	vst v63  }
0x12: {  	_ = 	snop  }
0x13: {  	[tilespmem:s3], [sflag:$0x3] =	stream.linear.gather [hbm4b:s5+s3], $0x80, $0x38;
	[tilespmem:$0x8100] =	vst v63  }
0x14: {  	_ =	swait.ge [sflag:s9], $0x80  }
0x15: {  	[sflag:s9] =	ssyncset.done $0x0  }
0x16: {  	[sflag:s9] =	ssyncadd.s32 $0xFFFFFF80  }
0x17: {  	[tilespmem:s10], [sflag:$0x1] =	stream.indirect.gather [hbm4b:s0+s10], $0x80, s3, s10, $0xb8;
	[tilespmem:$0x8100] =	vst v63  }
0x18: {  	_ =	swait.ge [sflag:s11], $0x4000  }
0x19: {  	[sflag:s11] =	ssyncset.done $0x0  }
0x1a: {  	[sflag:s11] =	ssyncadd.s32 $0xFFFFC000  }
0x1b: {  	_ =	swait.ge [sflag:s12], $0x4000  }
0x1c: {  	[sflag:s12] =	ssyncset.done $0x0  }
0x1d: {  	s15 =	simm.s32 $0x0;
	[sflag:s12] =	ssyncadd.s32 $0xFFFFC000  }
0x1e: {  	v1 =	vld [tilespmem:s15+$0x4370];
	_ =	sdelay $0x4  }
0x1f: {  	[tilespmem:$0x1FB60] =	vst v1;
	v1 =	vld [tilespmem:s15+$0x370];
	_ =	sdelay $0x4  }
0x20: {  	[tilespmem:$0x1FB70] =	vst v1;
	v1 =	vld [tilespmem:s15+$0x43E0];
	_ =	sdelay $0x4  }
0x21: {  	[tilespmem:$0x1FBF0] =	vst v1;
	v1 =	vld [tilespmem:s15+$0x3E0];
	_ =	sdelay $0x4  }
0x22: {  	[tilespmem:$0x1FC00] =	vst v1;
	v1 =	vld [tilespmem:s15+$0x4450];
	_ =	sdelay $0x4  }
0x23: {  	[tilespmem:$0x1FC20] =	vst v1;
	v1 =	vld [tilespmem:s15+$0x450];
	_ =	sdelay $0x4  }
0x24: {  	[tilespmem:$0x1FC30] =	vst v1;
	v1 =	vld [tilespmem:s15+$0x44C0];
	_ =	sdelay $0x4  }
0x25: {  	[tilespmem:$0x1FD20] =	vst v1;
	v1 =	vld [tilespmem:s15+$0x4C0];
	_ =	sdelay $0x4  }
0x26: {  	[tilespmem:$0x1FD30] =	vst v1;
	v1 =	vld [tilespmem:s15+$0x4530];
	_ =	sdelay $0x4  }
0x27: {  	[tilespmem:$0x1FCE0] =	vst v1;
	v1 =	vld [tilespmem:s15+$0x530];
	_ =	sdelay $0x4  }
0x28: {  	[tilespmem:$0x1FCF0] =	vst v1;
	v1 =	vld [tilespmem:s15+$0x45A0];
	_ =	sdelay $0x4  }
0x29: {  	[tilespmem:$0x1FC40] =	vst v1;
	v1 =	vld [tilespmem:s15+$0x5A0];
	_ =	sdelay $0x4  }
0x2a: {  	[tilespmem:$0x1FC50] =	vst v1;
	v1 =	vld [tilespmem:s15+$0x42F0];
	_ =	sdelay $0x4  }
0x2b: {  	[tilespmem:$0x1FD40] =	vst v1;
	v1 =	vld [tilespmem:s15+$0x2F0];
	_ =	sdelay $0x4  }
0x2c: {  	[tilespmem:$0x1FD50] =	vst v1;
	v1 =	vld [tilespmem:s15+$0x4360];
	_ =	sdelay $0x4  }
0x2d: {  	[tilespmem:$0x1FD70] =	vst v1;
	v1 =	vld [tilespmem:s15+$0x360];
	_ =	sdelay $0x4  }
0x2e: {  	[tilespmem:$0x1FD80] =	vst v1;
	v1 =	vld [tilespmem:s15+$0x43D0];
	_ =	sdelay $0x4  }
0x2f: {  	[tilespmem:$0x1FE10] =	vst v1;
	v1 =	vld [tilespmem:s15+$0x3D0];
	_ =	sdelay $0x3  }
0x30: {  	v0 =	vld [tilespmem:s15+$0x4760]  }
0x31: {  	[tilespmem:$0x1FE20] =	vst v1;
	v1 =	vld [tilespmem:s15+$0x4440];
	_ =	sdelay $0x3  }
0x32: {  	[tilespmem:$0x1F850] =	vst v0;
	v0 =	vld [tilespmem:s15+$0x46E0]  }
0x33: {  	[tilespmem:$0x1FDB0] =	vst v1;
	v1 =	vld [tilespmem:s15+$0x440];
	_ =	sdelay $0x3  }
0x34: {  	[tilespmem:$0x1F860] =	vst v0;
	v0 =	vld [tilespmem:s15+$0x6E0]  }
0x35: {  	[tilespmem:$0x1FDC0] =	vst v1;
	v1 =	vld [tilespmem:s15+$0x44B0];
	_ =	sdelay $0x3  }
0x36: {  	[tilespmem:$0x1F870] =	vst v0;
	v0 =	vld [tilespmem:s15+$0x4750]  }
0x37: {  	[tilespmem:$0x1FD00] =	vst v1;
	v1 =	vld [tilespmem:s15+$0x4B0];
	_ =	sdelay $0x3  }
0x38: {  	[tilespmem:$0x1F880] =	vst v0;
	v0 =	vld [tilespmem:s15+$0x750]  }
0x39: {  	[tilespmem:$0x1FD10] =	vst v1;
	v1 =	vld [tilespmem:s15+$0x4520];
	_ =	sdelay $0x3  }
0x3a: {  	[tilespmem:$0x1F890] =	vst v0;
	v0 =	vld [tilespmem:s15+$0x47C0]  }
0x3b: {  	[tilespmem:$0x1FCA0] =	vst v1;
	v1 =	vld [tilespmem:s15+$0x520];
	_ =	sdelay $0x3  }
0x3c: {  	[tilespmem:$0x1F8A0] =	vst v0;
	v0 =	vld [tilespmem:s15+$0x7C0]  }
0x3d: {  	[tilespmem:$0x1FCB0] =	vst v1;
	v1 =	vld [tilespmem:s15+$0x4580];
	_ =	sdelay $0x3  }
0x3e: {  	[tilespmem:$0x1F8B0] =	vst v0;
	v0 =	vld [tilespmem:s15+$0x4660]  }
0x3f: {  	[tilespmem:$0x1FBA0] =	vst v1;
	v1 =	vld [tilespmem:s15+$0x580];
	_ =	sdelay $0x3  }
0x40: {  	[tilespmem:$0x1F8E0] =	vst v0;
	v0 =	vld [tilespmem:s15+$0x660]  }
0x41: {  	[tilespmem:$0x1FBB0] =	vst v1;
	v1 =	vld [tilespmem:s15+$0x4590];
	_ =	sdelay $0x3  }
0x42: {  	[tilespmem:$0x1F8F0] =	vst v0;
	v0 =	vld [tilespmem:s15+$0x6D0]  }
0x43: {  	[tilespmem:$0x1FBC0] =	vst v1;
	v1 =	vld [tilespmem:s15+$0x590];
	_ =	sdelay $0x3  }
0x44: {  	[tilespmem:$0x1F920] =	vst v0;
	v0 =	vld [tilespmem:s15+$0x740]  }
0x45: {  	[tilespmem:$0x1FBD0] =	vst v1;
	v1 =	vld [tilespmem:s15+$0x4270];
	_ =	sdelay $0x3  }
0x46: {  	[tilespmem:$0x1F8D0] =	vst v0;
	v0 =	vld [tilespmem:s15+$0x47B0]  }
0x47: {  	[tilespmem:$0x1F830] =	vst v1;
	v1 =	vld [tilespmem:s15+$0x42E0];
	_ =	sdelay $0x3  }
0x48: {  	[tilespmem:$0x1F8C0] =	vst v0;
	v0 =	vld [tilespmem:s15+$0x4570]  }
0x49: {  	[tilespmem:$0x1FE30] =	vst v1;
	v1 =	vld [tilespmem:s15+$0x2E0];
	_ =	sdelay $0x3  }
0x4a: {  	[tilespmem:$0x1F930] =	vst v0;
	v0 =	vld [tilespmem:s15+$0x570]  }
0x4b: {  	[tilespmem:$0x1FE40] =	vst v1;
	v1 =	vld [tilespmem:s15+$0x4350];
	_ =	sdelay $0x3  }
0x4c: {  	[tilespmem:$0x1F940] =	vst v0;
	v0 =	vld [tilespmem:s15+$0x45E0]  }
0x4d: {  	[tilespmem:$0x1FE50] =	vst v1;
	v1 =	vld [tilespmem:s15+$0x350];
	_ =	sdelay $0x3  }
0x4e: {  	[tilespmem:$0x1F950] =	vst v0;
	v0 =	vld [tilespmem:s15+$0x5E0]  }
0x4f: {  	[tilespmem:$0x1FE60] =	vst v1;
	v1 =	vld [tilespmem:s15+$0x43C0];
	_ =	sdelay $0x3  }
0x50: {  	[tilespmem:$0x1F960] =	vst v0;
	v0 =	vld [tilespmem:s15+$0x4650]  }
0x51: {  	[tilespmem:$0x1FDF0] =	vst v1;
	v1 =	vld [tilespmem:s15+$0x3C0];
	_ =	sdelay $0x3  }
0x52: {  	[tilespmem:$0x1F980] =	vst v0;
	v0 =	vld [tilespmem:s15+$0x650]  }
0x53: {  	[tilespmem:$0x1FE00] =	vst v1;
	v1 =	vld [tilespmem:s15+$0x4430];
	_ =	sdelay $0x3  }
0x54: {  	[tilespmem:$0x1F990] =	vst v0;
	v0 =	vld [tilespmem:s15+$0x46C0]  }
0x55: {  	[tilespmem:$0x1FD90] =	vst v1;
	v1 =	vld [tilespmem:s15+$0x430];
	_ =	sdelay $0x3  }
0x56: {  	[tilespmem:$0x1F900] =	vst v0;
	v0 =	vld [tilespmem:s15+$0x6C0]  }
0x57: {  	[tilespmem:$0x1FDA0] =	vst v1;
	v1 =	vld [tilespmem:s15+$0x44A0];
	_ =	sdelay $0x3  }
0x58: {  	[tilespmem:$0x1F910] =	vst v0;
	v0 =	vld [tilespmem:s15+$0x44F0]  }
0x59: {  	[tilespmem:$0x1FCC0] =	vst v1;
	v1 =	vld [tilespmem:s15+$0x4A0];
	_ =	sdelay $0x3  }
0x5a: {  	[tilespmem:$0x1F9D0] =	vst v0;
	v0 =	vld [tilespmem:s15+$0x4F0]  }
0x5b: {  	[tilespmem:$0x1FCD0] =	vst v1;
	v1 =	vld [tilespmem:s15+$0x4500];
	_ =	sdelay $0x3  }
0x5c: {  	[tilespmem:$0x1F9E0] =	vst v0;
	v0 =	vld [tilespmem:s15+$0x560]  }
0x5d: {  	[tilespmem:$0x1FC60] =	vst v1;
	v1 =	vld [tilespmem:s15+$0x500];
	_ =	sdelay $0x3  }
0x5e: {  	[tilespmem:$0x1FA10] =	vst v0;
	v0 =	vld [tilespmem:s15+$0x45D0]  }
0x5f: {  	[tilespmem:$0x1FC70] =	vst v1;
	v1 =	vld [tilespmem:s15+$0x4510];
	_ =	sdelay $0x3  }
0x60: {  	[tilespmem:$0x1FA20] =	vst v0;
	v0 =	vld [tilespmem:s15+$0x5D0]  }
0x61: {  	[tilespmem:$0x1FC80] =	vst v1;
	v1 =	vld [tilespmem:s15+$0x510];
	_ =	sdelay $0x3  }
0x62: {  	[tilespmem:$0x1FA30] =	vst v0;
	v0 =	vld [tilespmem:s15+$0x4640]  }
0x63: {  	[tilespmem:$0x1FC90] =	vst v1;
	v1 =	vld [tilespmem:s15+$0x41F0];
	_ =	sdelay $0x3  }
0x64: {  	[tilespmem:$0x1F9F0] =	vst v0;
	v0 =	vld [tilespmem:s15+$0x640]  }
0x65: {  	[tilespmem:$0x1F840] =	vst v1;
	v1 =	vld [tilespmem:s15+$0x4260];
	_ =	sdelay $0x3  }
0x66: {  	[tilespmem:$0x1FA00] =	vst v0;
	v0 =	vld [tilespmem:s15+$0x4470]  }
0x67: {  	[tilespmem:$0x1FE70] =	vst v1;
	v1 =	vld [tilespmem:s15+$0x260];
	_ =	sdelay $0x3  }
0x68: {  	[tilespmem:$0x1FA40] =	vst v0;
	v0 =	vld [tilespmem:s15+$0x470]  }
0x69: {  	[tilespmem:$0x1FE80] =	vst v1;
	v1 =	vld [tilespmem:s15+$0x42D0];
	_ =	sdelay $0x3  }
0x6a: {  	[tilespmem:$0x1FA50] =	vst v0;
	v0 =	vld [tilespmem:s15+$0x44E0]  }
0x6b: {  	[tilespmem:$0x1FE90] =	vst v1;
	v1 =	vld [tilespmem:s15+$0x2D0];
	_ =	sdelay $0x3  }
0x6c: {  	[tilespmem:$0x1FA60] =	vst v0;
	v0 =	vld [tilespmem:s15+$0x4E0]  }
0x6d: {  	[tilespmem:$0x1FEA0] =	vst v1;
	v1 =	vld [tilespmem:s15+$0x4340];
	_ =	sdelay $0x3  }
0x6e: {  	[tilespmem:$0x1FA70] =	vst v0;
	v0 =	vld [tilespmem:s15+$0x4550]  }
0x6f: {  	[tilespmem:$0x1FEB0] =	vst v1;
	v1 =	vld [tilespmem:s15+$0x340];
	_ =	sdelay $0x3  }
0x70: {  	[tilespmem:$0x1FA80] =	vst v0;
	v0 =	vld [tilespmem:s15+$0x550]  }
0x71: {  	[tilespmem:$0x1FEC0] =	vst v1;
	v1 =	vld [tilespmem:s15+$0x43B0]  }
0x72: {  	v41 =	vld [tilespmem:s15+$0x4770]  }
0x73: {  	v39 =	vld [tilespmem:s15+$0x770]  }
0x74: {  	v60 =	vld [tilespmem:s15+$0x47E0]  }
0x75: {  	[tilespmem:$0x1FA90] =	vst v0;
	v0 =	vld [tilespmem:s15+$0x45C0]  }
0x76: {  	[tilespmem:$0x1FDD0] =	vst v1;
	v1 =	vld [tilespmem:s15+$0x3B0]  }
0x77: {  	v48 =	vld [tilespmem:s15+$0x7E0]  }
0x78: {  	v61 =	vld [tilespmem:s15+$0x760]  }
0x79: {  	v32 =	vld [tilespmem:s15+$0x4830]  }
0x7a: {  	[tilespmem:$0x1FAA0] =	vst v0;
	v0 =	vld [tilespmem:s15+$0x5C0]  }
0x7b: {  	[tilespmem:$0x1FDE0] =	vst v1;
	v1 =	vld [tilespmem:$0x1F850]  }
0x7c: {  	v10 =	vld [tilespmem:s15+$0x4800]  }
0x7d: {  	v8 =	vld [tilespmem:s15+$0x800]  }
0x7e: {  	v7 =	vld [tilespmem:s15+$0x4810]  }
0x7f: {  	v39 =	vmul.f32 v39, v41;
	[tilespmem:$0x1FAB0] =	vst v0;
	v0 =	vld [tilespmem:s15+$0x4630]  }
0x80: {  	v41 =	vmul.f32 v48, v60;
	v60 =	vmul.f32 v61, v1;
	v1 =	vld [tilespmem:s15+$0x40F0]  }
0x81: {  	v6 =	vld [tilespmem:s15+$0x810]  }
0x82: {  	v16 =	vld [tilespmem:s15+$0x4790]  }
0x83: {  	v15 =	vld [tilespmem:s15+$0x790]  }
0x84: {  	[tilespmem:$0x1F9B0] =	vst v0;
	v0 =	vld [tilespmem:s15+$0x630]  }
0x85: {  	[tilespmem:$0x1FED0] =	vst v1;
	v1 =	vld [tilespmem:s15+$0xF0]  }
0x86: {  	v18 =	vld [tilespmem:s15+$0x4780]  }
0x87: {  	v17 =	vld [tilespmem:s15+$0x780]  }
0x88: {  	v16 =	vmul.f32 v15, v16;
	v15 =	vld [tilespmem:$0x1F870]  }
0x89: {  	[tilespmem:$0x1F9C0] =	vst v0;
	v0 =	vld [tilespmem:s15+$0x43F0]  }
0x8a: {  	[tilespmem:$0x1FEE0] =	vst v1;
	v1 =	vld [tilespmem:$0x1F860]  }
0x8b: {  	v24 =	vld [tilespmem:s15+$0x4820]  }
0x8c: {  	v23 =	vld [tilespmem:s15+$0x820]  }
0x8d: {  	v31 =	vld [tilespmem:s15+$0x830]  }
0x8e: {  	v8 =	vmul.f32 v8, v10;
	v6 =	vmul.f32 v6, v7;
	[tilespmem:$0x1FAC0] =	vst v0;
	v0 =	vld [tilespmem:s15+$0x3F0]  }
0x8f: {  	v17 =	vmul.f32 v17, v18;
	v18 =	vmul.f32 v15, v1;
	v1 =	vld [tilespmem:$0x1F880]  }
0x90: {  	v15 =	vld [tilespmem:$0x1F890]  }
0x91: {  	v23 =	vmul.f32 v23, v24;
	v6 =	vadd.f32 v6, v8  }
0x92: {  	v12 =	vld [tilespmem:s15+$0x4710]  }
0x93: {  	v6 =	vadd.f32 v23, v6;
	v23 =	vmul.f32 v31, v32;
	[tilespmem:$0x1FAD0] =	vst v0;
	v0 =	vld [tilespmem:s15+$0x4460]  }
0x94: {  	v11 =	vld [tilespmem:s15+$0x710]  }
0x95: {  	v6 =	vadd.f32 v23, v6;
	v23 =	vmul.f32 v15, v1;
	v1 =	vld [tilespmem:s15+$0x4250]  }
0x96: {  	v58 =	vld [tilespmem:s15+$0x7B0]  }
0x97: {  	v30 =	vld [tilespmem:s15+$0x47A0]  }
0x98: {  	[tilespmem:$0x1FAE0] =	vst v0;
	v0 =	vld [tilespmem:s15+$0x460]  }
0x99: {  	v11 =	vmul.f32 v11, v12;
	v12 =	vld [tilespmem:$0x1F8B0]  }
0x9a: {  	[tilespmem:$0x1FEF0] =	vst v1;
	v1 =	vld [tilespmem:$0x1F8A0]  }
0x9b: {  	v29 =	vld [tilespmem:s15+$0x7A0]  }
0x9c: {  	v14 =	vld [tilespmem:s15+$0x4700]  }
0x9d: {  	[tilespmem:$0x1FAF0] =	vst v0;
	v0 =	vld [tilespmem:s15+$0x44D0]  }
0x9e: {  	v13 =	vld [tilespmem:s15+$0x700]  }
0x9f: {  	v12 =	vmul.f32 v12, v1;
	v1 =	vld [tilespmem:$0x1F8C0];
	_ =	sdelay $0x2  }
0xa0: {  	v16 =	vadd.f32 v16, v17;
	v17 =	vmul.f32 v29, v30;
	[tilespmem:$0x1FB00] =	vst v0;
	v0 =	vld [tilespmem:s15+$0x4D0];
	_ =	sdelay $0x1  }
0xa1: {  	v13 =	vmul.f32 v13, v14;
	v14 =	vadd.f32 v17, v16;
	v16 =	vmul.f32 v58, v1;
	v1 =	vld [tilespmem:s15+$0x250]  }
0xa2: {  	v62 =	vld [tilespmem:s15+$0x4860]  }
0xa3: {  	v38 =	vld [tilespmem:s15+$0x860]  }
0xa4: {  	[tilespmem:$0x1FB10] =	vst v0;
	v0 =	vld [tilespmem:s15+$0x4540]  }
0xa5: {  	v45 =	vld [tilespmem:s15+$0x4850]  }
0xa6: {  	[tilespmem:$0x1FF00] =	vst v1;
	v1 =	vld [tilespmem:s15+$0x42C0]  }
0xa7: {  	v43 =	vld [tilespmem:s15+$0x850]  }
0xa8: {  	v63 =	vld [tilespmem:s15+$0x4840]  }
0xa9: {  	[tilespmem:$0x1FB20] =	vst v0;
	v0 =	vld [tilespmem:s15+$0x540]  }
0xaa: {  	v3 =	vld [tilespmem:s15+$0x4740]  }
0xab: {  	[tilespmem:$0x1FF10] =	vst v1;
	v1 =	vld [tilespmem:s15+$0x2C0]  }
0xac: {  	v59 =	vld [tilespmem:s15+$0x4730]  }
0xad: {  	v56 =	vld [tilespmem:s15+$0x730]  }
0xae: {  	[tilespmem:$0x1FB30] =	vst v0;
	v0 =	vld [tilespmem:s15+$0x45B0]  }
0xaf: {  	v28 =	vld [tilespmem:s15+$0x4720]  }
0xb0: {  	[tilespmem:$0x1FF20] =	vst v1;
	v1 =	vld [tilespmem:s15+$0x4330]  }
0xb1: {  	v27 =	vld [tilespmem:s15+$0x720]  }
0xb2: {  	v26 =	vld [tilespmem:s15+$0x46A0]  }
0xb3: {  	[tilespmem:$0x1FB40] =	vst v0;
	v0 =	vld [tilespmem:s15+$0x5B0]  }
0xb4: {  	v9 =	vld [tilespmem:s15+$0x4680]  }
0xb5: {  	[tilespmem:$0x1FF30] =	vst v1;
	v1 =	vld [tilespmem:s15+$0x330]  }
0xb6: {  	v4 =	vld [tilespmem:s15+$0x680]  }
0xb7: {  	v5 =	vld [tilespmem:s15+$0x4690]  }
0xb8: {  	[tilespmem:$0x1FB50] =	vst v0;
	v0 =	vld [tilespmem:s15+$0x690]  }
0xb9: {  	v25 =	vld [tilespmem:s15+$0x6A0]  }
0xba: {  	[tilespmem:$0x1FF40] =	vst v1;
	v1 =	vld [tilespmem:$0x1F8D0]  }
0xbb: {  	v37 =	vld [tilespmem:s15+$0x46B0];
	v11 =	vadd.f32 v11, v13;
	v13 =	vmul.f32 v27, v28  }
0xbc: {  	v36 =	vld [tilespmem:s15+$0x6B0];
	v4 =	vmul.f32 v4, v9  }
0xbd: {  	v57 =	vld [tilespmem:s15+$0x840];
	v9 =	vadd.f32 v13, v11;
	v11 =	vmul.f32 v56, v59;
	v0 =	vmul.f32 v0, v5  }
0xbe: {  	v13 =	vmul.f32 v25, v26;
	v5 =	vadd.f32 v16, v14;
	v16 =	vld [tilespmem:$0x1F8F0]  }
0xbf: {  	v9 =	vadd.f32 v11, v9;
	v0 =	vadd.f32 v0, v4;
	v11 =	vmul.f32 v1, v3;
	v1 =	vld [tilespmem:$0x1F8E0];
	_ =	sdelay $0x1  }
0xc0: {  	v52 =	vld [tilespmem:s15+$0x4870];
	v0 =	vadd.f32 v13, v0;
	v13 =	vmul.f32 v36, v37  }
0xc1: {  	v35 =	vld [tilespmem:s15+$0x870];
	v38 =	vmul.f32 v38, v62;
	v62 =	vmul.f32 v57, v63  }
0xc2: {  	v9 =	vadd.f32 v11, v9;
	v11 =	vadd.f32 v13, v0;
	v0 =	vld [tilespmem:$0x1F900]  }
0xc3: {  	v43 =	vmul.f32 v43, v45;
	v6 =	vadd.f32 v62, v6;
	v16 =	vmul.f32 v16, v1;
	v1 =	vld [tilespmem:$0x1F910];
	_ =	sdelay $0x1  }
0xc4: {  	v6 =	vadd.f32 v43, v6  }
0xc5: {  	v3 =	vld [tilespmem:$0x1FFC0]  }
0xc6: {  	v33 =	vld [tilespmem:s15+$0x46D0];
	v35 =	vmul.f32 v35, v52;
	v6 =	vadd.f32 v38, v6  }
0xc7: {  	v13 =	vmul.f32 v1, v0;
	v0 =	vld [tilespmem:$0x1F920]  }
0xc8: {  	v6 =	vadd.f32 v35, v6;
	_ =	sdelay $0x1  }
0xc9: {  	v14 =	vperm.xlane v6, v3  }
0xca: {  	v1 =	vld [tilespmem:$0x1F940]  }
0xcb: {  	v6 =	vadd.f32 v6, v14;
	v14 =	vmul.f32 v0, v33;
	v0 =	vld [tilespmem:$0x1F930];
	_ =	sdelay $0x2  }
0xcc: {  	v20 =	vld [tilespmem:s15+$0x4610]  }
0xcd: {  	v19 =	vld [tilespmem:s15+$0x610]  }
0xce: {  	v0 =	vmul.f32 v1, v0;
	v1 =	vld [tilespmem:s15+$0x40E0];
	_ =	sdelay $0x3  }
0xcf: {  	v19 =	vmul.f32 v19, v20;
	v20 =	vld [tilespmem:$0x1F960]  }
0xd0: {  	[tilespmem:$0x1FF60] =	vst v1;
	v1 =	vld [tilespmem:$0x1F950];
	_ =	sdelay $0x3  }
0xd1: {  	v22 =	vld [tilespmem:s15+$0x4600]  }
0xd2: {  	v20 =	vmul.f32 v20, v1;
	v1 =	vld [tilespmem:s15+$0xE0]  }
0xd3: {  	v21 =	vld [tilespmem:s15+$0x600]  }
0xd4: {  	v33 =	vld [tilespmem:$0x1FFD0]  }
0xd5: {  	v50 =	vld [tilespmem:s15+$0x47D0]  }
0xd6: {  	v51 =	vld [tilespmem:s15+$0x7D0]  }
0xd7: {  	[tilespmem:$0x1FF70] =	vst v1;
	v1 =	vld [tilespmem:s15+$0x4160];
	_ =	sdelay $0x1  }
0xd8: {  	v55 =	vld [tilespmem:s15+$0x47F0];
	v21 =	vmul.f32 v21, v22;
	v9 =	vadd.f32 v23, v9;
	v23 =	vperm.xlane v6, v33  }
0xd9: {  	v46 =	vld [tilespmem:s15+$0x7F0];
	v5 =	vadd.f32 v12, v5  }
0xda: {  	v61 =	vmul.f32 v51, v50;
	v27 =	vadd.f32 v6, v23;
	v6 =	vadd.f32 v19, v21;
	v21 =	vld [tilespmem:$0x1F990]  }
0xdb: {  	[tilespmem:$0x1F970] =	vst v1;
	v1 =	vld [tilespmem:$0x1F980]  }
0xdc: {  	v34 =	vld [tilespmem:s15+$0x4620];
	v5 =	vadd.f32 v61, v5  }
0xdd: {  	v53 =	vld [tilespmem:s15+$0x620]  }
0xde: {  	v46 =	vmul.f32 v46, v55;
	v5 =	vadd.f32 v41, v5  }
0xdf: {  	v11 =	vadd.f32 v13, v11  }
0xe0: {  	v5 =	vadd.f32 v46, v5;
	v21 =	vmul.f32 v21, v1;
	v1 =	vld [tilespmem:s15+$0x41D0]  }
0xe1: {  	v11 =	vadd.f32 v14, v11  }
0xe2: {  	v14 =	vmul.f32 v53, v34;
	v19 =	vperm.xlane v5, v3  }
0xe3: {  	v11 =	vadd.f32 v18, v11  }
0xe4: {  	v18 =	vadd.f32 v5, v19;
	v5 =	vadd.f32 v14, v6;
	v6 =	vld [tilespmem:$0x1F9C0]  }
0xe5: {  	[tilespmem:$0x1F9A0] =	vst v1;
	v1 =	vld [tilespmem:$0x1F9B0];
	_ =	sdelay $0x4  }
0xe6: {  	v6 =	vmul.f32 v6, v1;
	v1 =	vld [tilespmem:s15+$0x4240];
	_ =	sdelay $0x3  }
0xe7: {  	v14 =	vld [tilespmem:$0x1F9E0]  }
0xe8: {  	[tilespmem:$0x1FF80] =	vst v1;
	v1 =	vld [tilespmem:$0x1F9D0];
	_ =	sdelay $0x4  }
0xe9: {  	v19 =	vmul.f32 v14, v1;
	v1 =	vld [tilespmem:s15+$0x240];
	_ =	sdelay $0x3  }
0xea: {  	v6 =	vadd.f32 v6, v5;
	v5 =	vld [tilespmem:$0x1FA00]  }
0xeb: {  	[tilespmem:$0x1FF90] =	vst v1;
	v1 =	vld [tilespmem:$0x1F9F0];
	_ =	sdelay $0x4  }
0xec: {  	v14 =	vmul.f32 v5, v1;
	v1 =	vld [tilespmem:s15+$0x42B0];
	_ =	sdelay $0x3  }
0xed: {  	v2 =	vld [tilespmem:s15+$0x4560]  }
0xee: {  	[tilespmem:$0x1FFA0] =	vst v1;
	v1 =	vld [tilespmem:$0x1FA10];
	_ =	sdelay $0x4  }
0xef: {  	v30 =	vmul.f32 v1, v2;
	v1 =	vld [tilespmem:$0x1FA20]  }
0xf0: {  	v2 =	vld [tilespmem:$0x1FA30];
	_ =	sdelay $0x4  }
0xf1: {  	v28 =	vmul.f32 v2, v1;
	v1 =	vld [tilespmem:s15+$0x2B0];
	_ =	sdelay $0x3  }
0xf2: {  	v2 =	vld [tilespmem:$0x1FA50]  }
0xf3: {  	[tilespmem:$0x1FFB0] =	vst v1;
	v1 =	vld [tilespmem:$0x1FA40];
	_ =	sdelay $0x2  }
0xf4: {  	v22 =	vperm.xlane v18, v33;
	_ =	sdelay $0x1  }
0xf5: {  	v18 =	vadd.f32 v18, v22;
	v22 =	vmul.f32 v2, v1;
	v1 =	vld [tilespmem:s15+$0x4320];
	_ =	sdelay $0x3  }
0xf6: {  	v2 =	vld [tilespmem:$0x1FA70]  }
0xf7: {  	[tilespmem:$0x1FF50] =	vst v1;
	v1 =	vld [tilespmem:$0x1FA60];
	_ =	sdelay $0x4  }
0xf8: {  	v32 =	vmul.f32 v2, v1;
	v1 =	vld [tilespmem:$0x1FA80]  }
0xf9: {  	v2 =	vld [tilespmem:$0x1FA90];
	_ =	sdelay $0x4  }
0xfa: {  	v34 =	vmul.f32 v2, v1;
	v1 =	vld [tilespmem:$0x1FAA0]  }
0xfb: {  	v2 =	vld [tilespmem:$0x1FAB0];
	_ =	sdelay $0x4  }
0xfc: {  	v35 =	vmul.f32 v2, v1;
	v1 =	vld [tilespmem:$0x1FAC0]  }
0xfd: {  	v2 =	vld [tilespmem:$0x1FAD0];
	_ =	sdelay $0x2  }
0xfe: {  	v6 =	vadd.f32 v14, v6;
	_ =	sdelay $0x1  }
0xff: {  	v21 =	vadd.f32 v21, v6;
	v6 =	vmul.f32 v2, v1;
	v1 =	vld [tilespmem:$0x1FAE0]  }
0x100: {  	v2 =	vld [tilespmem:$0x1FAF0];
	_ =	sdelay $0x4  }
0x101: {  	v37 =	vmul.f32 v2, v1;
	v1 =	vld [tilespmem:$0x1FB00]  }
0x102: {  	v2 =	vld [tilespmem:$0x1FB10];
	_ =	sdelay $0x2  }
0x103: {  	v42 =	vld [tilespmem:s15+$0x4670];
	v9 =	vadd.f32 v60, v9  }
0x104: {  	v40 =	vld [tilespmem:s15+$0x670]  }
0x105: {  	v9 =	vadd.f32 v39, v9;
	v39 =	vmul.f32 v2, v1;
	v1 =	vld [tilespmem:$0x1FB20]  }
0x106: {  	v2 =	vld [tilespmem:$0x1FB30];
	_ =	sdelay $0x2  }
0x107: {  	v49 =	vld [tilespmem:s15+$0x45F0]  }
0x108: {  	v44 =	vld [tilespmem:s15+$0x5F0]  }
0x109: {  	v40 =	vmul.f32 v40, v42;
	v42 =	vmul.f32 v2, v1;
	v1 =	vld [tilespmem:$0x1FB40]  }
0x10a: {  	v2 =	vld [tilespmem:$0x1FB50];
	_ =	sdelay $0x4  }
0x10b: {  	v15 =	vmul.f32 v44, v49;
	v44 =	vmul.f32 v2, v1;
	v1 =	vld [tilespmem:$0x1FB60]  }
0x10c: {  	v2 =	vld [tilespmem:$0x1FB70];
	_ =	sdelay $0x4  }
0x10d: {  	v54 =	vld [tilespmem:s15+$0x46F0];
	v1 =	vmul.f32 v2, v1  }
0x10e: {  	v47 =	vld [tilespmem:s15+$0x6F0]  }
0x10f: {  	[tilespmem:$0x1FB80] =	vst v1;
	v1 =	vld [tilespmem:s15+$0x40D0];
	_ =	sdelay $0x3  }
0x110: {  	v55 =	vmul.f32 v47, v54;
	v2 =	vld [tilespmem:$0x1FBB0]  }
0x111: {  	[tilespmem:$0x1FB90] =	vst v1;
	v1 =	vld [tilespmem:$0x1FBA0]  }
0x112: {  	v23 =	vadd.f32 v55, v11;
	v11 =	vperm.xlane v9, v3;
	_ =	sdelay $0x1  }
0x113: {  	v9 =	vadd.f32 v9, v11;
	v29 =	vperm.xlane v23, v3  }
0x114: {  	v16 =	vadd.f32 v16, v21;
	v21 =	vld [tilespmem:$0x1FFE0]  }
0x115: {  	v23 =	vadd.f32 v23, v29;
	v29 =	vperm.xlane v9, v33;
	v5 =	vmul.f32 v2, v1;
	v1 =	vld [tilespmem:$0x1FBC0]  }
0x116: {  	v2 =	vld [tilespmem:$0x1FBD0]  }
0x117: {  	v9 =	vadd.f32 v9, v29;
	v29 =	vperm.xlane v23, v33;
	_ =	sdelay $0x1  }
0x118: {  	v63 =	vadd.f32 v23, v29;
	v29 =	vperm.xlane v27, v21;
	_ =	sdelay $0x1  }
0x119: {  	v50 =	vadd.f32 v27, v29;
	v29 =	vmul.f32 v2, v1;
	v1 =	vld [tilespmem:s15+$0x4150];
	_ =	sdelay $0x3  }
0x11a: {  	v2 =	vld [tilespmem:$0x1FC00]  }
0x11b: {  	[tilespmem:$0x1FBE0] =	vst v1;
	v1 =	vld [tilespmem:$0x1FBF0];
	_ =	sdelay $0x4  }
0x11c: {  	v11 =	vmul.f32 v2, v1;
	v1 =	vld [tilespmem:s15+$0x41C0];
	_ =	sdelay $0x3  }
0x11d: {  	v2 =	vld [tilespmem:$0x1FC30]  }
0x11e: {  	[tilespmem:$0x1FC10] =	vst v1;
	v1 =	vld [tilespmem:$0x1FC20];
	_ =	sdelay $0x4  }
0x11f: {  	v51 =	vmul.f32 v2, v1;
	v1 =	vld [tilespmem:$0x1FC40]  }
0x120: {  	v2 =	vld [tilespmem:$0x1FC50];
	_ =	sdelay $0x4  }
0x121: {  	v57 =	vadd.f32 v29, v5;
	v5 =	vmul.f32 v2, v1;
	v1 =	vld [tilespmem:$0x1FC60]  }
0x122: {  	v2 =	vld [tilespmem:$0x1FC70];
	_ =	sdelay $0x4  }
0x123: {  	v58 =	vmul.f32 v2, v1;
	v1 =	vld [tilespmem:$0x1FC80]  }
0x124: {  	v2 =	vld [tilespmem:$0x1FC90]  }
0x125: {  	v7 =	vld [tilespmem:s15+$0x480]  }
0x126: {  	v24 =	vld [tilespmem:s15+$0x490]  }
0x127: {  	v8 =	vld [tilespmem:s15+$0x4480]  }
0x128: {  	v31 =	vld [tilespmem:s15+$0x4490]  }
0x129: {  	v59 =	vmul.f32 v2, v1;
	v1 =	vld [tilespmem:$0x1FCA0]  }
0x12a: {  	v27 =	vperm.xlane v9, v21;
	v2 =	vld [tilespmem:$0x1FCB0];
	_ =	sdelay $0x1  }
0x12b: {  	v54 =	vadd.f32 v9, v27;
	v9 =	vperm.xlane v63, v21;
	_ =	sdelay $0x1  }
0x12c: {  	v7 =	vmul.f32 v7, v8;
	v62 =	vadd.f32 v63, v9;
	v9 =	vadd.f32 v5, v57;
	v5 =	vld [tilespmem:$0x1FCD0]  }
0x12d: {  	v8 =	vmul.f32 v24, v31;
	v24 =	vmul.f32 v2, v1;
	v1 =	vld [tilespmem:$0x1FCC0];
	_ =	sdelay $0x4  }
0x12e: {  	v7 =	vadd.f32 v8, v7;
	v8 =	vmul.f32 v5, v1;
	v1 =	vld [tilespmem:$0x1FCE0]  }
0x12f: {  	v5 =	vld [tilespmem:$0x1FCF0];
	_ =	sdelay $0x2  }
0x130: {  	v40 =	vadd.f32 v40, v16;
	v16 =	vperm.xlane v18, v21;
	_ =	sdelay $0x1  }
0x131: {  	v53 =	vadd.f32 v18, v16;
	v18 =	vperm.xlane v40, v3;
	v55 =	vmul.f32 v5, v1;
	v1 =	vld [tilespmem:$0x1FD00]  }
0x132: {  	v5 =	vld [tilespmem:$0x1FD10]  }
0x133: {  	v18 =	vadd.f32 v40, v18;
	_ =	sdelay $0x1  }
0x134: {  	v17 =	vld [tilespmem:s15+$0x4400];
	v63 =	vperm.xlane v18, v33;
	v31 =	vadd.f32 v59, v58  }
0x135: {  	v25 =	vld [tilespmem:s15+$0x400]  }
0x136: {  	v57 =	vadd.f32 v18, v63;
	v18 =	vadd.f32 v24, v31;
	v24 =	vmul.f32 v5, v1;
	v1 =	vld [tilespmem:$0x1FD20]  }
0x137: {  	v5 =	vld [tilespmem:$0x1FD30];
	_ =	sdelay $0x4  }
0x138: {  	v17 =	vmul.f32 v25, v17;
	v25 =	vmul.f32 v5, v1;
	v1 =	vld [tilespmem:$0x1FD40]  }
0x139: {  	v5 =	vld [tilespmem:$0x1FD50];
	_ =	sdelay $0x4  }
0x13a: {  	v1 =	vmul.f32 v5, v1  }
0x13b: {  	v5 =	vld [tilespmem:$0x1FD80]  }
0x13c: {  	[tilespmem:$0x1FD60] =	vst v1;
	v1 =	vld [tilespmem:$0x1FD70];
	_ =	sdelay $0x1  }
0x13d: {  	v52 =	vld [tilespmem:s15+$0x4420]  }
0x13e: {  	v26 =	vld [tilespmem:s15+$0x4410];
	v18 =	vadd.f32 v55, v18  }
0x13f: {  	v13 =	vld [tilespmem:s15+$0x410]  }
0x140: {  	v56 =	vadd.f32 v42, v18;
	v18 =	vmul.f32 v5, v1;
	v1 =	vld [tilespmem:$0x1FD90]  }
0x141: {  	v5 =	vld [tilespmem:$0x1FDA0]  }
0x142: {  	v10 =	vld [tilespmem:s15+$0x420];
	v8 =	vadd.f32 v8, v7  }
0x143: {  	v48 =	vld [tilespmem:s15+$0x390];
	v9 =	vadd.f32 v44, v9  }
0x144: {  	v38 =	vld [tilespmem:s15+$0x380];
	v13 =	vmul.f32 v13, v26;
	v8 =	vadd.f32 v24, v8  }
0x145: {  	v36 =	vld [tilespmem:s15+$0x4380];
	v9 =	vadd.f32 v35, v9  }
0x146: {  	v13 =	vadd.f32 v13, v17;
	v17 =	vadd.f32 v25, v8;
	v25 =	vmul.f32 v5, v1;
	v1 =	vld [tilespmem:$0x1FDB0]  }
0x147: {  	v9 =	vadd.f32 v28, v9;
	v5 =	vld [tilespmem:$0x1FDC0]  }
0x148: {  	v41 =	vld [tilespmem:s15+$0x4390]  }
0x149: {  	v4 =	vld [tilespmem:s15+$0x43A0];
	v9 =	vadd.f32 v20, v9  }
0x14a: {  	v12 =	vld [tilespmem:s15+$0x3A0];
	v20 =	vadd.f32 v34, v56  }
0x14b: {  	v10 =	vmul.f32 v10, v52;
	v9 =	vadd.f32 v15, v9  }
0x14c: {  	v15 =	vadd.f32 v39, v17;
	v17 =	vadd.f32 v30, v20;
	v59 =	vmul.f32 v5, v1;
	v1 =	vld [tilespmem:$0x1FDD0]  }
0x14d: {  	v13 =	vadd.f32 v10, v13;
	v20 =	vmul.f32 v38, v36;
	v30 =	vmul.f32 v48, v41;
	v5 =	vld [tilespmem:$0x1FDE0]  }
0x14e: {  	v0 =	vadd.f32 v0, v17  }
0x14f: {  	v4 =	vmul.f32 v12, v4;
	v17 =	vadd.f32 v30, v20;
	v13 =	vadd.f32 v25, v13  }
0x150: {  	v15 =	vadd.f32 v32, v15  }
0x151: {  	v4 =	vadd.f32 v4, v17;
	v12 =	vadd.f32 v59, v13  }
0x152: {  	v13 =	vadd.f32 v19, v15;
	v19 =	vperm.xlane v0, v3;
	v17 =	vmul.f32 v5, v1  }
0x153: {  	v1 =	vld [tilespmem:$0x1FDF0]  }
0x154: {  	v19 =	vadd.f32 v0, v19;
	v0 =	vadd.f32 v17, v4;
	v4 =	vld [tilespmem:$0x1FE00];
	_ =	sdelay $0x3  }
0x155: {  	v15 =	vperm.xlane v9, v3  }
0x156: {  	v20 =	vperm.xlane v13, v3;
	v4 =	vmul.f32 v4, v1  }
0x157: {  	v15 =	vadd.f32 v9, v15;
	v12 =	vadd.f32 v51, v12;
	v1 =	vld [tilespmem:$0x1FE20]  }
0x158: {  	v13 =	vadd.f32 v13, v20;
	v20 =	vadd.f32 v4, v0;
	v0 =	vld [tilespmem:$0x1FE10]  }
0x159: {  	v17 =	vperm.xlane v15, v33  }
0x15a: {  	v12 =	vadd.f32 v37, v12;
	v4 =	vperm.xlane v19, v33  }
0x15b: {  	v15 =	vadd.f32 v15, v17  }
0x15c: {  	v17 =	vadd.f32 v22, v12;
	v22 =	vadd.f32 v19, v4;
	v4 =	vld [tilespmem:$0x1FE40]  }
0x15d: {  	v63 =	vmul.f32 v1, v0;
	v1 =	vld [tilespmem:$0x1FE30];
	_ =	sdelay $0x3  }
0x15e: {  	v5 =	vld [tilespmem:$0x1FE60]  }
0x15f: {  	v4 =	vmul.f32 v4, v1;
	v1 =	vld [tilespmem:$0x1FE50];
	_ =	sdelay $0x1  }
0x160: {  	v45 =	vld [tilespmem:s15+$0x4170]  }
0x161: {  	v47 =	vld [tilespmem:s15+$0x320]  }
0x162: {  	v52 =	vld [tilespmem:s15+$0x180]  }
0x163: {  	v40 =	vmul.f32 v5, v1;
	v1 =	vld [tilespmem:$0x1FE70]  }
0x164: {  	v5 =	vld [tilespmem:$0x1FE80]  }
0x165: {  	v43 =	vld [tilespmem:s15+$0x42A0]  }
0x166: {  	v49 =	vld [tilespmem:s15+$0x41E0]  }
0x167: {  	v61 =	vld [tilespmem:s15+$0x310];
	v12 =	vperm.xlane v13, v33  }
0x168: {  	v46 =	vld [tilespmem:s15+$0x2A0]  }
0x169: {  	v37 =	vadd.f32 v13, v12;
	v12 =	vmul.f32 v5, v1;
	v1 =	vld [tilespmem:$0x1FE90]  }
0x16a: {  	v5 =	vld [tilespmem:$0x1FEA0]  }
0x16b: {  	v60 =	vld [tilespmem:s15+$0x4310]  }
0x16c: {  	v26 =	vld [tilespmem:s15+$0xC0]  }
0x16d: {  	v10 =	vld [tilespmem:s15+$0x220]  }
0x16e: {  	v23 =	vld [tilespmem:s15+$0xD0]  }
0x16f: {  	v51 =	vmul.f32 v5, v1;
	v1 =	vld [tilespmem:$0x1FEB0]  }
0x170: {  	v5 =	vld [tilespmem:$0x1FEC0]  }
0x171: {  	v14 =	vld [tilespmem:s15+$0x290]  }
0x172: {  	v16 =	vld [tilespmem:s15+$0x4230]  }
0x173: {  	v27 =	vld [tilespmem:s15+$0x230]  }
0x174: {  	v44 =	vld [tilespmem:s15+$0x4120]  }
0x175: {  	v56 =	vmul.f32 v5, v1;
	v1 =	vld [tilespmem:$0x1FED0]  }
0x176: {  	v5 =	vld [tilespmem:$0x1FEE0]  }
0x177: {  	v35 =	vld [tilespmem:s15+$0x4130]  }
0x178: {  	v58 =	vld [tilespmem:s15+$0x300];
	v19 =	vadd.f32 v63, v20  }
0x179: {  	v2 =	vld [tilespmem:s15+$0x4300];
	v13 =	vperm.xlane v17, v3  }
0x17a: {  	v31 =	vld [tilespmem:s15+$0x41B0];
	v19 =	vadd.f32 v11, v19  }
0x17b: {  	v42 =	vadd.f32 v17, v13;
	v13 =	vmul.f32 v5, v1;
	v5 =	vld [tilespmem:$0x1FEF0]  }
0x17c: {  	v1 =	vadd.f32 v6, v19;
	v6 =	vld [tilespmem:$0x1FF00]  }
0x17d: {  	v7 =	vld [tilespmem:s15+$0x40C0]  }
0x17e: {  	v55 =	vld [tilespmem:s15+$0x210]  }
0x17f: {  	v34 =	vld [tilespmem:s15+$0x200];
	v20 =	vperm.xlane v57, v21  }
0x180: {  	v11 =	vld [tilespmem:$0x1FF20]  }
0x181: {  	v17 =	vadd.f32 v57, v20;
	v20 =	vperm.xlane v15, v21;
	v6 =	vmul.f32 v6, v5;
	v5 =	vld [tilespmem:$0x1FF10]  }
0x182: {  	v24 =	vld [tilespmem:s15+$0x4140]  }
0x183: {  	v8 =	vld [tilespmem:s15+$0x4220];
	v19 =	vadd.f32 v15, v20;
	v20 =	vperm.xlane v22, v21  }
0x184: {  	v48 =	vld [tilespmem:s15+$0x4280]  }
0x185: {  	v20 =	vadd.f32 v22, v20;
	v22 =	vld [tilespmem:$0x1FF40]  }
0x186: {  	v15 =	vmul.f32 v11, v5;
	v11 =	vperm.xlane v1, v3;
	v3 =	vld [tilespmem:$0x1FF30]  }
0x187: {  	v41 =	vld [tilespmem:s15+$0x40B0]  }
0x188: {  	v36 =	vld [tilespmem:s15+$0x41A0];
	v32 =	vperm.xlane v42, v33  }
0x189: {  	v30 =	vld [tilespmem:s15+$0x4290]  }
0x18a: {  	v25 =	vld [tilespmem:s15+$0x280];
	v5 =	vadd.f32 v42, v32;
	v42 =	vmul.f32 v58, v2  }
0x18b: {  	v2 =	vperm.xlane v37, v21;
	v32 =	vmul.f32 v22, v3;
	v3 =	vld [tilespmem:$0x1FF50]  }
0x18c: {  	v39 =	vld [tilespmem:s15+$0x4210]  }
0x18d: {  	v38 =	vld [tilespmem:s15+$0xA0];
	v58 =	vmul.f32 v61, v60;
	v22 =	vadd.f32 v37, v2;
	v37 =	vperm.xlane v5, v21  }
0x18e: {  	v30 =	vmul.f32 v14, v30;
	v14 =	vld [tilespmem:$0x1FF90]  }
0x18f: {  	v2 =	vadd.f32 v58, v42;
	v58 =	vmul.f32 v25, v48;
	v25 =	vadd.f32 v5, v37;
	v5 =	vld [tilespmem:$0x1FF70]  }
0x190: {  	v47 =	vmul.f32 v47, v3;
	v3 =	vld [tilespmem:$0x1FF60]  }
0x191: {  	v59 =	vld [tilespmem:s15+$0x4190]  }
0x192: {  	v9 =	vld [tilespmem:s15+$0xB0]  }
0x193: {  	v0 =	vld [tilespmem:s15+$0x4200]  }
0x194: {  	v63 =	vld [tilespmem:s15+$0x40A0]  }
0x195: {  	v1 =	vadd.f32 v1, v11;
	v11 =	vmul.f32 v5, v3;
	v3 =	vld [tilespmem:$0x1FF80]  }
0x196: {  	v57 =	vld [tilespmem:s15+$0x4180]  }
0x197: {  	v60 =	vld [tilespmem:s15+$0x80]  }
0x198: {  	v61 =	vld [tilespmem:s15+$0x4080]  }
0x199: {  	v21 =	vld [tilespmem:$0x1FFB0]  }
0x19a: {  	v14 =	vmul.f32 v14, v3;
	v3 =	vld [tilespmem:$0x1FFA0]  }
0x19b: {  	v42 =	vld [tilespmem:s15+$0x4090]  }
0x19c: {  	v48 =	vld [tilespmem:s15+$0x4100]  }
0x19d: {  	v37 =	vld [tilespmem:s15+$0x90];
	v5 =	vadd.f32 v47, v2;
	v2 =	vperm.xlane v1, v33  }
0x19e: {  	v58 =	vadd.f32 v30, v58;
	v30 =	vmul.f32 v46, v43;
	v46 =	vld [tilespmem:s15+$0x100]  }
0x19f: {  	s17 =	simm.s32 $0x1;
	s16 =	simm.s32 $0x0;
	v47 =	vadd.f32 v32, v5;
	v5 =	vadd.f32 v1, v2;
	v32 =	vld [tilespmem:s15+$0x4110];
	v43 =	vmul.f32 v21, v3  }
.LBB2_2:
0x1a0: {  	v1 =	vld [tilespmem:$0x1FB90];
	_ =	sdelay $0x4  }
0x1a1: {  	v21 =	vmul.f32 v23, v1;
	v23 =	vld [tilespmem:s15+$0x110]  }
0x1a2: {  	v28 =	vld [tilespmem:s15+$0x140];
	v29 =	vadd.f32 v30, v58  }
0x1a3: {  	v30 =	vld [tilespmem:s15+$0x120];
	v7 =	vmul.f32 v26, v7  }
0x1a4: {  	v58 =	vld [tilespmem:s15+$0x1A0];
	v29 =	vadd.f32 v43, v29;
	v8 =	vmul.f32 v10, v8;
	v0 =	vmul.f32 v34, v0  }
0x1a5: {  	v60 =	vmul.f32 v60, v61;
	v37 =	vmul.f32 v37, v42;
	v61 =	vld [tilespmem:s15+$0x130]  }
0x1a6: {  	v26 =	vld [tilespmem:s15+$0x190];
	v15 =	vadd.f32 v15, v29;
	v29 =	vmul.f32 v46, v48;
	v23 =	vmul.f32 v23, v32  }
0x1a7: {  	v10 =	vadd.f32 v56, v47;
	v56 =	vmul.f32 v38, v63;
	v39 =	vmul.f32 v55, v39;
	v63 =	vld [tilespmem:s15+$0x1B0]  }
0x1a8: {  	v47 =	vld [tilespmem:s15+$0x160];
	v37 =	vadd.f32 v37, v60;
	v23 =	vadd.f32 v23, v29;
	v29 =	vmul.f32 v30, v44  }
0x1a9: {  	v9 =	vmul.f32 v9, v41;
	v46 =	vld [tilespmem:s15+$0x1D0];
	v0 =	vadd.f32 v39, v0  }
0x1aa: {  	v34 =	vadd.f32 v56, v37;
	v30 =	vld [tilespmem:s15+$0x1C0];
	v23 =	vadd.f32 v29, v23;
	v29 =	vmul.f32 v61, v35  }
0x1ab: {  	v0 =	vadd.f32 v8, v0;
	v44 =	vld [tilespmem:s15+$0x150]  }
0x1ac: {  	v8 =	vadd.f32 v9, v34;
	v9 =	vadd.f32 v29, v23;
	v23 =	vmul.f32 v28, v24;
	v24 =	vld [tilespmem:s15+$0x1E0]  }
0x1ad: {  	v28 =	vld [tilespmem:s15+$0x170]  }
0x1ae: {  	v1 =	vld [tilespmem:$0x1FC10];
	_ =	sdelay $0x4  }
0x1af: {  	v27 =	vmul.f32 v27, v16;
	v16 =	vmul.f32 v30, v1;
	v1 =	vld [tilespmem:$0x1FBE0];
	_ =	sdelay $0x1  }
0x1b0: {  	v33 =	vmul.f32 v52, v57;
	v26 =	vmul.f32 v26, v59;
	_ =	sdelay $0x1  }
0x1b1: {  	v36 =	vmul.f32 v58, v36;
	v26 =	vadd.f32 v26, v33  }
0x1b2: {  	v7 =	vadd.f32 v7, v8;
	v8 =	vadd.f32 v23, v9;
	v9 =	vmul.f32 v44, v1;
	v1 =	vld [tilespmem:$0x1F9A0]  }
0x1b3: {  	v31 =	vmul.f32 v63, v31;
	v26 =	vadd.f32 v36, v26;
	_ =	sdelay $0x1  }
0x1b4: {  	v26 =	vadd.f32 v31, v26;
	_ =	sdelay $0x1  }
0x1b5: {  	v16 =	vadd.f32 v16, v26;
	v26 =	vmul.f32 v46, v1;
	v1 =	vld [tilespmem:$0x1F970];
	_ =	sdelay $0x3  }
0x1b6: {  	v23 =	vld [tilespmem:s15+$0x1F0]  }
0x1b7: {  	v8 =	vadd.f32 v9, v8;
	v9 =	vmul.f32 v47, v1;
	v1 =	vld [tilespmem:$0x1F840]  }
0x1b8: {  	v0 =	vadd.f32 v27, v0;
	_ =	sdelay $0x1  }
0x1b9: {  	v0 =	vadd.f32 v14, v0;
	v7 =	vadd.f32 v21, v7  }
0x1ba: {  	v14 =	vld [tilespmem:s15+$0x270]  }
0x1bb: {  	v0 =	vadd.f32 v6, v0;
	v6 =	vadd.f32 v11, v7;
	v11 =	vmul.f32 v23, v1;
	v1 =	vld [tilespmem:$0x1F830];
	_ =	sdelay $0x2  }
0x1bc: {  	v7 =	vadd.f32 v9, v8;
	v8 =	vmul.f32 v28, v45;
	_ =	sdelay $0x1  }
0x1bd: {  	v7 =	vadd.f32 v8, v7;
	v8 =	vmul.f32 v14, v1;
	v1 =	vld [tilespmem:$0x1FD60]  }
0x1be: {  	v15 =	vadd.f32 v51, v15  }
0x1bf: {  	v27 =	vld [tilespmem:$0x1FFC0]  }
0x1c0: {  	v4 =	vadd.f32 v4, v15;
	v21 =	vmul.f32 v24, v49;
	v16 =	vadd.f32 v26, v16  }
0x1c1: {  	v29 =	vld [tilespmem:$0x1FFE0];
	v6 =	vadd.f32 v13, v6  }
0x1c2: {  	v9 =	vadd.f32 v21, v16;
	v4 =	vadd.f32 v1, v4;
	v1 =	vld [tilespmem:$0x1FB80]  }
0x1c3: {  	v10 =	vadd.f32 v40, v10;
	v0 =	vadd.f32 v12, v0;
	v28 =	vld [tilespmem:$0x1FFD0]  }
0x1c4: {  	v12 =	vperm.xlane v6, v27;
	v9 =	vadd.f32 v11, v9  }
0x1c5: {  	v10 =	vadd.f32 v18, v10;
	v13 =	vperm.xlane v7, v27;
	v0 =	vadd.f32 v8, v0  }
0x1c6: {  	v6 =	vadd.f32 v6, v12;
	v11 =	vperm.xlane v5, v29;
	v8 =	vperm.xlane v9, v27  }
0x1c7: {  	v7 =	vadd.f32 v7, v13;
	v12 =	vperm.xlane v0, v27;
	v10 =	vadd.f32 v1, v10  }
0x1c8: {  	v14 =	vperm.xlane v6, v28;
	v8 =	vadd.f32 v9, v8;
	v9 =	vperm.xlane v4, v27  }
0x1c9: {  	v15 =	vperm.xlane v7, v28;
	v0 =	vadd.f32 v0, v12;
	v13 =	vperm.xlane v10, v27  }
0x1ca: {  	v6 =	vadd.f32 v6, v14;
	v12 =	vperm.xlane v8, v28;
	v4 =	vadd.f32 v4, v9  }
0x1cb: {  	v7 =	vadd.f32 v7, v15;
	v1 =	vld [tilespmem:$0x1FFF0];
	v9 =	vadd.f32 v10, v13;
	v10 =	vperm.xlane v0, v28  }
0x1cc: {  	v14 =	vperm.xlane v6, v29;
	v8 =	vadd.f32 v8, v12;
	v12 =	vperm.xlane v4, v28  }
0x1cd: {  	v15 =	vperm.xlane v7, v29;
	v13 =	vperm.xlane v9, v28;
	v0 =	vadd.f32 v0, v10  }
0x1ce: {  	v6 =	vadd.f32 v6, v14;
	v4 =	vadd.f32 v4, v12;
	v10 =	vperm.xlane v8, v29  }
0x1cf: {  	v7 =	vadd.f32 v7, v15;
	v9 =	vadd.f32 v9, v13;
	v12 =	vperm.xlane v0, v29  }
0x1d0: {  	v14 =	vperm.xlane v6, v1;
	v8 =	vadd.f32 v8, v10;
	v10 =	vperm.xlane v4, v29  }
0x1d1: {  	v15 =	vperm.xlane v7, v1;
	v13 =	vperm.xlane v9, v29;
	v0 =	vadd.f32 v0, v12  }
0x1d2: {  	v6 =	vadd.f32 v6, v14;
	v12 =	vperm.xlane v8, v1;
	v4 =	vadd.f32 v4, v10  }
0x1d3: {  	v7 =	vadd.f32 v7, v15;
	v9 =	vadd.f32 v9, v13;
	v10 =	vperm.xlane v0, v1  }
0x1d4: {  	v5 =	vadd.f32 v5, v11;
	v8 =	vadd.f32 v8, v12;
	v12 =	vperm.xlane v4, v1  }
0x1d5: {  	v6 =	vsel vm0, v6, v7;
	v0 =	vadd.f32 v0, v10;
	v7 =	vperm.xlane v9, v1  }
0x1d6: {  	v6 =	vsel vm1, v6, v8;
	v4 =	vadd.f32 v4, v12;
	v8 =	vperm.xlane v5, v1  }
0x1d7: {  	v0 =	vsel vm2, v6, v0;
	v6 =	vadd.f32 v9, v7;
	v7 =	vperm.xlane v25, v1  }
0x1d8: {  	v0 =	vsel vm3, v0, v4;
	v4 =	vadd.f32 v5, v8;
	v5 =	vperm.xlane v22, v1  }
0x1d9: {  	v0 =	vsel vm4, v0, v6;
	v6 =	vadd.f32 v25, v7;
	v7 =	vperm.xlane v20, v1  }
0x1da: {  	v0 =	vsel vm5, v0, v4;
	v4 =	vadd.f32 v22, v5;
	v5 =	vperm.xlane v19, v1  }
0x1db: {  	v0 =	vsel vm6, v0, v6;
	v6 =	vadd.f32 v20, v7;
	v7 =	vperm.xlane v17, v1  }
0x1dc: {  	v0 =	vsel vm7, v0, v4;
	v4 =	vadd.f32 v19, v5;
	v5 =	vperm.xlane v62, v1  }
0x1dd: {  	v0 =	vsel vm8, v0, v6;
	v6 =	vadd.f32 v17, v7;
	v7 =	vperm.xlane v54, v1  }
0x1de: {  	v0 =	vsel vm9, v0, v4;
	v4 =	vadd.f32 v62, v5;
	v5 =	vperm.xlane v53, v1  }
0x1df: {  	v0 =	vsel vm10, v0, v6;
	v6 =	vadd.f32 v54, v7;
	v7 =	vperm.xlane v50, v1  }
0x1e0: {  	v0 =	vsel vm11, v0, v4;
	v4 =	vadd.f32 v53, v5  }
0x1e1: {  	v0 =	vsel vm12, v0, v6;
	v5 =	vadd.f32 v50, v7  }
0x1e2: {  	s31 =	sshll.u32 s16, $0x4;
	v0 =	vsel vm13, v0, v4  }
0x1e3: {  	s18 =	sand.u32 $0x3FFFFFF0, s31;
	v0 =	vsel vm14, v0, v5  }
0x1e4: {  	s15 =	sshll.u32 s17, $0xB;
	[tilespmem:s18+$0x8080] =	vst v0  }
0x1e5: {  	v2 =	vld [tilespmem:s15+$0x44F0];
	_ =	sdelay $0x4  }
0x1e6: {  	[tilespmem:$0x1F340] =	vst v2;
	v2 =	vld [tilespmem:s15+$0x4F0];
	_ =	sdelay $0x4  }
0x1e7: {  	[tilespmem:$0x1F350] =	vst v2;
	v2 =	vld [tilespmem:s15+$0x4560];
	_ =	sdelay $0x4  }
0x1e8: {  	[tilespmem:$0x1F380] =	vst v2;
	v2 =	vld [tilespmem:s15+$0x560];
	_ =	sdelay $0x4  }
0x1e9: {  	[tilespmem:$0x1F390] =	vst v2;
	v2 =	vld [tilespmem:s15+$0x45D0];
	_ =	sdelay $0x4  }
0x1ea: {  	[tilespmem:$0x1F3B0] =	vst v2;
	v2 =	vld [tilespmem:s15+$0x5D0];
	_ =	sdelay $0x4  }
0x1eb: {  	[tilespmem:$0x1F3A0] =	vst v2;
	v2 =	vld [tilespmem:s15+$0x4640];
	_ =	sdelay $0x4  }
0x1ec: {  	[tilespmem:$0x1F360] =	vst v2;
	v2 =	vld [tilespmem:s15+$0x640];
	_ =	sdelay $0x4  }
0x1ed: {  	[tilespmem:$0x1F370] =	vst v2;
	v2 =	vld [tilespmem:s15+$0x4470];
	_ =	sdelay $0x4  }
0x1ee: {  	[tilespmem:$0x1F3C0] =	vst v2;
	v2 =	vld [tilespmem:s15+$0x470];
	_ =	sdelay $0x4  }
0x1ef: {  	[tilespmem:$0x1F3D0] =	vst v2;
	v2 =	vld [tilespmem:s15+$0x44E0];
	_ =	sdelay $0x4  }
0x1f0: {  	[tilespmem:$0x1F3E0] =	vst v2;
	v2 =	vld [tilespmem:s15+$0x4E0];
	_ =	sdelay $0x4  }
0x1f1: {  	[tilespmem:$0x1F3F0] =	vst v2;
	v2 =	vld [tilespmem:s15+$0x4550];
	_ =	sdelay $0x4  }
0x1f2: {  	[tilespmem:$0x1F400] =	vst v2;
	v2 =	vld [tilespmem:s15+$0x550];
	_ =	sdelay $0x4  }
0x1f3: {  	[tilespmem:$0x1F410] =	vst v2;
	v2 =	vld [tilespmem:s15+$0x45C0];
	_ =	sdelay $0x4  }
0x1f4: {  	[tilespmem:$0x1F420] =	vst v2;
	v2 =	vld [tilespmem:s15+$0x5C0];
	_ =	sdelay $0x4  }
0x1f5: {  	[tilespmem:$0x1F430] =	vst v2;
	v2 =	vld [tilespmem:s15+$0x43F0];
	_ =	sdelay $0x4  }
0x1f6: {  	[tilespmem:$0x1F440] =	vst v2;
	v2 =	vld [tilespmem:s15+$0x3F0];
	_ =	sdelay $0x4  }
0x1f7: {  	[tilespmem:$0x1F450] =	vst v2;
	v2 =	vld [tilespmem:s15+$0x4460];
	_ =	sdelay $0x4  }
0x1f8: {  	[tilespmem:$0x1F460] =	vst v2;
	v2 =	vld [tilespmem:s15+$0x460];
	_ =	sdelay $0x4  }
0x1f9: {  	[tilespmem:$0x1F470] =	vst v2;
	v2 =	vld [tilespmem:s15+$0x44D0];
	_ =	sdelay $0x4  }
0x1fa: {  	[tilespmem:$0x1F480] =	vst v2;
	v2 =	vld [tilespmem:s15+$0x4D0];
	_ =	sdelay $0x4  }
0x1fb: {  	[tilespmem:$0x1F490] =	vst v2;
	v2 =	vld [tilespmem:s15+$0x4540];
	_ =	sdelay $0x4  }
0x1fc: {  	[tilespmem:$0x1F4A0] =	vst v2;
	v2 =	vld [tilespmem:s15+$0x540];
	_ =	sdelay $0x2  }
0x1fd: {  	v0 =	vld [tilespmem:s15+$0x7E0];
	_ =	sdelay $0x1  }
0x1fe: {  	[tilespmem:$0x1F4B0] =	vst v2;
	v2 =	vld [tilespmem:s15+$0x45B0];
	_ =	sdelay $0x2  }
0x1ff: {  	[tilespmem:$0x1F0E0] =	vst v0;
	v0 =	vld [tilespmem:s15+$0x850];
	_ =	sdelay $0x1  }
0x200: {  	[tilespmem:$0x1F4C0] =	vst v2;
	v2 =	vld [tilespmem:s15+$0x5B0];
	_ =	sdelay $0x2  }
0x201: {  	[tilespmem:$0x1F0F0] =	vst v0;
	v0 =	vld [tilespmem:s15+$0x46F0];
	_ =	sdelay $0x1  }
0x202: {  	[tilespmem:$0x1F4D0] =	vst v2;
	v2 =	vld [tilespmem:s15+$0x4370];
	_ =	sdelay $0x2  }
0x203: {  	[tilespmem:$0x1F100] =	vst v0;
	v0 =	vld [tilespmem:s15+$0x6F0];
	_ =	sdelay $0x1  }
0x204: {  	[tilespmem:$0x1F4E0] =	vst v2;
	v2 =	vld [tilespmem:s15+$0x370];
	_ =	sdelay $0x2  }
0x205: {  	[tilespmem:$0x1F110] =	vst v0;
	v0 =	vld [tilespmem:s15+$0x4760];
	_ =	sdelay $0x1  }
0x206: {  	[tilespmem:$0x1F4F0] =	vst v2;
	v2 =	vld [tilespmem:s15+$0x43E0];
	_ =	sdelay $0x2  }
0x207: {  	[tilespmem:$0x1F120] =	vst v0;
	v0 =	vld [tilespmem:s15+$0x760];
	_ =	sdelay $0x1  }
0x208: {  	[tilespmem:$0x1F500] =	vst v2;
	v2 =	vld [tilespmem:s15+$0x3E0];
	_ =	sdelay $0x2  }
0x209: {  	[tilespmem:$0x1F130] =	vst v0;
	v0 =	vld [tilespmem:s15+$0x47D0];
	_ =	sdelay $0x1  }
0x20a: {  	[tilespmem:$0x1F510] =	vst v2;
	v2 =	vld [tilespmem:s15+$0x4450];
	_ =	sdelay $0x2  }
0x20b: {  	[tilespmem:$0x1F140] =	vst v0;
	v0 =	vld [tilespmem:s15+$0x7D0];
	_ =	sdelay $0x1  }
0x20c: {  	[tilespmem:$0x1F520] =	vst v2;
	v2 =	vld [tilespmem:s15+$0x450];
	_ =	sdelay $0x2  }
0x20d: {  	[tilespmem:$0x1F150] =	vst v0;
	v0 =	vld [tilespmem:s15+$0x4840];
	_ =	sdelay $0x1  }
0x20e: {  	[tilespmem:$0x1F530] =	vst v2;
	v2 =	vld [tilespmem:s15+$0x44C0];
	_ =	sdelay $0x2  }
0x20f: {  	[tilespmem:$0x1F180] =	vst v0;
	v0 =	vld [tilespmem:s15+$0x840];
	_ =	sdelay $0x1  }
0x210: {  	[tilespmem:$0x1F590] =	vst v2;
	v2 =	vld [tilespmem:s15+$0x4C0];
	_ =	sdelay $0x2  }
0x211: {  	[tilespmem:$0x1F190] =	vst v0;
	v0 =	vld [tilespmem:s15+$0x4670];
	_ =	sdelay $0x1  }
0x212: {  	[tilespmem:$0x1F5A0] =	vst v2;
	v2 =	vld [tilespmem:s15+$0x4530];
	_ =	sdelay $0x2  }
0x213: {  	[tilespmem:$0x1F160] =	vst v0;
	v0 =	vld [tilespmem:s15+$0x670];
	_ =	sdelay $0x1  }
0x214: {  	[tilespmem:$0x1F570] =	vst v2;
	v2 =	vld [tilespmem:s15+$0x530];
	_ =	sdelay $0x2  }
0x215: {  	[tilespmem:$0x1F170] =	vst v0;
	v0 =	vld [tilespmem:s15+$0x46E0];
	_ =	sdelay $0x1  }
0x216: {  	[tilespmem:$0x1F580] =	vst v2;
	v2 =	vld [tilespmem:s15+$0x45A0];
	_ =	sdelay $0x2  }
0x217: {  	[tilespmem:$0x1F1A0] =	vst v0;
	v0 =	vld [tilespmem:s15+$0x6E0];
	_ =	sdelay $0x1  }
0x218: {  	[tilespmem:$0x1F540] =	vst v2;
	v2 =	vld [tilespmem:s15+$0x5A0];
	_ =	sdelay $0x2  }
0x219: {  	[tilespmem:$0x1F1B0] =	vst v0;
	v0 =	vld [tilespmem:s15+$0x4750];
	_ =	sdelay $0x1  }
0x21a: {  	[tilespmem:$0x1F550] =	vst v2;
	v2 =	vld [tilespmem:s15+$0x42F0];
	_ =	sdelay $0x2  }
0x21b: {  	[tilespmem:$0x1F1C0] =	vst v0;
	v0 =	vld [tilespmem:s15+$0x750];
	_ =	sdelay $0x1  }
0x21c: {  	[tilespmem:$0x1F5D0] =	vst v2;
	v2 =	vld [tilespmem:s15+$0x2F0];
	_ =	sdelay $0x2  }
0x21d: {  	[tilespmem:$0x1F1D0] =	vst v0;
	v0 =	vld [tilespmem:s15+$0x47C0];
	_ =	sdelay $0x1  }
0x21e: {  	[tilespmem:$0x1F5E0] =	vst v2;
	v2 =	vld [tilespmem:s15+$0x4360];
	_ =	sdelay $0x2  }
0x21f: {  	[tilespmem:$0x1F200] =	vst v0;
	v0 =	vld [tilespmem:s15+$0x7C0];
	_ =	sdelay $0x1  }
0x220: {  	[tilespmem:$0x1F5F0] =	vst v2;
	v2 =	vld [tilespmem:s15+$0x360];
	_ =	sdelay $0x2  }
0x221: {  	[tilespmem:$0x1F210] =	vst v0;
	v0 =	vld [tilespmem:s15+$0x45F0];
	_ =	sdelay $0x1  }
0x222: {  	[tilespmem:$0x1F600] =	vst v2;
	v2 =	vld [tilespmem:s15+$0x43D0];
	_ =	sdelay $0x2  }
0x223: {  	[tilespmem:$0x1F1E0] =	vst v0;
	v0 =	vld [tilespmem:s15+$0x5F0];
	_ =	sdelay $0x1  }
0x224: {  	[tilespmem:$0x1F690] =	vst v2;
	v2 =	vld [tilespmem:s15+$0x3D0];
	_ =	sdelay $0x2  }
0x225: {  	[tilespmem:$0x1F1F0] =	vst v0;
	v0 =	vld [tilespmem:s15+$0x4660];
	_ =	sdelay $0x1  }
0x226: {  	[tilespmem:$0x1F6A0] =	vst v2;
	v2 =	vld [tilespmem:s15+$0x4440];
	_ =	sdelay $0x2  }
0x227: {  	[tilespmem:$0x1F220] =	vst v0;
	v0 =	vld [tilespmem:s15+$0x660];
	_ =	sdelay $0x1  }
0x228: {  	[tilespmem:$0x1F630] =	vst v2;
	v2 =	vld [tilespmem:s15+$0x440];
	_ =	sdelay $0x2  }
0x229: {  	[tilespmem:$0x1F230] =	vst v0;
	v0 =	vld [tilespmem:s15+$0x46D0];
	_ =	sdelay $0x1  }
0x22a: {  	[tilespmem:$0x1F640] =	vst v2;
	v2 =	vld [tilespmem:s15+$0x44B0];
	_ =	sdelay $0x2  }
0x22b: {  	[tilespmem:$0x1F240] =	vst v0;
	v0 =	vld [tilespmem:s15+$0x6D0];
	_ =	sdelay $0x1  }
0x22c: {  	[tilespmem:$0x1F5B0] =	vst v2;
	v2 =	vld [tilespmem:s15+$0x4B0];
	_ =	sdelay $0x2  }
0x22d: {  	[tilespmem:$0x1F250] =	vst v0;
	v0 =	vld [tilespmem:s15+$0x4740];
	_ =	sdelay $0x1  }
0x22e: {  	[tilespmem:$0x1F5C0] =	vst v2;
	v2 =	vld [tilespmem:s15+$0x4520];
	_ =	sdelay $0x2  }
0x22f: {  	[tilespmem:$0x1F2A0] =	vst v0;
	v0 =	vld [tilespmem:s15+$0x740];
	_ =	sdelay $0x1  }
0x230: {  	[tilespmem:$0x1F560] =	vst v2;
	v2 =	vld [tilespmem:s15+$0x4270];
	_ =	sdelay $0x2  }
0x231: {  	[tilespmem:$0x1F2B0] =	vst v0;
	v0 =	vld [tilespmem:s15+$0x47B0];
	_ =	sdelay $0x1  }
0x232: {  	[tilespmem:$0x1F830] =	vst v2;
	v2 =	vld [tilespmem:s15+$0x42E0];
	_ =	sdelay $0x2  }
0x233: {  	[tilespmem:$0x1F260] =	vst v0;
	v0 =	vld [tilespmem:s15+$0x7B0];
	_ =	sdelay $0x1  }
0x234: {  	[tilespmem:$0x1F6B0] =	vst v2;
	v2 =	vld [tilespmem:s15+$0x2E0];
	_ =	sdelay $0x2  }
0x235: {  	[tilespmem:$0x1F270] =	vst v0;
	v0 =	vld [tilespmem:s15+$0x4570];
	_ =	sdelay $0x1  }
0x236: {  	[tilespmem:$0x1F6C0] =	vst v2;
	v2 =	vld [tilespmem:s15+$0x4350];
	_ =	sdelay $0x2  }
0x237: {  	[tilespmem:$0x1F2C0] =	vst v0;
	v0 =	vld [tilespmem:s15+$0x570];
	_ =	sdelay $0x1  }
0x238: {  	[tilespmem:$0x1F6D0] =	vst v2;
	v2 =	vld [tilespmem:s15+$0x350];
	_ =	sdelay $0x2  }
0x239: {  	[tilespmem:$0x1F2D0] =	vst v0;
	v0 =	vld [tilespmem:s15+$0x45E0];
	_ =	sdelay $0x1  }
0x23a: {  	[tilespmem:$0x1F6E0] =	vst v2;
	v2 =	vld [tilespmem:s15+$0x43C0];
	_ =	sdelay $0x2  }
0x23b: {  	[tilespmem:$0x1F300] =	vst v0;
	v0 =	vld [tilespmem:s15+$0x5E0];
	_ =	sdelay $0x1  }
0x23c: {  	[tilespmem:$0x1F670] =	vst v2;
	v2 =	vld [tilespmem:s15+$0x3C0];
	_ =	sdelay $0x2  }
0x23d: {  	[tilespmem:$0x1F310] =	vst v0;
	v0 =	vld [tilespmem:s15+$0x4650];
	_ =	sdelay $0x1  }
0x23e: {  	[tilespmem:$0x1F680] =	vst v2;
	v2 =	vld [tilespmem:s15+$0x4430];
	_ =	sdelay $0x2  }
0x23f: {  	[tilespmem:$0x1F320] =	vst v0;
	v0 =	vld [tilespmem:s15+$0x650];
	_ =	sdelay $0x1  }
0x240: {  	[tilespmem:$0x1F610] =	vst v2;
	v2 =	vld [tilespmem:s15+$0x430];
	_ =	sdelay $0x2  }
0x241: {  	[tilespmem:$0x1F330] =	vst v0;
	v0 =	vld [tilespmem:s15+$0x46C0];
	_ =	sdelay $0x1  }
0x242: {  	[tilespmem:$0x1F620] =	vst v2;
	v2 =	vld [tilespmem:s15+$0x41F0];
	_ =	sdelay $0x2  }
0x243: {  	[tilespmem:$0x1F2E0] =	vst v0;
	v0 =	vld [tilespmem:s15+$0x6C0];
	_ =	sdelay $0x1  }
0x244: {  	[tilespmem:$0x1F840] =	vst v2;
	v2 =	vld [tilespmem:s15+$0x4260];
	_ =	sdelay $0x1  }
0x245: {  	v3 =	vld [tilespmem:s15+$0x4870]  }
0x246: {  	[tilespmem:$0x1F2F0] =	vst v0;
	v0 =	vld [tilespmem:s15+$0x4730]  }
0x247: {  	v45 =	vld [tilespmem:s15+$0x870]  }
0x248: {  	[tilespmem:$0x1F6F0] =	vst v2;
	v2 =	vld [tilespmem:s15+$0x260]  }
0x249: {  	v4 =	vld [tilespmem:s15+$0x4770]  }
0x24a: {  	v33 =	vld [tilespmem:s15+$0x770]  }
0x24b: {  	[tilespmem:$0x1F280] =	vst v0;
	v0 =	vld [tilespmem:s15+$0x730]  }
0x24c: {  	v49 =	vld [tilespmem:s15+$0x47E0]  }
0x24d: {  	[tilespmem:$0x1F700] =	vst v2;
	v2 =	vld [tilespmem:s15+$0x42D0]  }
0x24e: {  	v53 =	vld [tilespmem:s15+$0x4850]  }
0x24f: {  	v11 =	vld [tilespmem:s15+$0x810]  }
0x250: {  	[tilespmem:$0x1F290] =	vst v0;
	v0 =	vld [tilespmem:s15+$0x4810]  }
0x251: {  	v34 =	vld [tilespmem:s15+$0x4820]  }
0x252: {  	[tilespmem:$0x1F710] =	vst v2;
	v2 =	vld [tilespmem:s15+$0x2D0]  }
0x253: {  	v60 =	vld [tilespmem:s15+$0x47A0]  }
0x254: {  	v37 =	vld [tilespmem:s15+$0x7A0]  }
0x255: {  	v11 =	vmul.f32 v11, v0;
	v0 =	vld [tilespmem:$0x1F0E0]  }
0x256: {  	v1 =	vld [tilespmem:s15+$0x4800]  }
0x257: {  	[tilespmem:$0x1F720] =	vst v2;
	v2 =	vld [tilespmem:s15+$0x4340]  }
0x258: {  	v17 =	vld [tilespmem:s15+$0x800]  }
0x259: {  	v21 =	vld [tilespmem:s15+$0x4780]  }
0x25a: {  	v49 =	vmul.f32 v0, v49;
	v0 =	vld [tilespmem:$0x1F0F0]  }
0x25b: {  	v20 =	vld [tilespmem:s15+$0x780]  }
0x25c: {  	[tilespmem:$0x1F730] =	vst v2;
	v2 =	vld [tilespmem:s15+$0x340]  }
0x25d: {  	v10 =	vld [tilespmem:s15+$0x4700]  }
0x25e: {  	v17 =	vmul.f32 v17, v1;
	v1 =	vld [tilespmem:$0x1F110]  }
0x25f: {  	v53 =	vmul.f32 v0, v53;
	v0 =	vld [tilespmem:$0x1F100]  }
0x260: {  	v9 =	vld [tilespmem:s15+$0x700]  }
0x261: {  	[tilespmem:$0x1F740] =	vst v2;
	v2 =	vld [tilespmem:s15+$0x43B0]  }
0x262: {  	v52 =	vld [tilespmem:s15+$0x4710]  }
0x263: {  	v13 =	vld [tilespmem:s15+$0x710];
	v54 =	vmul.f32 v45, v3  }
0x264: {  	v45 =	vmul.f32 v33, v4;
	v33 =	vmul.f32 v1, v0;
	v0 =	vld [tilespmem:$0x1F120]  }
0x265: {  	v1 =	vld [tilespmem:$0x1F130]  }
0x266: {  	[tilespmem:$0x1F650] =	vst v2;
	v2 =	vld [tilespmem:s15+$0x3B0]  }
0x267: {  	v18 =	vld [tilespmem:s15+$0x4790]  }
0x268: {  	v16 =	vld [tilespmem:s15+$0x790]  }
0x269: {  	v9 =	vmul.f32 v9, v10;
	v10 =	vmul.f32 v13, v52;
	v13 =	vld [tilespmem:s15+$0x250]  }
0x26a: {  	v1 =	vmul.f32 v1, v0;
	v0 =	vld [tilespmem:$0x1F140]  }
0x26b: {  	[tilespmem:$0x1F660] =	vst v2;
	v2 =	vld [tilespmem:$0x1F150]  }
0x26c: {  	v19 =	vld [tilespmem:s15+$0x820]  }
0x26d: {  	v20 =	vmul.f32 v20, v21;
	v16 =	vmul.f32 v16, v18;
	v3 =	vld [tilespmem:$0x1F170]  }
0x26e: {  	[tilespmem:$0x1F780] =	vst v13;
	v13 =	vld [tilespmem:$0x1F240]  }
0x26f: {  	v16 =	vadd.f32 v16, v20;
	v20 =	vmul.f32 v37, v60;
	v60 =	vld [tilespmem:$0x1F250]  }
0x270: {  	v2 =	vmul.f32 v2, v0;
	v0 =	vld [tilespmem:$0x1F160];
	_ =	sdelay $0x1  }
0x271: {  	v48 =	vld [tilespmem:s15+$0x4830]  }
0x272: {  	v44 =	vld [tilespmem:s15+$0x830];
	v19 =	vmul.f32 v19, v34;
	v17 =	vadd.f32 v11, v17  }
0x273: {  	v37 =	vmul.f32 v60, v13;
	v13 =	vadd.f32 v20, v16;
	v16 =	vld [tilespmem:$0x1F260]  }
0x274: {  	v19 =	vadd.f32 v19, v17;
	v17 =	vmul.f32 v3, v0;
	v0 =	vld [tilespmem:$0x1F180]  }
0x275: {  	v3 =	vld [tilespmem:$0x1F190]  }
0x276: {  	v20 =	vld [tilespmem:$0x1F270];
	_ =	sdelay $0x1  }
0x277: {  	v62 =	vld [tilespmem:s15+$0x4860];
	v48 =	vmul.f32 v44, v48  }
0x278: {  	v63 =	vld [tilespmem:s15+$0x860]  }
0x279: {  	v36 =	vld [tilespmem:s15+$0x4720];
	v48 =	vadd.f32 v48, v19;
	v3 =	vmul.f32 v3, v0  }
0x27a: {  	v16 =	vmul.f32 v20, v16;
	v20 =	vld [tilespmem:s15+$0x42C0]  }
0x27b: {  	v31 =	vld [tilespmem:s15+$0x720];
	v3 =	vadd.f32 v3, v48  }
0x27c: {  	v18 =	vld [tilespmem:s15+$0x4170]  }
0x27d: {  	v62 =	vmul.f32 v63, v62;
	v3 =	vadd.f32 v53, v3  }
0x27e: {  	v19 =	vld [tilespmem:s15+$0xF0]  }
0x27f: {  	[tilespmem:$0x1F790] =	vst v20;
	v20 =	vadd.f32 v62, v3;
	v3 =	vld [tilespmem:s15+$0x4330]  }
0x280: {  	v26 =	vld [tilespmem:s15+$0x46A0];
	v9 =	vadd.f32 v10, v9;
	v10 =	vmul.f32 v31, v36  }
0x281: {  	[tilespmem:$0x1F7D0] =	vst v18;
	v18 =	vld [tilespmem:$0x1F1E0]  }
0x282: {  	v9 =	vadd.f32 v10, v9;
	v10 =	vld [tilespmem:$0x1F290]  }
0x283: {  	[tilespmem:$0x1F760] =	vst v19;
	v19 =	vld [tilespmem:$0x1F1F0]  }
0x284: {  	[tilespmem:$0x1F7A0] =	vst v3;
	v3 =	vld [tilespmem:$0x1F280]  }
0x285: {  	v6 =	vld [tilespmem:s15+$0x4680]  }
0x286: {  	v5 =	vld [tilespmem:s15+$0x680]  }
0x287: {  	v21 =	vld [tilespmem:$0x1F210]  }
0x288: {  	v19 =	vmul.f32 v19, v18;
	v18 =	vld [tilespmem:$0x1F200]  }
0x289: {  	v10 =	vmul.f32 v10, v3;
	v3 =	vld [tilespmem:s15+$0x330]  }
0x28a: {  	v55 =	vld [tilespmem:s15+$0x4690]  }
0x28b: {  	v51 =	vld [tilespmem:s15+$0x690]  }
0x28c: {  	v23 =	vld [tilespmem:s15+$0x6A0]  }
0x28d: {  	v10 =	vadd.f32 v10, v9;
	v9 =	vld [tilespmem:$0x1F2B0]  }
0x28e: {  	v13 =	vadd.f32 v16, v13;
	v18 =	vmul.f32 v21, v18;
	[tilespmem:$0x1F7B0] =	vst v3;
	v3 =	vld [tilespmem:$0x1F2A0]  }
0x28f: {  	v47 =	vld [tilespmem:s15+$0x46B0]  }
0x290: {  	v43 =	vld [tilespmem:s15+$0x6B0];
	v5 =	vmul.f32 v5, v6;
	v6 =	vmul.f32 v51, v55;
	v18 =	vadd.f32 v18, v13;
	_ =	sdelay $0x1  }
0x291: {  	v5 =	vadd.f32 v6, v5;
	v2 =	vadd.f32 v2, v18;
	v18 =	vld [tilespmem:$0x1F2D0]  }
0x292: {  	v6 =	vmul.f32 v23, v26;
	v16 =	vadd.f32 v54, v20;
	v20 =	vmul.f32 v9, v3;
	v3 =	vld [tilespmem:$0x1F2C0];
	_ =	sdelay $0x1  }
0x293: {  	v5 =	vadd.f32 v6, v5;
	v6 =	vmul.f32 v43, v47;
	_ =	sdelay $0x1  }
0x294: {  	v5 =	vadd.f32 v6, v5;
	v6 =	vld [tilespmem:$0x1F2F0]  }
0x295: {  	v51 =	vmul.f32 v18, v3;
	v3 =	vld [tilespmem:$0x1F2E0];
	_ =	sdelay $0x1  }
0x296: {  	v23 =	vperm.xlane v16, v27;
	_ =	sdelay $0x1  }
0x297: {  	v16 =	vadd.f32 v16, v23;
	v23 =	vadd.f32 v49, v2;
	v2 =	vld [tilespmem:$0x1F300]  }
0x298: {  	v6 =	vmul.f32 v6, v3;
	v3 =	vld [tilespmem:$0x1F310];
	_ =	sdelay $0x1  }
0x299: {  	v0 =	vld [tilespmem:s15+$0x40F0];
	_ =	sdelay $0x1  }
0x29a: {  	v26 =	vld [tilespmem:$0x1F330]  }
0x29b: {  	v2 =	vmul.f32 v3, v2;
	v3 =	vld [tilespmem:$0x1F320]  }
0x29c: {  	v4 =	vld [tilespmem:$0x1F1B0]  }
0x29d: {  	[tilespmem:$0x1F750] =	vst v0;
	v0 =	vld [tilespmem:$0x1F1A0];
	_ =	sdelay $0x1  }
0x29e: {  	v15 =	vld [tilespmem:s15+$0x47F0]  }
0x29f: {  	v26 =	vmul.f32 v26, v3;
	v3 =	vld [tilespmem:s15+$0x40E0]  }
0x2a0: {  	v46 =	vld [tilespmem:$0x1F1D0]  }
0x2a1: {  	v4 =	vmul.f32 v4, v0;
	v0 =	vld [tilespmem:$0x1F1C0]  }
0x2a2: {  	v40 =	vld [tilespmem:s15+$0x7F0]  }
0x2a3: {  	v32 =	vld [tilespmem:s15+$0x4620]  }
0x2a4: {  	[tilespmem:$0x1F7E0] =	vst v3;
	v3 =	vld [tilespmem:s15+$0x4160]  }
0x2a5: {  	v14 =	vld [tilespmem:s15+$0x4600]  }
0x2a6: {  	v12 =	vld [tilespmem:s15+$0x600];
	v0 =	vmul.f32 v46, v0;
	v20 =	vadd.f32 v20, v10  }
0x2a7: {  	v8 =	vld [tilespmem:s15+$0x4610]  }
0x2a8: {  	v7 =	vld [tilespmem:s15+$0x610];
	v0 =	vadd.f32 v0, v20  }
0x2a9: {  	[tilespmem:$0x1F970] =	vst v3;
	v3 =	vld [tilespmem:s15+$0x41D0]  }
0x2aa: {  	v0 =	vadd.f32 v1, v0;
	v1 =	vld [tilespmem:s15+$0xE0]  }
0x2ab: {  	v38 =	vld [tilespmem:s15+$0x620]  }
0x2ac: {  	v50 =	vmul.f32 v40, v15  }
0x2ad: {  	v5 =	vadd.f32 v6, v5  }
0x2ae: {  	v12 =	vmul.f32 v12, v14;
	v7 =	vmul.f32 v7, v8;
	v6 =	vadd.f32 v50, v23;
	[tilespmem:$0x1F9A0] =	vst v3;
	v3 =	vld [tilespmem:s15+$0x4240]  }
0x2af: {  	[tilespmem:$0x1F7F0] =	vst v1;
	v1 =	vadd.f32 v37, v5  }
0x2b0: {  	v7 =	vadd.f32 v7, v12;
	v12 =	vmul.f32 v38, v32;
	v5 =	vperm.xlane v6, v27  }
0x2b1: {  	v1 =	vadd.f32 v4, v1  }
0x2b2: {  	v4 =	vadd.f32 v6, v5;
	v5 =	vadd.f32 v12, v7;
	v12 =	vld [tilespmem:$0x1F350]  }
0x2b3: {  	[tilespmem:$0x1F800] =	vst v3;
	v3 =	vld [tilespmem:$0x1F340]  }
0x2b4: {  	v59 =	vld [tilespmem:s15+$0x4630]  }
0x2b5: {  	v58 =	vld [tilespmem:s15+$0x630];
	_ =	sdelay $0x2  }
0x2b6: {  	v55 =	vmul.f32 v12, v3;
	v3 =	vld [tilespmem:s15+$0x42B0];
	_ =	sdelay $0x1  }
0x2b7: {  	v6 =	vmul.f32 v58, v59;
	_ =	sdelay $0x1  }
0x2b8: {  	v6 =	vadd.f32 v6, v5;
	v5 =	vld [tilespmem:$0x1F370]  }
0x2b9: {  	[tilespmem:$0x1F810] =	vst v3;
	v3 =	vld [tilespmem:$0x1F360];
	_ =	sdelay $0x2  }
0x2ba: {  	v20 =	vperm.xlane v16, v28;
	_ =	sdelay $0x1  }
0x2bb: {  	v8 =	vadd.f32 v16, v20;
	v16 =	vmul.f32 v5, v3;
	v3 =	vld [tilespmem:s15+$0x2B0];
	_ =	sdelay $0x3  }
0x2bc: {  	v5 =	vld [tilespmem:$0x1F390]  }
0x2bd: {  	[tilespmem:$0x1F820] =	vst v3;
	v3 =	vld [tilespmem:$0x1F380];
	_ =	sdelay $0x1  }
0x2be: {  	v12 =	vperm.xlane v4, v28;
	_ =	sdelay $0x1  }
0x2bf: {  	v12 =	vadd.f32 v4, v12;
	v4 =	vld [tilespmem:$0x1F3B0]  }
0x2c0: {  	v1 =	vadd.f32 v33, v1;
	v33 =	vmul.f32 v5, v3;
	v3 =	vld [tilespmem:$0x1F3A0]  }
0x2c1: {  	v61 =	vld [tilespmem:s15+$0x520]  }
0x2c2: {  	v42 =	vld [tilespmem:s15+$0x4580]  }
0x2c3: {  	v41 =	vld [tilespmem:s15+$0x580]  }
0x2c4: {  	v39 =	vld [tilespmem:s15+$0x4590]  }
0x2c5: {  	v52 =	vmul.f32 v3, v4;
	v3 =	vld [tilespmem:$0x1F3C0]  }
0x2c6: {  	v4 =	vld [tilespmem:$0x1F3D0]  }
0x2c7: {  	v35 =	vld [tilespmem:s15+$0x590]  }
0x2c8: {  	v57 =	vld [tilespmem:s15+$0x44A0]  }
0x2c9: {  	v56 =	vld [tilespmem:s15+$0x4A0]  }
0x2ca: {  	v5 =	vld [tilespmem:$0x1F3F0]  }
0x2cb: {  	v4 =	vmul.f32 v4, v3;
	v3 =	vld [tilespmem:$0x1F3E0]  }
0x2cc: {  	v30 =	vld [tilespmem:s15+$0x4500]  }
0x2cd: {  	v25 =	vld [tilespmem:s15+$0x500]  }
0x2ce: {  	v21 =	vld [tilespmem:s15+$0x41E0]  }
0x2cf: {  	v24 =	vld [tilespmem:s15+$0x4510]  }
0x2d0: {  	v54 =	vmul.f32 v5, v3;
	v3 =	vld [tilespmem:$0x1F400]  }
0x2d1: {  	v5 =	vld [tilespmem:$0x1F410]  }
0x2d2: {  	v22 =	vld [tilespmem:s15+$0x510]  }
0x2d3: {  	[tilespmem:$0x1F7C0] =	vst v21;
	v21 =	vld [tilespmem:$0x1F220]  }
0x2d4: {  	v48 =	vld [tilespmem:$0x1F230]  }
0x2d5: {  	v20 =	vld [tilespmem:$0x1F430];
	v0 =	vadd.f32 v45, v0  }
0x2d6: {  	v3 =	vmul.f32 v5, v3;
	v5 =	vld [tilespmem:$0x1F420]  }
0x2d7: {  	v63 =	vld [tilespmem:s15+$0x4420];
	v7 =	vperm.xlane v0, v27  }
0x2d8: {  	v40 =	vld [tilespmem:s15+$0x420];
	v6 =	vadd.f32 v16, v6  }
0x2d9: {  	v15 =	vld [tilespmem:s15+$0x4480];
	v0 =	vadd.f32 v0, v7;
	v7 =	vperm.xlane v1, v27  }
0x2da: {  	v34 =	vld [tilespmem:s15+$0x480];
	v21 =	vmul.f32 v48, v21;
	v6 =	vadd.f32 v26, v6  }
0x2db: {  	v1 =	vadd.f32 v1, v7;
	v16 =	vperm.xlane v0, v28;
	v26 =	vmul.f32 v20, v5;
	v5 =	vld [tilespmem:$0x1F440]  }
0x2dc: {  	v20 =	vadd.f32 v21, v6;
	v6 =	vld [tilespmem:$0x1F450]  }
0x2dd: {  	v44 =	vld [tilespmem:s15+$0x490];
	v0 =	vadd.f32 v0, v16;
	v16 =	vperm.xlane v1, v28  }
0x2de: {  	v36 =	vld [tilespmem:s15+$0x43A0]  }
0x2df: {  	v47 =	vadd.f32 v1, v16;
	v1 =	vld [tilespmem:s15+$0x40D0]  }
0x2e0: {  	v21 =	vld [tilespmem:$0x1F470]  }
0x2e1: {  	v6 =	vmul.f32 v6, v5;
	v5 =	vld [tilespmem:$0x1F460]  }
0x2e2: {  	v31 =	vld [tilespmem:s15+$0x410]  }
0x2e3: {  	v43 =	vld [tilespmem:s15+$0x4230]  }
0x2e4: {  	v15 =	vmul.f32 v34, v15;
	v34 =	vld [tilespmem:s15+$0x200]  }
0x2e5: {  	[tilespmem:$0x1FB90] =	vst v1;
	v1 =	vld [tilespmem:$0x1F480]  }
0x2e6: {  	v38 =	vmul.f32 v21, v5;
	v5 =	vld [tilespmem:$0x1F490]  }
0x2e7: {  	v40 =	vmul.f32 v40, v63;
	v63 =	vld [tilespmem:s15+$0x40A0]  }
0x2e8: {  	v13 =	vld [tilespmem:s15+$0x3A0]  }
0x2e9: {  	v60 =	vld [tilespmem:s15+$0x2C0]  }
0x2ea: {  	v16 =	vld [tilespmem:$0x1F4B0]  }
0x2eb: {  	v1 =	vmul.f32 v5, v1;
	v5 =	vld [tilespmem:$0x1F4A0]  }
0x2ec: {  	v11 =	vld [tilespmem:s15+$0x4490]  }
0x2ed: {  	v13 =	vmul.f32 v13, v36;
	v36 =	vld [tilespmem:s15+$0x41A0]  }
0x2ee: {  	v53 =	vld [tilespmem:s15+$0x390]  }
0x2ef: {  	v20 =	vadd.f32 v17, v20;
	v17 =	vld [tilespmem:s15+$0x4150]  }
0x2f0: {  	v45 =	vmul.f32 v16, v5;
	v5 =	vld [tilespmem:$0x1F4C0]  }
0x2f1: {  	v16 =	vld [tilespmem:$0x1F4D0]  }
0x2f2: {  	v62 =	vld [tilespmem:s15+$0x4390]  }
0x2f3: {  	v48 =	vld [tilespmem:s15+$0x4250]  }
0x2f4: {  	v9 =	vld [tilespmem:s15+$0x4400]  }
0x2f5: {  	[tilespmem:$0x1FBE0] =	vst v17;
	v17 =	vld [tilespmem:$0x1F4F0]  }
0x2f6: {  	v49 =	vmul.f32 v16, v5;
	v5 =	vld [tilespmem:$0x1F4E0]  }
0x2f7: {  	v10 =	vld [tilespmem:s15+$0x400]  }
0x2f8: {  	v18 =	vld [tilespmem:s15+$0x4410];
	v14 =	vperm.xlane v8, v29;
	v7 =	vperm.xlane v12, v29  }
0x2f9: {  	[tilespmem:$0x1F770] =	vst v48;
	v48 =	vld [tilespmem:s15+$0x4320]  }
0x2fa: {  	v37 =	vadd.f32 v8, v14;
	v14 =	vmul.f32 v35, v39;
	v35 =	vadd.f32 v12, v7;
	v7 =	vld [tilespmem:$0x1F510]  }
0x2fb: {  	v17 =	vmul.f32 v17, v5;
	v5 =	vld [tilespmem:$0x1F500]  }
0x2fc: {  	v46 =	vld [tilespmem:s15+$0x320]  }
0x2fd: {  	v9 =	vmul.f32 v10, v9;
	v10 =	vmul.f32 v31, v18;
	v18 =	vld [tilespmem:$0x1F5D0]  }
0x2fe: {  	v8 =	vld [tilespmem:s15+$0x41C0]  }
0x2ff: {  	v31 =	vld [tilespmem:$0x1F5E0]  }
0x300: {  	[tilespmem:$0x1FB80] =	vst v17;
	v17 =	vmul.f32 v7, v5;
	v5 =	vld [tilespmem:$0x1F520]  }
0x301: {  	v7 =	vld [tilespmem:$0x1F530]  }
0x302: {  	v50 =	vld [tilespmem:s15+$0x380]  }
0x303: {  	v23 =	vld [tilespmem:s15+$0xD0];
	[tilespmem:$0x1FC10] =	vst v8;
	v8 =	vmul.f32 v41, v42;
	v32 =	vperm.xlane v0, v29  }
0x304: {  	v9 =	vadd.f32 v10, v9;
	v10 =	vld [tilespmem:$0x1F600]  }
0x305: {  	v39 =	vadd.f32 v0, v32;
	v0 =	vadd.f32 v14, v8;
	v8 =	vld [tilespmem:$0x1F550]  }
0x306: {  	v12 =	vmul.f32 v7, v5;
	v7 =	vld [tilespmem:$0x1F540]  }
0x307: {  	v18 =	vmul.f32 v31, v18;
	v31 =	vld [tilespmem:s15+$0x41B0]  }
0x308: {  	v58 =	vld [tilespmem:s15+$0x240]  }
0x309: {  	v59 =	vld [tilespmem:s15+$0x4380];
	v21 =	vperm.xlane v20, v27  }
0x30a: {  	v42 =	vmul.f32 v53, v62;
	v53 =	vmov v35;
	v35 =	vld [tilespmem:s15+$0x4130];
	v16 =	vperm.xlane v47, v29  }
0x30b: {  	v32 =	vld [tilespmem:s15+$0x42A0];
	v7 =	vmul.f32 v8, v7;
	v8 =	vadd.f32 v20, v21  }
0x30c: {  	v14 =	vmul.f32 v25, v30;
	v41 =	vadd.f32 v47, v16;
	v47 =	vld [tilespmem:s15+$0x2A0];
	v21 =	vmul.f32 v22, v24  }
0x30d: {  	v16 =	vld [tilespmem:$0x1F560];
	v22 =	vmul.f32 v44, v11;
	v0 =	vadd.f32 v7, v0;
	v7 =	vperm.xlane v8, v28  }
0x30e: {  	v24 =	vld [tilespmem:$0x1F580];
	v21 =	vadd.f32 v21, v14  }
0x30f: {  	v14 =	vld [tilespmem:$0x1F570];
	v25 =	vadd.f32 v8, v7;
	v8 =	vadd.f32 v22, v15;
	v15 =	vmul.f32 v56, v57  }
0x310: {  	v62 =	vmov v41;
	v41 =	vld [tilespmem:s15+$0x40B0];
	v0 =	vadd.f32 v49, v0  }
0x311: {  	v8 =	vadd.f32 v15, v8;
	v15 =	vld [tilespmem:$0x1F5B0]  }
0x312: {  	v16 =	vmul.f32 v61, v16;
	v0 =	vadd.f32 v26, v0;
	v26 =	vld [tilespmem:$0x1F5C0]  }
0x313: {  	v7 =	vld [tilespmem:$0x1F590]  }
0x314: {  	v16 =	vadd.f32 v16, v21;
	v22 =	vld [tilespmem:$0x1F5A0];
	v24 =	vmul.f32 v24, v14;
	v0 =	vadd.f32 v52, v0  }
0x315: {  	v61 =	vld [tilespmem:$0x1F780]  }
0x316: {  	v16 =	vadd.f32 v24, v16;
	v0 =	vadd.f32 v2, v0;
	v2 =	vld [tilespmem:$0x1F5F0]  }
0x317: {  	v5 =	vld [tilespmem:s15+$0x230];
	v15 =	vmul.f32 v26, v15  }
0x318: {  	v20 =	vld [tilespmem:s15+$0x4300];
	v16 =	vadd.f32 v45, v16  }
0x319: {  	v22 =	vmul.f32 v22, v7;
	v0 =	vadd.f32 v19, v0;
	v19 =	vld [tilespmem:$0x1F630];
	v15 =	vadd.f32 v15, v8  }
0x31a: {  	v3 =	vadd.f32 v3, v16;
	v16 =	vld [tilespmem:$0x1F620]  }
0x31b: {  	[tilespmem:$0x1FD60] =	vst v18;
	v18 =	vmul.f32 v10, v2;
	v2 =	vadd.f32 v22, v15;
	v15 =	vld [tilespmem:$0x1F610]  }
0x31c: {  	v22 =	vld [tilespmem:$0x1F640]  }
0x31d: {  	v11 =	vld [tilespmem:s15+$0x300]  }
0x31e: {  	v44 =	vld [tilespmem:s15+$0x4120]  }
0x31f: {  	v21 =	vld [tilespmem:s15+$0x310]  }
0x320: {  	v49 =	vld [tilespmem:s15+$0x290];
	v15 =	vmul.f32 v16, v15  }
0x321: {  	v9 =	vadd.f32 v40, v9;
	v56 =	vld [tilespmem:$0x1F680];
	v19 =	vmul.f32 v22, v19;
	v22 =	vmul.f32 v50, v59  }
0x322: {  	v57 =	vld [tilespmem:$0x1F6A0]  }
0x323: {  	v14 =	vld [tilespmem:s15+$0x4310];
	v9 =	vadd.f32 v15, v9;
	v15 =	vperm.xlane v0, v27;
	v22 =	vadd.f32 v42, v22  }
0x324: {  	v52 =	vld [tilespmem:$0x1F6E0]  }
0x325: {  	v15 =	vadd.f32 v0, v15;
	v0 =	vadd.f32 v13, v22;
	v13 =	vld [tilespmem:$0x1F650]  }
0x326: {  	v22 =	vld [tilespmem:$0x1F660]  }
0x327: {  	v7 =	vld [tilespmem:s15+$0x40C0]  }
0x328: {  	v24 =	vld [tilespmem:s15+$0x4140]  }
0x329: {  	v26 =	vld [tilespmem:s15+$0xC0]  }
0x32a: {  	v45 =	vld [tilespmem:s15+$0x4290]  }
0x32b: {  	v8 =	vld [tilespmem:s15+$0x4220];
	v13 =	vmul.f32 v22, v13  }
0x32c: {  	v10 =	vld [tilespmem:s15+$0x220];
	v1 =	vadd.f32 v1, v2  }
0x32d: {  	v2 =	vadd.f32 v33, v3;
	v22 =	vperm.xlane v15, v28;
	v13 =	vadd.f32 v13, v0;
	v0 =	vld [tilespmem:$0x1F670]  }
0x32e: {  	v3 =	vld [tilespmem:s15+$0x280];
	v1 =	vadd.f32 v54, v1  }
0x32f: {  	v2 =	vadd.f32 v51, v2;
	v15 =	vadd.f32 v15, v22;
	v22 =	vld [tilespmem:$0x1F690]  }
0x330: {  	v54 =	vmov v39;
	v39 =	vld [tilespmem:s15+$0x4210]  }
0x331: {  	v51 =	vld [tilespmem:$0x1F6D0];
	v1 =	vadd.f32 v55, v1;
	v55 =	vperm.xlane v2, v27;
	v19 =	vadd.f32 v19, v9  }
0x332: {  	v16 =	vld [tilespmem:s15+$0x4280];
	v33 =	vmul.f32 v56, v0  }
0x333: {  	v50 =	vld [tilespmem:$0x1F6C0];
	v2 =	vadd.f32 v2, v55;
	v12 =	vadd.f32 v12, v19  }
0x334: {  	v55 =	vld [tilespmem:s15+$0x210];
	v19 =	vperm.xlane v1, v27;
	v22 =	vmul.f32 v57, v22;
	v13 =	vadd.f32 v33, v13  }
0x335: {  	v9 =	vld [tilespmem:s15+$0xB0];
	v12 =	vadd.f32 v38, v12  }
0x336: {  	v40 =	vmul.f32 v52, v51;
	v52 =	vld [tilespmem:s15+$0x180];
	v1 =	vadd.f32 v1, v19;
	v13 =	vadd.f32 v22, v13  }
0x337: {  	v57 =	vld [tilespmem:$0x1F720]  }
0x338: {  	v59 =	vadd.f32 v4, v12;
	v12 =	vperm.xlane v1, v28;
	v13 =	vadd.f32 v17, v13;
	v17 =	vld [tilespmem:$0x1F710]  }
0x339: {  	v38 =	vld [tilespmem:s15+$0xA0]  }
0x33a: {  	v19 =	vperm.xlane v2, v28;
	v1 =	vadd.f32 v1, v12;
	v12 =	vld [tilespmem:$0x1F6F0];
	v22 =	vperm.xlane v59, v27  }
0x33b: {  	v56 =	vld [tilespmem:$0x1F700]  }
0x33c: {  	v2 =	vadd.f32 v2, v19;
	v19 =	vperm.xlane v15, v29;
	v22 =	vadd.f32 v59, v22;
	v59 =	vld [tilespmem:$0x1F740]  }
0x33d: {  	v51 =	vmul.f32 v57, v17;
	v17 =	vld [tilespmem:$0x1F730]  }
0x33e: {  	v42 =	vperm.xlane v2, v29;
	v19 =	vadd.f32 v15, v19;
	v15 =	vld [tilespmem:$0x1F790]  }
0x33f: {  	v4 =	vld [tilespmem:$0x1F6B0]  }
0x340: {  	v11 =	vmul.f32 v11, v20;
	v30 =	vperm.xlane v25, v29;
	v20 =	vadd.f32 v2, v42;
	v2 =	vld [tilespmem:$0x1F7A0]  }
0x341: {  	v14 =	vmul.f32 v21, v14;
	v42 =	vld [tilespmem:s15+$0x4090];
	v12 =	vmul.f32 v56, v12  }
0x342: {  	v0 =	vld [tilespmem:s15+$0x4200];
	v56 =	vmul.f32 v59, v17;
	v17 =	vadd.f32 v25, v30;
	v30 =	vperm.xlane v22, v28  }
0x343: {  	v33 =	vperm.xlane v1, v29;
	v15 =	vmul.f32 v60, v15;
	v60 =	vld [tilespmem:s15+$0x80]  }
0x344: {  	v57 =	vld [tilespmem:s15+$0x4180];
	v30 =	vadd.f32 v22, v30  }
0x345: {  	v22 =	vadd.f32 v1, v33;
	v1 =	vadd.f32 v14, v11;
	v11 =	vld [tilespmem:$0x1F7E0]  }
0x346: {  	v14 =	vld [tilespmem:$0x1F7F0]  }
0x347: {  	v25 =	vadd.f32 v6, v13;
	v6 =	vld [tilespmem:$0x1F750]  }
0x348: {  	v13 =	vld [tilespmem:$0x1F760]  }
0x349: {  	v59 =	vld [tilespmem:s15+$0x4190]  }
0x34a: {  	v4 =	vmul.f32 v50, v4;
	v50 =	vperm.xlane v25, v27;
	v27 =	vmov v5;
	v5 =	vld [tilespmem:$0x1F7B0]  }
0x34b: {  	v11 =	vmul.f32 v14, v11;
	v14 =	vld [tilespmem:$0x1F800]  }
0x34c: {  	v21 =	vperm.xlane v30, v29;
	v29 =	vmul.f32 v49, v45;
	v49 =	vld [tilespmem:$0x1F7C0]  }
0x34d: {  	v45 =	vld [tilespmem:$0x1F7D0]  }
0x34e: {  	v3 =	vmul.f32 v3, v16;
	v13 =	vmul.f32 v13, v6;
	v6 =	vld [tilespmem:$0x1F770]  }
0x34f: {  	v33 =	vadd.f32 v25, v50;
	v25 =	vadd.f32 v30, v21;
	v21 =	vld [tilespmem:$0x1F820]  }
0x350: {  	p0 =	sne.s32 s17, $0x7;
	v14 =	vmul.f32 v58, v14;
	v58 =	vadd.f32 v29, v3;
	v3 =	vld [tilespmem:$0x1F810]  }
.Ltmp0:
0x351: {  	v50 =	vmov v37;
	v37 =	vld [tilespmem:s15+$0x90];
	v2 =	vmul.f32 v5, v2;
	v5 =	vmul.f32 v46, v48;
	(pc) =	sbr.rel @p0 .LBB2_2-.Ltmp0, $4  }
0x352: {  	v30 =	vmul.f32 v47, v32;
	v32 =	vld [tilespmem:s15+$0x4110]  }
0x353: {  	v48 =	vld [tilespmem:s15+$0x4100];
	v1 =	vadd.f32 v5, v1;
	v5 =	vperm.xlane v33, v28  }
0x354: {  	v46 =	vld [tilespmem:s15+$0x100];
	v6 =	vmul.f32 v61, v6  }
0x355: {  	s16 =	smov.u32 s17;
	s17 =	sadd.s32 $0x1, s17;
	v16 =	vmovc v43;
	v61 =	vld [tilespmem:s15+$0x4080];
	v47 =	vadd.f32 v2, v1;
	v5 =	vadd.f32 v33, v5;
	v43 =	vmul.f32 v21, v3  }
0x356: {  	v1 =	vld [tilespmem:$0x1FB90]  }
0x357: {  	v2 =	vmul.f32 v27, v16;
	v16 =	vld [tilespmem:s15+$0x110]  }
0x358: {  	v8 =	vmul.f32 v10, v8;
	v10 =	vld [tilespmem:s15+$0x190]  }
0x359: {  	v21 =	vld [tilespmem:s15+$0x120]  }
0x35a: {  	v29 =	vld [tilespmem:s15+$0x1A0]  }
0x35b: {  	v0 =	vmul.f32 v34, v0;
	v34 =	vld [tilespmem:s15+$0x1E0]  }
0x35c: {  	v63 =	vmul.f32 v38, v63;
	v38 =	vld [tilespmem:$0x1FBE0]  }
0x35d: {  	v9 =	vmul.f32 v9, v41;
	v41 =	vmul.f32 v55, v39;
	v39 =	vld [tilespmem:s15+$0x170]  }
0x35e: {  	v3 =	vadd.f32 v30, v58;
	v57 =	vmul.f32 v52, v57;
	v52 =	vld [tilespmem:$0x1F830]  }
0x35f: {  	v58 =	vadd.f32 v56, v47;
	v47 =	vld [tilespmem:s15+$0x130]  }
0x360: {  	v56 =	vld [tilespmem:s15+$0x1B0];
	v3 =	vadd.f32 v43, v3  }
0x361: {  	v33 =	vmul.f32 v37, v42;
	v43 =	vmul.f32 v60, v61;
	v60 =	vld [tilespmem:s15+$0x150]  }
0x362: {  	v0 =	vadd.f32 v41, v0;
	v55 =	vmul.f32 v46, v48;
	v3 =	vadd.f32 v15, v3;
	v61 =	vld [tilespmem:s15+$0x1D0]  }
0x363: {  	v1 =	vmul.f32 v23, v1;
	v23 =	vadd.f32 v40, v58;
	v16 =	vmul.f32 v16, v32;
	v58 =	vld [tilespmem:s15+$0x140]  }
0x364: {  	v0 =	vadd.f32 v8, v0;
	v10 =	vmul.f32 v10, v59;
	v21 =	vmul.f32 v21, v44;
	v59 =	vld [tilespmem:s15+$0x1C0]  }
0x365: {  	v30 =	vadd.f32 v33, v43;
	v15 =	vmul.f32 v47, v35;
	v35 =	vld [tilespmem:$0x1FC10];
	v16 =	vadd.f32 v16, v55  }
0x366: {  	v29 =	vmul.f32 v29, v36;
	v40 =	vld [tilespmem:$0x1F9A0];
	v3 =	vadd.f32 v51, v3;
	v10 =	vadd.f32 v10, v57  }
0x367: {  	v7 =	vmul.f32 v26, v7;
	v44 =	vld [tilespmem:$0x1F970];
	v26 =	vadd.f32 v63, v30;
	v16 =	vadd.f32 v21, v16  }
0x368: {  	v0 =	vadd.f32 v2, v0;
	v63 =	vmul.f32 v56, v31;
	v31 =	vld [tilespmem:s15+$0x160];
	v10 =	vadd.f32 v29, v10  }
0x369: {  	v27 =	vld [tilespmem:$0x1FFE0];
	v9 =	vadd.f32 v9, v26;
	v32 =	vmul.f32 v58, v24;
	v15 =	vadd.f32 v15, v16  }
0x36a: {  	v41 =	vld [tilespmem:s15+$0x1F0];
	v55 =	vadd.f32 v18, v23;
	v10 =	vadd.f32 v63, v10;
	v26 =	vmul.f32 v59, v35  }
0x36b: {  	v51 =	vld [tilespmem:$0x1F840];
	v36 =	vadd.f32 v7, v9;
	v9 =	vmul.f32 v60, v38;
	v37 =	vadd.f32 v32, v15  }
0x36c: {  	v43 =	vld [tilespmem:s15+$0x270];
	v0 =	vadd.f32 v14, v0;
	v16 =	vmul.f32 v61, v40;
	v10 =	vadd.f32 v26, v10  }
0x36d: {  	v57 =	vld [tilespmem:$0x1FFC0];
	v8 =	vmul.f32 v31, v44;
	v1 =	vadd.f32 v1, v36;
	v42 =	vadd.f32 v9, v37  }
0x36e: {  	v47 =	vmul.f32 v34, v49;
	v0 =	vadd.f32 v6, v0;
	v63 =	vld [tilespmem:$0x1FB80];
	v46 =	vadd.f32 v16, v10  }
0x36f: {  	v48 =	vmul.f32 v39, v45;
	v60 =	vld [tilespmem:$0x1FD60];
	v1 =	vadd.f32 v11, v1;
	v2 =	vadd.f32 v8, v42  }
0x370: {  	v0 =	vadd.f32 v12, v0;
	v9 =	vmul.f32 v41, v51;
	v49 =	vadd.f32 v47, v46  }
0x371: {  	v6 =	vmul.f32 v43, v52;
	v1 =	vadd.f32 v13, v1;
	v2 =	vadd.f32 v48, v2  }
0x372: {  	v3 =	vadd.f32 v4, v3;
	v35 =	vperm.xlane v5, v27;
	v15 =	vld [tilespmem:$0x1FFD0];
	v56 =	vadd.f32 v9, v49  }
0x373: {  	v0 =	vadd.f32 v6, v0;
	v58 =	vperm.xlane v1, v57;
	v59 =	vperm.xlane v2, v57  }
0x374: {  	v4 =	vadd.f32 v63, v55;
	v3 =	vadd.f32 v60, v3;
	v61 =	vperm.xlane v56, v57  }
0x375: {  	v12 =	vperm.xlane v0, v57;
	v1 =	vadd.f32 v1, v58;
	v2 =	vadd.f32 v2, v59  }
0x376: {  	v14 =	vperm.xlane v4, v57;
	v13 =	vperm.xlane v3, v57;
	v7 =	vadd.f32 v56, v61  }
0x377: {  	v0 =	vadd.f32 v0, v12;
	v16 =	vperm.xlane v1, v15;
	v18 =	vperm.xlane v2, v15  }
0x378: {  	v4 =	vadd.f32 v4, v14;
	v3 =	vadd.f32 v3, v13;
	v21 =	vperm.xlane v7, v15  }
0x379: {  	v23 =	vperm.xlane v0, v15;
	v1 =	vadd.f32 v1, v16;
	v2 =	vadd.f32 v2, v18  }
0x37a: {  	v33 =	vld [tilespmem:$0x1FFF0];
	v26 =	vperm.xlane v4, v15;
	v24 =	vperm.xlane v3, v15;
	v7 =	vadd.f32 v7, v21  }
0x37b: {  	v0 =	vadd.f32 v0, v23;
	v10 =	vperm.xlane v1, v27;
	v28 =	vperm.xlane v2, v27  }
0x37c: {  	v4 =	vadd.f32 v4, v26;
	v3 =	vadd.f32 v3, v24;
	v29 =	vperm.xlane v7, v27  }
0x37d: {  	v30 =	vperm.xlane v0, v27;
	v1 =	vadd.f32 v1, v10;
	v2 =	vadd.f32 v2, v28  }
0x37e: {  	v32 =	vperm.xlane v4, v27;
	v31 =	vperm.xlane v3, v27;
	v7 =	vadd.f32 v7, v29  }
0x37f: {  	v0 =	vadd.f32 v0, v30;
	v10 =	vperm.xlane v1, v33;
	v34 =	vperm.xlane v2, v33  }
0x380: {  	v4 =	vadd.f32 v4, v32;
	v3 =	vadd.f32 v3, v31;
	v36 =	vperm.xlane v7, v33  }
0x381: {  	v37 =	vperm.xlane v0, v33;
	v1 =	vadd.f32 v1, v10;
	v2 =	vadd.f32 v2, v34  }
0x382: {  	v5 =	vadd.f32 v5, v35;
	v38 =	vperm.xlane v3, v33;
	v7 =	vadd.f32 v7, v36  }
0x383: {  	v0 =	vadd.f32 v0, v37;
	v39 =	vperm.xlane v4, v33;
	v1 =	vsel vm0, v1, v2  }
0x384: {  	v40 =	vperm.xlane v5, v33;
	v3 =	vadd.f32 v3, v38;
	v1 =	vsel vm1, v1, v7  }
0x385: {  	v42 =	vperm.xlane v25, v33;
	v41 =	vadd.f32 v4, v39;
	v0 =	vsel vm2, v1, v0  }
0x386: {  	v44 =	vperm.xlane v22, v33;
	v43 =	vadd.f32 v5, v40;
	v0 =	vsel vm3, v0, v3  }
0x387: {  	v46 =	vperm.xlane v20, v33;
	v45 =	vadd.f32 v25, v42;
	v0 =	vsel vm4, v0, v41  }
0x388: {  	v47 =	vadd.f32 v22, v44;
	v48 =	vperm.xlane v19, v33;
	v0 =	vsel vm5, v0, v43  }
0x389: {  	v51 =	vperm.xlane v17, v33;
	v49 =	vadd.f32 v20, v46;
	v0 =	vsel vm6, v0, v45  }
0x38a: {  	v55 =	vperm.xlane v62, v33;
	v52 =	vadd.f32 v19, v48;
	v0 =	vsel vm7, v0, v47  }
0x38b: {  	v57 =	vperm.xlane v54, v33;
	v56 =	vadd.f32 v17, v51;
	v0 =	vsel vm8, v0, v49  }
0x38c: {  	v58 =	vadd.f32 v62, v55;
	v59 =	vperm.xlane v53, v33;
	v0 =	vsel vm9, v0, v52  }
0x38d: {  	v60 =	vadd.f32 v54, v57;
	v61 =	vperm.xlane v50, v33;
	v0 =	vsel vm10, v0, v56  }
0x38e: {  	v62 =	vadd.f32 v53, v59;
	v0 =	vsel vm11, v0, v58  }
0x38f: {  	v63 =	vadd.f32 v50, v61;
	v0 =	vsel vm12, v0, v60  }
0x390: {  	s31 =	sshll.u32 s16, $0x4;
	s14 =	sadd.s32 $0x1, s14;
	v0 =	vsel vm13, v0, v62  }
0x391: {  	p0 =	sne.s32 s14, s7;
	s15 =	sand.u32 $0x3FFFFFF0, s31;
	v0 =	vsel vm14, v0, v63  }
.Ltmp1:
0x392: {  	[tilespmem:s15+$0x8080] =	vst v0;
	(pc) =	sbr.rel @p0 .LBB2_1-.Ltmp1, $4  }
0x393: {  	[hbm4b:s6+s3] =	stream.linear.scatter [tilespmem:s13], [sflag:$0x3], $0x80, $0x38;
	[tilespmem:$0x8100] =	vst v63  }
0x394: {  	_ =	swait.ge [sflag:s9], $0x80  }
0x395: {  	[sflag:s9] =	ssyncset.done $0x0  }
0x396: {  	[sflag:s9] =	ssyncadd.s32 $0xFFFFFF80  }
0x397: {  	_ =	sfence.sel $0x180000  }
0x398: {  	[bflag:$0x0] =	sbarrier.arrive $0xFFFF  }
0x399: {  	p0 =	sne.s32 s2, $0x0;
	_ =	strace $0x9000004A  }
0x39a: {  	s0 =	sadd.s32 @!p0 $0x100000, s1;
	[bflag:$0x2] =	sbarrier.arrive $0xFFFF  }
0x39b: {  	[sflag:s0] =	ssyncadd.tile.s32 @!p0 $0x1;
	_ =	shalt  }
.Lfunc_end2:
_tile_overlayer_lowered:
.L_overlay_start_2:
0x39c: {  	(tag) =	ssettag $0x2  }
0x39d: {  	s0 =	rddreg [dreg:$0x0];
	s2 =	stileid.u32  }
0x39e: {  	s1 =	rddreg [dreg:$0x1];
	p0 =	sne.s32 s2, $0x0  }
0x39f: {  	s3 =	rddreg [dreg:$0x2];
	[bflag:$0x3] =	sbarrier.arrive $0xFFFF;
	s2 =	simm.s32 @!p0 $0x1C03  }
0x3a0: {  	[timem:s3], [sflag:s2] =	dma.local @!p0 [hbm:s0], s1  }
0x3a1: {  	s0 =	simm.s32 @!p0 $0x3  }
0x3a2: {  	_ =	swait.ge @!p0 [sflag:s0], s1  }
0x3a3: {  	s1 =	ssub.s32 @!p0 $0x0, s1;
	[sflag:s0] =	ssyncset.done @!p0 $0x0  }
0x3a4: {  	[sflag:s0] =	ssyncadd.s32 @!p0 s1  }
0x3a5: {  	[bflag:$0x3] =	sbarrier.arrive $0xFFFF  }
0x3a6: {  	_ =	shalt  }

// kernel: kernel.9.cloned.1.call-start
scs
__scs_entry_jumppad:
0x0: {  	(pc) =	sbr.rel $0x88, $3  }
0x1: {  	(tag) =	ssettag $0x0;
	lr =	simm.s32 $0x1  }
0x2: {  	[smem:$0x3F9E] =	sst lr;
	_ =	strace $0xD0000000  }
0x3: {  	_ = 	snop  }
0x4: {  	_ = 	snop  }
0x5: {  	_ = 	snop  }
0x6: {  	_ = 	snop  }
0x7: {  	_ = 	snop  }
__scs_overlays_trampoline_lowered:
0x8: {  	[smem:$0x3FAD] =	sst s0  }
0x9: {  	[smem:$0x3FAE] =	sst s1  }
0xa: {  	[smem:$0x3FAF] =	sst s2  }
0xb: {  	[smem:$0x3FB0] =	sst s3  }
0xc: {  	[smem:$0x3FB1] =	sst s4  }
0xd: {  	[smem:$0x3FB2] =	sst s5  }
0xe: {  	[smem:$0x3FB3] =	sst s6  }
0xf: {  	[smem:$0x3FB4] =	sst s7  }
0x10: {  	[smem:$0x3FB5] =	sst s8  }
0x11: {  	[smem:$0x3FB6] =	sst s9;
	s0 =	simm.s32 @!p0 $0x0  }
0x12: {  	s1 =	sld [smem:$0x3F9C];
	s0 =	simm.s32 @p0 $0x1  }
0x13: {  	[smem:$0x3FB7] =	sst s0;
	s0 =	simm.s32 @!p1 $0x0  }
0x14: {  	s2 =	sld [smem:$0x3F9B];
	s0 =	simm.s32 @p1 $0x1  }
0x15: {  	[smem:$0x3FB8] =	sst s0;
	s0 =	simm.s32 @!p2 $0x0  }
0x16: {  	s3 =	sld [smem:$0x3FDB];
	s0 =	simm.s32 @p2 $0x1  }
0x17: {  	s4 =	simm.s32 $0x1BF5;
	[smem:$0x3FBA] =	sst s0  }
0x18: {  	s0 =	sld [smem:$0x3F9D];
	_ =	swait.ge [sflag:s4], $0x0  }
0x19: {  	s7 =	sld [smem:$0x3F9E]  }
0x1a: {  	s8 =	sadd.s32 $0xFFFFE003, lr  }
0x1b: {  	s9 =	sadd.s32 $0xFFFFFEF7, lr;
	s5 =	simm.s32 $0xFFFFFFFF;
	p2 =	slt.u32 s8, $0xFFFFF086  }
0x1c: {  	p1 =	slt.u32 s9, $0xF7A;
	s5 =	simm.s32 @!p2 $0x0  }
0x1d: {  	s5 =	simm.s32 @p1 $0x1;
	p0 =	seq.s32 s7, s2  }
0x1e: {  	s7 =	smul.u32 @!p0 $0xF7A, s2;
	p2 =	seq.s32 @!p0 s5, $0x0  }
0x1f: {  	s9 =	smul.u32 $0xF7A, s1;
	s8 =	simm.s32 @!p0 $0x1BF5;
	p2 =	por !p2, p0  }
0x20: {  	[sflag:s8] =	ssyncset.s32 @!p0 $0xFFFFF086;
	s6 =	sadd.s32 @!p0 s3, s7;
	s7 =	simm.s32 @!p0 $0x108  }
0x21: {  	s3 =	sadd.s32 s3, s9;
	s6 =	sadd.s32 @!p0 $0x88, s6;
	s7 =	simm.s32 @p2 $0x1082  }
0x22: {  	[simem:s7], [sflag:s8] =	dma.local @!p0 [hbm:s6], $0xF7A  }
0x23: {  	s9 =	sor.u32 $0xD0000000, s2;
	s6 =	simm.s32 $0x108;
	_ =	swait.ge @!p0 [sflag:s8], $0x0  }
0x24: {  	s3 =	sadd.s32 $0x88, s3;
	s6 =	simm.s32 @!p1 $0x1082;
	[sflag:s4] =	ssyncset.s32 $0xFFFFF086  }
0x25: {  	[simem:s6], [sflag:s4] =	dma.local [hbm:s3], $0xF7A  }
0x26: {  	[smem:$0x3F9E] =	sst s1;
	(tag) =	ssettag s2;
	_ =	strace s9  }
0x27: {  	s1 =	sld [smem:$0x3FAE]  }
0x28: {  	s2 =	sld [smem:$0x3FAF]  }
0x29: {  	s4 =	sld [smem:$0x3FB1]  }
0x2a: {  	p0 =	seq.s32 s5, $0x0;
	s5 =	sld [smem:$0x3FB2]  }
0x2b: {  	s6 =	sld [smem:$0x3FB3]  }
0x2c: {  	s7 =	sld [smem:$0x3FB4]  }
0x2d: {  	s3 =	simm.s32 $0x108;
	s8 =	sld [smem:$0x3FB5]  }
0x2e: {  	s3 =	simm.s32 @!p0 $0x1082;
	s9 =	sld [smem:$0x3FB6]  }
0x2f: {  	lr =	sadd.s32 s0, s3;
	s0 =	sld [smem:$0x3FAD]  }
0x30: {  	s3 =	sld [smem:$0x3FB0]  }
0x31: {  	[smem:$0x3FB9] =	sst s10  }
0x32: {  	s10 =	sld [smem:$0x3FB7];
	_ =	sdelay $0x3  }
0x33: {  	p0 =	seq.s32 s10, $0x1;
	s10 =	sld [smem:$0x3FB9];
	_ =	sdelay $0x3  }
0x34: {  	[smem:$0x3FB9] =	sst s10  }
0x35: {  	s10 =	sld [smem:$0x3FB8];
	_ =	sdelay $0x3  }
0x36: {  	p1 =	seq.s32 s10, $0x1;
	s10 =	sld [smem:$0x3FB9];
	_ =	sdelay $0x3  }
0x37: {  	[smem:$0x3FB9] =	sst s10  }
0x38: {  	s10 =	sld [smem:$0x3FBA]  }
0x39: {  	_ = 	snop;
	(pc) =	sbr.ind lr, $3  }
0x3a: {  	_ = 	snop  }
0x3b: {  	_ = 	snop  }
0x3c: {  	p2 =	seq.s32 s10, $0x1;
	s10 =	sld [smem:$0x3FB9]  }
0x3d: {  	_ =	shalt  }
0x3e: {  	_ =	shalt  }
0x3f: {  	_ =	shalt  }
0x40: {  	_ =	shalt  }
0x41: {  	_ =	shalt  }
0x42: {  	_ =	shalt  }
0x43: {  	_ =	shalt  }
0x44: {  	_ =	shalt  }
0x45: {  	_ =	shalt  }
0x46: {  	_ =	shalt  }
0x47: {  	_ =	shalt  }
0x48: {  	_ =	shalt  }
0x49: {  	_ =	shalt  }
0x4a: {  	_ =	shalt  }
0x4b: {  	_ =	shalt  }
0x4c: {  	_ =	shalt  }
0x4d: {  	_ =	shalt  }
0x4e: {  	_ =	shalt  }
0x4f: {  	_ =	shalt  }
0x50: {  	_ =	shalt  }
0x51: {  	_ =	shalt  }
0x52: {  	_ =	shalt  }
0x53: {  	_ =	shalt  }
0x54: {  	_ =	shalt  }
0x55: {  	_ =	shalt  }
0x56: {  	_ =	shalt  }
0x57: {  	_ =	shalt  }
0x58: {  	_ =	shalt  }
0x59: {  	_ =	shalt  }
0x5a: {  	_ =	shalt  }
0x5b: {  	_ =	shalt  }
0x5c: {  	_ =	shalt  }
0x5d: {  	_ =	shalt  }
0x5e: {  	_ =	shalt  }
0x5f: {  	_ =	shalt  }
0x60: {  	_ =	shalt  }
0x61: {  	_ =	shalt  }
0x62: {  	_ =	shalt  }
0x63: {  	_ =	shalt  }
0x64: {  	_ =	shalt  }
0x65: {  	_ =	shalt  }
0x66: {  	_ =	shalt  }
0x67: {  	_ =	shalt  }
0x68: {  	_ =	shalt  }
0x69: {  	_ =	shalt  }
0x6a: {  	_ =	shalt  }
0x6b: {  	_ =	shalt  }
0x6c: {  	_ =	shalt  }
0x6d: {  	_ =	shalt  }
0x6e: {  	_ =	shalt  }
0x6f: {  	_ =	shalt  }
0x70: {  	_ =	shalt  }
0x71: {  	_ =	shalt  }
0x72: {  	_ =	shalt  }
0x73: {  	_ =	shalt  }
0x74: {  	_ =	shalt  }
0x75: {  	_ =	shalt  }
0x76: {  	_ =	shalt  }
0x77: {  	_ =	shalt  }
0x78: {  	_ =	shalt  }
0x79: {  	_ =	shalt  }
0x7a: {  	_ =	shalt  }
0x7b: {  	_ =	shalt  }
0x7c: {  	_ =	shalt  }
0x7d: {  	_ =	shalt  }
0x7e: {  	_ =	shalt  }
0x7f: {  	_ =	shalt  }
0x80: {  	_ =	shalt  }
0x81: {  	_ =	shalt  }
0x82: {  	_ =	shalt  }
0x83: {  	_ =	shalt  }
0x84: {  	_ =	shalt  }
0x85: {  	_ =	shalt  }
0x86: {  	_ =	shalt  }
0x87: {  	_ =	shalt  }
.Lfunc_end0:
.L_simem_size_0:
called_computation.1_lowered:
.L_overlay_start_0:
0x88: {  	s2 =	sld [smem:$0x3FD9]  }
0x89: {  	s3 =	sld [smem:$0x3FFE];
	_ =	sdelay $0x1  }
0x8a: {  	s1 =	srdreg.scid  }
0x8b: {  	s0 =	sand.u32 $0x1, s1  }
0x8c: {  	s17 =	sshll.u32 s0, $0xA;
	s2 =	sadd.s32 s3, s2  }
0x8d: {  	s2 =	sadd.s32 s2, s17  }
0x8e: {  	[smem:$0x3FC5] =	sst s2  }
0x8f: {  	_ = 	snop  }
0x90: {  	s2 =	sld [smem:$0x3FC9];
	(tm) =	ssettm $0x1  }
0x91: {  	s18 =	sld [smem:$0x3FFB];
	_ =	sdelay $0x3  }
0x92: {  	_ =	strace s18  }
0x93: {  	s3 =	sld [smem:$0x3FFC];
	_ =	sdelay $0x3  }
0x94: {  	_ =	strace s3  }
0x95: {  	s3 =	sld [smem:$0x3FFD];
	_ =	sdelay $0x3  }
0x96: {  	_ =	strace s3  }
0x97: {  	_ =	strace $0x8FFFFFFF  }
0x98: {  	s19 =	sld [smem:$0x3FDB];
	_ =	sdelay $0x1  }
0x99: {  	s4 =	simm.s32 $_scs_section_size  }
0x9a: {  	s5 =	simm.s32 $_size__tile_overlayer_lowered;
	s6 =	simm.s32 $_tile_overlayer_lowered  }
0x9b: {  	s22 =	simm.s32 $0x1BFF;
	s21 =	sshll.u32 s6, $0x1;
	s3 =	sadd.s32 s4, s19  }
0x9c: {  	s7 =	simm.s32 $0x0;
	s20 =	sshll.u32 s5, $0x1;
	s5 =	sadd.s32 s21, s3  }
0x9d: {  	[timem:s7], [sflag:s22] =	dma.local [hbm:s5], s20  }
0x9e: {  	_ =	swait.ge [sflag:s22], s20  }
0x9f: {  	s4 =	ssub.s32 $0x0, s20;
	[sflag:s22] =	ssyncset.done $0x0  }
0xa0: {  	[sflag:s22] =	ssyncadd.s32 s4;
	_ =	sdelay $0x1  }
0xa1: {  	s23 =	simm.s32 $0x1B8B  }
0xa2: {  	_ =	swait.ge [sflag:s23], $0x1  }
0xa3: {  	[sflag:s23] =	ssyncset.done $0x0  }
0xa4: {  	s25 =	simm.s32 $0x1B8E;
	s24 =	sld [smem:$0x3FFE];
	[sflag:s23] =	ssyncadd.s32 $0xFFFFFFFF  }
0xa5: {  	s26 =	simm.s32 $execute0_lowered;
	[smem:$0x3FD2] =	sst s25  }
0xa6: {  	s5 =	sshll.u32 s26, $0x1;
	_ =	strace $0x80000046;
	[dreg:$0x1] =	wrdreg $0xFFFFFFFF  }
0xa7: {  	s28 =	simm.s32 $_size_execute0_lowered;
	s3 =	sadd.s32 s3, s5;
	[dreg:$0x0] =	wrdreg $0x0  }
0xa8: {  	s5 =	sshll.u32 s28, $0x1;
	[dreg:$0x2] =	wrdreg s3  }
0xa9: {  	[dreg:$0x3] =	wrdreg s5  }
0xaa: {  	[dreg:$0x4] =	wrdreg $0xC0  }
0xab: {  	_ =	task [dreg:s7], $0x5FFFF  }
0xac: {  	[dreg:$0x1] =	wrdreg $0xFFFFFFFF  }
0xad: {  	[dreg:$0x0] =	wrdreg $0x60  }
0xae: {  	[dreg:$0x2] =	wrdreg s2  }
0xaf: {  	[dreg:$0x3] =	wrdreg s24  }
0xb0: {  	[dreg:$0x4] =	wrdreg $0xA  }
0xb1: {  	_ =	task.clear_ibuf [dreg:s7], $0x5FFFF;
	_ =	strace $0x90000046  }
0xb2: {  	s29 =	simm.s32 $0xA;
	_ =	strace $0x80000048  }
0xb3: {  	_ =	swait.ge [sflag:s29], $0x1  }
0xb4: {  	[sflag:s29] =	ssyncadd.s32 $0xFFFFFFFF  }
0xb5: {  	_ =	strace $0x90000048  }
0xb6: {  	_ =	sfence  }
0xb7: {  	s30 =	sld [smem:$0x0];
	_ =	sdelay $0x2  }
0xb8: {  	s31 =	sshll.u32 s1, $0xD;
	s1 =	sshrl.u32 s1, $0x2  }
0xb9: {  	s3 =	sand.u32 $0x4000, s31;
	s1 =	sadd.s32 s1, s30  }
0xba: {  	s0 =	sor.u32 s3, s0;
	s1 =	sshll.u32 s1, $0x11  }
0xbb: {  	s0 =	sor.u32 s1, s0  }
0xbc: {  	s0 =	sadd.s32 $0x8F2B, s0  }
0xbd: {  	[sflag:s0] =	ssyncadd.remote.s32 $0x1  }
0xbe: {  	_ =	sfence.sel $0xFFFF  }
0xbf: {  	[dreg:$0x0] =	wrdreg $0xFFFFFFFF;
	(pc) =	sbr.abs _section_cstart, $3  }
0xc0: {  	[dreg:$0x1] =	wrdreg $0xFFFFFFFF  }
0xc1: {  	_ =	task.clear_ibuf [dreg:s7], $0x2FFFF;
	_ =	strace $0x9FFFFFFF  }
0xc2: {  	(tm) =	ssettm $0x7FFFFFFF  }
0xc3: {  	_ =	shalt  }
tec
execute0_lowered:
.L_overlay_start_1:
0x0: {  	(tag) =	ssettag $0x1  }
0x1: {  	s1 =	srdreg.scid  }
0x2: {  	s0 =	stileid.u32;
	s2 =	rddreg [dreg:$0x0];
	s6 =	sand.u32 $0x1, s1  }
0x3: {  	s9 =	rddreg [dreg:$0x1];
	s30 =	sshll.u32 s0, $0x6;
	s3 =	sshll.u32 s6, $0x5  }
0x4: {  	s7 =	simm.s32 $0x80;
	s8 =	simm.s32 $0x1;
	s10 =	sor.u32 s3, s30  }
0x5: {  	s1 =	rddreg [dreg:$0x2];
	s3 =	simm.s32 $0x0;
	s4 =	sshrl.u32 s10, $0x3  }
0x6: {  	s11 =	ssub.s32 $0x2, s6;
	[smem:$0x7FF] =	sst s3;
	s4 =	sadd.s32 s4, s9  }
0x7: {  	_ =	strace $0x80000047;
	s5 =	sadd.s32 $0xE00, s4;
	s4 =	simm.s32 $0x2  }
0x8: {  	[tilespmem:s3], [sflag:$0x2] =	stream.linear.gather [hbm4b:s5+s3], $0x20, $0x38;
	[tilespmem:$0x1080] =	vst v63  }
0x9: {  	s6 =	simm.s32 $0x20;
	s12 =	sshrl.u32 s11, $0x1;
	_ =	swait.ge [sflag:s4], $0x20  }
0xa: {  	s10 =	sshll.u32 s10, $0x4;
	s31 =	ssub.s32 s11, s12;
	[sflag:s4] =	ssyncset.done $0x0  }
0xb: {  	s9 =	sadd.s32 s10, s9;
	s10 =	smax.u32 s31, $0x1;
	[sflag:s4] =	ssyncadd.s32 $0xFFFFFFE0  }
0xc: {  	[tilespmem:s7], [sflag:$0x1] =	stream.indirect.gather [hbm4b:s2+s6], $0x80, s3, s6, $0xb8;
	[tilespmem:$0x1080] =	vst v63  }
0xd: {  	p0 =	sne.s32 s10, $0x1;
	_ =	swait.ge [sflag:s8], $0x1000  }
.Ltmp0:
0xe: {  	[sflag:s8] =	ssyncset.done $0x0;
	(pc) =	sbr.rel @!p0 .LBB2_2-.Ltmp0, $4  }
0xf: {  	s9 =	sadd.s32 $0x1000, s9;
	[sflag:s8] =	ssyncadd.s32 $0xFFFFF000  }
0x10: {  	[hbm4b:s9+s3] =	stream.linear.scatter [tilespmem:s7], [sflag:$0x2], $0x1000, $0x38;
	[tilespmem:$0x1080] =	vst v63  }
0x11: {  	_ =	swait.ge [sflag:s4], $0x1000  }
0x12: {  	s10 =	sadd.s32 $0xFFFFFFFF, s10;
	[sflag:s4] =	ssyncset.done $0x0  }
.LBB2_1:
0x13: {  	p0 =	sne.s32 s10, $0x1;
	s10 =	sadd.s32 $0xFFFFFFFF, s10;
	[sflag:s4] =	ssyncadd.s32 $0xFFFFF000  }
0x14: {  	[tilespmem:s3], [sflag:$0x2] =	stream.linear.gather [hbm4b:s5+s3], $0x20, $0x38;
	[tilespmem:$0x1080] =	vst v63  }
0x15: {  	_ =	swait.ge [sflag:s4], $0x20  }
0x16: {  	[sflag:s4] =	ssyncset.done $0x0  }
0x17: {  	[sflag:s4] =	ssyncadd.s32 $0xFFFFFFE0  }
0x18: {  	[tilespmem:s7], [sflag:$0x1] =	stream.indirect.gather [hbm4b:s2+s6], $0x80, s3, s6, $0xb8;
	[tilespmem:$0x1080] =	vst v63  }
0x19: {  	_ =	swait.ge [sflag:s8], $0x1000  }
.Ltmp1:
0x1a: {  	[sflag:s8] =	ssyncset.done $0x0;
	(pc) =	sbr.rel @p0 .LBB2_1-.Ltmp1, $4  }
0x1b: {  	[sflag:s8] =	ssyncadd.s32 $0xFFFFF000  }
0x1c: {  	[hbm4b:s9+s3] =	stream.linear.scatter [tilespmem:s7], [sflag:$0x2], $0x1000, $0x38;
	[tilespmem:$0x1080] =	vst v63  }
0x1d: {  	_ =	swait.ge [sflag:s4], $0x1000  }
0x1e: {  	[sflag:s4] =	ssyncset.done $0x0  }
.LBB2_2:
0x1f: {  	[sflag:s4] =	ssyncadd.s32 $0xFFFFF000  }
0x20: {  	_ =	sfence.sel $0x180000  }
0x21: {  	[bflag:$0x0] =	sbarrier.arrive $0xFFFF  }
0x22: {  	p0 =	sne.s32 s0, $0x0;
	_ =	strace $0x90000047  }
0x23: {  	s0 =	sadd.s32 @!p0 $0x100000, s1;
	[bflag:$0x2] =	sbarrier.arrive $0xFFFF  }
0x24: {  	[sflag:s0] =	ssyncadd.tile.s32 @!p0 $0x1;
	_ =	shalt  }
.Lfunc_end2:
_tile_overlayer_lowered:
.L_overlay_start_2:
0x25: {  	(tag) =	ssettag $0x2  }
0x26: {  	s0 =	rddreg [dreg:$0x0];
	s2 =	stileid.u32  }
0x27: {  	s1 =	rddreg [dreg:$0x1];
	p0 =	sne.s32 s2, $0x0  }
0x28: {  	s3 =	rddreg [dreg:$0x2];
	[bflag:$0x3] =	sbarrier.arrive $0xFFFF;
	s2 =	simm.s32 @!p0 $0x1C02  }
0x29: {  	[timem:s3], [sflag:s2] =	dma.local @!p0 [hbm:s0], s1  }
0x2a: {  	s0 =	simm.s32 @!p0 $0x2  }
0x2b: {  	_ =	swait.ge @!p0 [sflag:s0], s1  }
0x2c: {  	s1 =	ssub.s32 @!p0 $0x0, s1;
	[sflag:s0] =	ssyncset.done @!p0 $0x0  }
0x2d: {  	[sflag:s0] =	ssyncadd.s32 @!p0 s1  }
0x2e: {  	[bflag:$0x3] =	sbarrier.arrive $0xFFFF  }
0x2f: {  	_ =	shalt  }

</sc_bundles>
